<compile_context>
chip_gen: v7x
topology: tpu7x:2x2x1
jax: 0.10.2.dev20260603
libtpu: 0.0.44.dev20260713+nightly
codegen_flags: <defaults>
</compile_context>

<pallas_src>
import functools

import jax
import jax.numpy as jnp
from jax import lax
from jax.experimental import pallas as pl
from jax.experimental.pallas import tpu as pltpu
from jax.experimental.pallas import tpu_sc as plsc

E = 8
D = 768
F = 768
S = 768
T = 2048

BLK = 512
G_MOE = 16
P_MOE = G_MOE * BLK

NC, NS = 2, 16
NW = NC * NS
CHUNK = T // NW
SUB = 16
LANES = 16
GW = 128



def _router_body(logits_ref, pos0_ref, pos1_ref, g0_ref, g1_ref,
                 dma_ref, act_ref):
    logits = logits_ref[...]
    col = lax.broadcasted_iota(jnp.int32, (T, E), 1)
    l0 = jnp.max(logits, axis=1, keepdims=True)
    i0 = jnp.min(jnp.where(logits == l0, col, E), axis=1, keepdims=True)
    masked = jnp.where(col == i0, -jnp.inf, logits)
    l1 = jnp.max(masked, axis=1, keepdims=True)
    i1 = jnp.min(jnp.where(masked == l1, col, E), axis=1, keepdims=True)
    ed = jnp.exp(l1 - l0)
    g0 = 1.0 / (1.0 + ed)
    g1 = ed / (1.0 + ed)
    g0_ref[...] = jnp.broadcast_to(g0, (T, GW))
    g1_ref[...] = jnp.broadcast_to(g1, (T, GW))

    m = ((col == i0) | (col == i1)).astype(jnp.float32)
    c = m
    sh = 1
    while sh < T:
        c = c + jnp.concatenate(
            [jnp.zeros((sh, E), jnp.float32), c[: T - sh]], axis=0)
        sh *= 2
    counts = c[T - 1: T, :]
    padded = jnp.ceil(counts * (1.0 / BLK)) * BLK
    off = padded
    sh = 1
    while sh < E:
        off = off + jnp.concatenate(
            [jnp.zeros((1, sh), jnp.float32), off[:, : E - sh]], axis=1)
        sh *= 2
    off = off - padded

    pos = off + c - 1.0
    pos0 = jnp.sum(jnp.where(col == i0, pos, 0.0), axis=1, keepdims=True)
    pos1 = jnp.sum(jnp.where(col == i1, pos, 0.0), axis=1, keepdims=True)
    pos0_ref[...] = pos0.astype(jnp.int32).reshape(16, 128)
    pos1_ref[...] = pos1.astype(jnp.int32).reshape(16, 128)

    nbb = off * (1.0 / BLK)
    used = jnp.sum(padded) * (1.0 / BLK)
    e_last = jnp.max(jnp.where(counts > 0.0,
                               col[:1, :].astype(jnp.float32), 0.0))
    gidx = lax.broadcasted_iota(jnp.int32, (G_MOE, E), 0).astype(jnp.float32)
    nbb_b = jnp.broadcast_to(nbb, (G_MOE, E))
    exp_g = jnp.sum((nbb_b <= gidx).astype(jnp.float32), axis=1,
                    keepdims=True) - 1.0
    gcol = lax.broadcasted_iota(jnp.int32, (G_MOE, 1), 0).astype(jnp.float32)
    active = gcol < used
    dma_ref[...] = jnp.where(active, exp_g, e_last).astype(jnp.int32)
    act_ref[...] = active.astype(jnp.int32)


def _router_call(logits):
    return pl.pallas_call(
        _router_body,
        out_shape=(
            jax.ShapeDtypeStruct((16, 128), jnp.int32),
            jax.ShapeDtypeStruct((16, 128), jnp.int32),
            jax.ShapeDtypeStruct((T, GW), jnp.float32),
            jax.ShapeDtypeStruct((T, GW), jnp.float32),
            jax.ShapeDtypeStruct((G_MOE, 1), jnp.int32),
            jax.ShapeDtypeStruct((G_MOE, 1), jnp.int32),
        ),
    )(logits)



@functools.cache
def _make_scatter():
    mesh = plsc.VectorSubcoreMesh(core_axis_name="c", subcore_axis_name="s")

    @functools.partial(
        pl.kernel,
        out_type=(
            jax.ShapeDtypeStruct((P_MOE, D), jnp.float32),
            jax.ShapeDtypeStruct((P_MOE, GW), jnp.float32),
        ),
        mesh=mesh,
        scratch_types=[
            pltpu.VMEM((CHUNK,), jnp.int32),
            pltpu.VMEM((CHUNK,), jnp.int32),
            pltpu.VMEM((CHUNK, D), jnp.float32),
            pltpu.VMEM((CHUNK, GW), jnp.float32),
            pltpu.VMEM((CHUNK, GW), jnp.float32),
            pltpu.SemaphoreType.DMA,
        ],
    )
    def scatter_k(x_hbm, pos0_hbm, pos1_hbm, g0_hbm, g1_hbm, xs_hbm, gs_hbm,
                  idx0_v, idx1_v, rows_v, gr0_v, gr1_v, sem):
        wid = lax.axis_index("s") * NC + lax.axis_index("c")
        base = wid * CHUNK
        pltpu.sync_copy(x_hbm.at[pl.ds(base, CHUNK)], rows_v)
        pltpu.sync_copy(pos0_hbm.at[pl.ds(base, CHUNK)], idx0_v)
        pltpu.sync_copy(pos1_hbm.at[pl.ds(base, CHUNK)], idx1_v)
        pltpu.sync_copy(g0_hbm.at[pl.ds(base, CHUNK)], gr0_v)
        pltpu.sync_copy(g1_hbm.at[pl.ds(base, CHUNK)], gr1_v)
        c0 = pltpu.async_copy(rows_v, xs_hbm.at[idx0_v], sem)
        c1 = pltpu.async_copy(rows_v, xs_hbm.at[idx1_v], sem)
        c2 = pltpu.async_copy(gr0_v, gs_hbm.at[idx0_v], sem)
        c3 = pltpu.async_copy(gr1_v, gs_hbm.at[idx1_v], sem)
        c0.wait()
        c1.wait()
        c2.wait()
        c3.wait()

    return scatter_k



def _gemm_body(dma_ref, act_ref, xs_ref, gs_ref, wgu_ref, wd_ref, y_ref,
               wgu_bf, wd_bf):
    g = pl.program_id(0)
    prev = dma_ref[jnp.maximum(g - 1, 0), 0]
    changed = jnp.logical_or(g == 0, dma_ref[g, 0] != prev)

    @pl.when(changed)
    def _():
        wgu_bf[...] = wgu_ref[0].astype(jnp.bfloat16)
        wd_bf[...] = wd_ref[0].astype(jnp.bfloat16)

    @pl.when(act_ref[g, 0] > 0)
    def _():
        x = xs_ref[...].astype(jnp.bfloat16)
        h = jnp.dot(x, wgu_bf[...], preferred_element_type=jnp.float32)
        gate = h[:, :F]
        up = h[:, F:]
        act = (gate * (1.0 / (1.0 + jnp.exp(-gate))) * up).astype(jnp.bfloat16)
        y = jnp.dot(act, wd_bf[...], preferred_element_type=jnp.float32)
        y_ref[...] = y * gs_ref[:, :1]


def _gemm_call(dma, act, xs, gs, w_gate_up, w_down):
    grid_spec = pltpu.PrefetchScalarGridSpec(
        num_scalar_prefetch=2,
        grid=(G_MOE,),
        in_specs=[
            pl.BlockSpec((BLK, D), lambda g, dma, act: (g, 0)),
            pl.BlockSpec((BLK, GW), lambda g, dma, act: (g, 0)),
            pl.BlockSpec((1, D, 2 * F),
                         lambda g, dma, act: (dma[g, 0], 0, 0)),
            pl.BlockSpec((1, F, D), lambda g, dma, act: (dma[g, 0], 0, 0)),
        ],
        out_specs=pl.BlockSpec((BLK, D), lambda g, dma, act: (g, 0)),
        scratch_shapes=[
            pltpu.VMEM((D, 2 * F), jnp.bfloat16),
            pltpu.VMEM((F, D), jnp.bfloat16),
        ],
    )
    return pl.pallas_call(
        _gemm_body,
        grid_spec=grid_spec,
        out_shape=jax.ShapeDtypeStruct((P_MOE, D), jnp.float32),
    )(dma, act, xs, gs, w_gate_up, w_down)



def _shared_body(x_ref, wgu_ref, wd_ref, y_ref, wgu_bf, wd_bf):
    @pl.when(pl.program_id(0) == 0)
    def _():
        wgu_bf[...] = wgu_ref[...].astype(jnp.bfloat16)
        wd_bf[...] = wd_ref[...].astype(jnp.bfloat16)

    x = x_ref[...].astype(jnp.bfloat16)
    h = jnp.dot(x, wgu_bf[...], preferred_element_type=jnp.float32)
    gate = h[:, :S]
    up = h[:, S:]
    act = (gate * (1.0 / (1.0 + jnp.exp(-gate))) * up).astype(jnp.bfloat16)
    y_ref[...] = jnp.dot(act, wd_bf[...], preferred_element_type=jnp.float32)


def _shared_call(x, ws_gate_up, ws_down):
    return pl.pallas_call(
        _shared_body,
        grid=(T // BLK,),
        in_specs=[
            pl.BlockSpec((BLK, D), lambda i: (i, 0)),
            pl.BlockSpec((D, 2 * S), lambda i: (0, 0)),
            pl.BlockSpec((S, D), lambda i: (0, 0)),
        ],
        out_specs=pl.BlockSpec((BLK, D), lambda i: (i, 0)),
        out_shape=jax.ShapeDtypeStruct((T, D), jnp.float32),
        scratch_shapes=[
            pltpu.VMEM((D, 2 * S), jnp.bfloat16),
            pltpu.VMEM((S, D), jnp.bfloat16),
        ],
    )(x, ws_gate_up, ws_down)



@functools.cache
def _make_combine():
    mesh = plsc.VectorSubcoreMesh(core_axis_name="c", subcore_axis_name="s")
    n_sub = CHUNK // SUB
    n_col = D // LANES

    @functools.partial(
        pl.kernel,
        out_type=jax.ShapeDtypeStruct((T, D), jnp.float32),
        mesh=mesh,
        scratch_types=[
            [pltpu.VMEM((SUB,), jnp.int32) for _ in range(2)],
            [pltpu.VMEM((SUB,), jnp.int32) for _ in range(2)],
            [pltpu.VMEM((SUB, D), jnp.float32) for _ in range(2)],
            [pltpu.VMEM((SUB, D), jnp.float32) for _ in range(2)],
            [pltpu.VMEM((SUB, D), jnp.float32) for _ in range(2)],
            [pltpu.SemaphoreType.DMA for _ in range(2)],
        ],
    )
    def combine_k(y_hbm, sh_hbm, pos0_hbm, pos1_hbm,
                  out_hbm, idx0_v, idx1_v, r0_v, r1_v, acc_v, sems):
        wid = lax.axis_index("s") * NC + lax.axis_index("c")
        pending = [None, None]

        def start(slot, s):
            base = wid * CHUNK + s * SUB
            pltpu.sync_copy(pos0_hbm.at[pl.ds(base, SUB)], idx0_v[slot])
            pltpu.sync_copy(pos1_hbm.at[pl.ds(base, SUB)], idx1_v[slot])
            c0 = pltpu.async_copy(y_hbm.at[idx0_v[slot]], r0_v[slot],
                                  sems[slot])
            c1 = pltpu.async_copy(y_hbm.at[idx1_v[slot]], r1_v[slot],
                                  sems[slot])
            c2 = pltpu.async_copy(sh_hbm.at[pl.ds(base, SUB)], acc_v[slot],
                                  sems[slot])
            pending[slot] = (c0, c1, c2)

        start(0, 0)
        for s in range(n_sub):
            slot = s % 2
            if s + 1 < n_sub:
                start(1 - slot, s + 1)
            for c in pending[slot]:
                c.wait()
            acc = acc_v[slot]
            r0 = r0_v[slot]
            r1 = r1_v[slot]

            def row_body(r, _):
                def col_body(cc, _):
                    sl = pl.ds(cc * LANES, LANES)
                    plsc.addupdate(acc.at[r, sl], r0[r, sl] + r1[r, sl])
                    return 0

                lax.fori_loop(0, n_col, col_body, 0, unroll=8)
                return 0

            lax.fori_loop(0, SUB, row_body, 0)
            base = wid * CHUNK + s * SUB
            pltpu.sync_copy(acc, out_hbm.at[pl.ds(base, SUB)])

    return combine_k



def kernel(hidden_states, router_w, w_gate_up, w_down, ws_gate_up, ws_down):
    x = hidden_states
    logits = x @ router_w.T
    pos0, pos1, g0, g1, dma, act = _router_call(logits)
    pos0 = pos0.reshape(T)
    pos1 = pos1.reshape(T)

    xs, gs = _make_scatter()(x, pos0, pos1, g0, g1)
    sh = _shared_call(x, ws_gate_up, ws_down)
    y = _gemm_call(dma, act, xs, gs, w_gate_up, w_down)
    out = _make_combine()(y, sh, pos0, pos1)
    return out

# --- scband reference (transcript-rebuilt; emitter-appended) ---
"""Pipeline reference for scband-granite-moe-hybrid-for-causal-lm-40724879901182 (READ-ONLY COPY).

The authoritative reference and input builder live on the scoring server;
editing this copy changes nothing except your own understanding.
"""

import jax, jax.numpy as jnp
import numpy as np

E = 8      # num_experts
K = 2      # top_k
D = 768    # hidden_size
F = 768    # expert intermediate_size
S = 768    # shared_intermediate_size
T = 2048   # tokens (batch=1 * seq_len=2048)


def setup_inputs(seed: int = 0) -> dict:
    key = jax.random.key(seed)
    ks = jax.random.split(key, 6)
    return {
        "hidden_states": jax.random.normal(ks[0], (T, D), dtype=jnp.float32),
        "router_w": jax.random.normal(ks[1], (E, D), dtype=jnp.float32) * 0.02,
        "w_gate_up": jax.random.normal(ks[2], (E, D, 2 * F), dtype=jnp.float32) * 0.02,
        "w_down": jax.random.normal(ks[3], (E, F, D), dtype=jnp.float32) * 0.02,
        "ws_gate_up": jax.random.normal(ks[4], (D, 2 * S), dtype=jnp.float32) * 0.02,
        "ws_down": jax.random.normal(ks[5], (S, D), dtype=jnp.float32) * 0.02,
    }


def _moe(x, router_w, w_gate_up, w_down):
    # GraniteMoeMoE: router linear -> top-k -> softmax over top-k logits
    logits = x @ router_w.T                               # [T, E]
    top_vals, top_idx = jax.lax.top_k(logits, K)          # [T, K]
    gates = jax.nn.softmax(top_vals, axis=-1)             # [T, K]
    # scatter gate weights into dense [T, E] routing matrix (zero => token not dispatched)
    route = jnp.zeros((x.shape[0], E), dtype=x.dtype)
    route = route.at[jnp.arange(x.shape[0])[:, None], top_idx].add(gates)
    # expert FFN with SiluAndMul (dense dispatch; zero-gated paths contribute 0, same math)
    h = jnp.einsum('td,edf->tef', x, w_gate_up)           # [T, E, 2F]
    gate, up = jnp.split(h, 2, axis=-1)
    act = jax.nn.silu(gate) * up                          # [T, E, F]
    expert_out = jnp.einsum('tef,efd->ted', act, w_down)  # [T, E, D]
    return jnp.einsum('ted,te->td', expert_out, route)    # combine


def _shared_mlp(x, ws_gate_up, ws_down):
    h = x @ ws_gate_up
    g, u = jnp.split(h, 2, axis=-1)
    return (jax.nn.silu(g) * u) @ ws_down


def reference(hidden_states, router_w, w_gate_up, w_down, ws_gate_up, ws_down):
    moe_out = _moe(hidden_states, router_w, w_gate_up, w_down)
    shared_out = _shared_mlp(hidden_states, ws_gate_up, ws_down)
    # GraniteMoeHybrid layer: hidden = moe(hidden) + shared_mlp(hidden)
    return moe_out + shared_out

if __name__ == "__main__":
    import jax
    _d = setup_inputs()
    print(jax.jit(kernel)(*tuple(_d.values())))

</pallas_src>

<mosaic_0001>
#map = affine_map<(d0, d1) -> (0, 0)>
#map1 = affine_map<(d0, d1) -> (0)>
module attributes {stable_mosaic.version = 14 : i64} {
  func.func @combine_k(%arg0: i32, %arg1: i32, %arg2: memref<8192x768xf32, #tpu.memory_space<hbm>>, %arg3: memref<2048x768xf32, #tpu.memory_space<hbm>>, %arg4: memref<2048xi32, #tpu.memory_space<hbm>>, %arg5: memref<2048xi32, #tpu.memory_space<hbm>>, %arg6: memref<2048x768xf32, #tpu.memory_space<hbm>>, %arg7: memref<16xi32, #tpu.memory_space<vmem>>, %arg8: memref<16xi32, #tpu.memory_space<vmem>>, %arg9: memref<16xi32, #tpu.memory_space<vmem>>, %arg10: memref<16xi32, #tpu.memory_space<vmem>>, %arg11: memref<16x768xf32, #tpu.memory_space<vmem>>, %arg12: memref<16x768xf32, #tpu.memory_space<vmem>>, %arg13: memref<16x768xf32, #tpu.memory_space<vmem>>, %arg14: memref<16x768xf32, #tpu.memory_space<vmem>>, %arg15: memref<16x768xf32, #tpu.memory_space<vmem>>, %arg16: memref<16x768xf32, #tpu.memory_space<vmem>>, %arg17: memref<!tpu.dma_semaphore, #tpu.memory_space<semaphore_mem>>, %arg18: memref<!tpu.dma_semaphore, #tpu.memory_space<semaphore_mem>>) attributes {dimension_semantics = [#tpu.dimension_semantics<core_parallel>, #tpu.dimension_semantics<subcore_parallel>], iteration_bounds = array<i64: 2, 16>, scalar_prefetch = 0 : i64, scratch_operands = 12 : i64, tpu.core_type = #tpu.core_type<sc_vector_subcore>, window_params = [{transform_indices = #map}, {transform_indices = #map}, {transform_indices = #map1}, {transform_indices = #map1}, {transform_indices = #map}]} {
    %mul3A = arith.constant 2 : i32
    %mul3A_0 = arith.muli %arg1, %mul3A : i32
    %add3A = arith.addi %mul3A_0, %arg0 : i32
    %mul3A_1 = arith.constant 64 : i32
    %mul3A_2 = arith.muli %add3A, %mul3A_1 : i32
    %add3A_3 = arith.constant 0 : i32
    %add3A_4 = arith.addi %mul3A_2, %add3A_3 : i32
    "tpu.region"() ({
      %run_scoped3A = tpu.sem_alloc : memref<!tpu.dma_semaphore, #tpu.memory_space<semaphore_mem>>
      %dma_start3A_138 = tpu.memref_slice %arg4[%add3A_4] : memref<2048xi32, #tpu.memory_space<hbm>> -> memref<16xi32, #tpu.memory_space<hbm>>
      %dma_start3A_139 = tpu.memref_slice %arg4[%add3A_4] : memref<2048xi32, #tpu.memory_space<hbm>> -> memref<16xi32, #tpu.memory_space<hbm>>
      tpu.enqueue_dma source(%dma_start3A_139 : memref<16xi32, #tpu.memory_space<hbm>>) target(%arg7 : memref<16xi32, #tpu.memory_space<vmem>>) target_semaphore(%run_scoped3A : memref<!tpu.dma_semaphore, #tpu.memory_space<semaphore_mem>>)
      %dma_wait3A_140 = tpu.memref_slice %arg4[%add3A_4] : memref<2048xi32, #tpu.memory_space<hbm>> -> memref<16xi32, #tpu.memory_space<hbm>>
      %dma_wait3A_141 = tpu.memref_slice %arg4[%add3A_4] : memref<2048xi32, #tpu.memory_space<hbm>> -> memref<16xi32, #tpu.memory_space<hbm>>
      tpu.wait_dma2 semaphore(%run_scoped3A : memref<!tpu.dma_semaphore, #tpu.memory_space<semaphore_mem>>) src(%dma_wait3A_141 : memref<16xi32, #tpu.memory_space<hbm>>) dst(%arg7 : memref<16xi32, #tpu.memory_space<vmem>>)
      tpu.yield
    }) : () -> ()
    "tpu.region"() ({
      %run_scoped3A = tpu.sem_alloc : memref<!tpu.dma_semaphore, #tpu.memory_space<semaphore_mem>>
      %dma_start3A_138 = tpu.memref_slice %arg5[%add3A_4] : memref<2048xi32, #tpu.memory_space<hbm>> -> memref<16xi32, #tpu.memory_space<hbm>>
      %dma_start3A_139 = tpu.memref_slice %arg5[%add3A_4] : memref<2048xi32, #tpu.memory_space<hbm>> -> memref<16xi32, #tpu.memory_space<hbm>>
      tpu.enqueue_dma source(%dma_start3A_139 : memref<16xi32, #tpu.memory_space<hbm>>) target(%arg9 : memref<16xi32, #tpu.memory_space<vmem>>) target_semaphore(%run_scoped3A : memref<!tpu.dma_semaphore, #tpu.memory_space<semaphore_mem>>)
      %dma_wait3A_140 = tpu.memref_slice %arg5[%add3A_4] : memref<2048xi32, #tpu.memory_space<hbm>> -> memref<16xi32, #tpu.memory_space<hbm>>
      %dma_wait3A_141 = tpu.memref_slice %arg5[%add3A_4] : memref<2048xi32, #tpu.memory_space<hbm>> -> memref<16xi32, #tpu.memory_space<hbm>>
      tpu.wait_dma2 semaphore(%run_scoped3A : memref<!tpu.dma_semaphore, #tpu.memory_space<semaphore_mem>>) src(%dma_wait3A_141 : memref<16xi32, #tpu.memory_space<hbm>>) dst(%arg9 : memref<16xi32, #tpu.memory_space<vmem>>)
      tpu.yield
    }) : () -> ()
    %dma_start3A = arith.constant 0 : i32
    %dma_start3A_5 = arith.constant 0 : i32
    %dma_start3A_6 = tpu.memref_slice %arg2[%dma_start3A, %dma_start3A_5] : memref<8192x768xf32, #tpu.memory_space<hbm>> -> memref<8192x768xf32, #tpu.memory_space<hbm>>
    tpu.enqueue_indirect_dma source(%dma_start3A_6 : memref<8192x768xf32, #tpu.memory_space<hbm>>) target(%arg11 : memref<16x768xf32, #tpu.memory_space<vmem>>) offsets(%arg7 : memref<16xi32, #tpu.memory_space<vmem>>) semaphore(%arg17 : memref<!tpu.dma_semaphore, #tpu.memory_space<semaphore_mem>>)
    %dma_start3A_7 = arith.constant 0 : i32
    %dma_start3A_8 = arith.constant 0 : i32
    %dma_start3A_9 = tpu.memref_slice %arg2[%dma_start3A_7, %dma_start3A_8] : memref<8192x768xf32, #tpu.memory_space<hbm>> -> memref<8192x768xf32, #tpu.memory_space<hbm>>
    tpu.enqueue_indirect_dma source(%dma_start3A_9 : memref<8192x768xf32, #tpu.memory_space<hbm>>) target(%arg13 : memref<16x768xf32, #tpu.memory_space<vmem>>) offsets(%arg9 : memref<16xi32, #tpu.memory_space<vmem>>) semaphore(%arg17 : memref<!tpu.dma_semaphore, #tpu.memory_space<semaphore_mem>>)
    %dma_start3A_10 = arith.constant 0 : i32
    %dma_start3A_11 = tpu.memref_slice %arg3[%add3A_4, %dma_start3A_10] : memref<2048x768xf32, #tpu.memory_space<hbm>> -> memref<16x768xf32, #tpu.memory_space<hbm>>
    %dma_start3A_12 = arith.constant 0 : i32
    %dma_start3A_13 = tpu.memref_slice %arg3[%add3A_4, %dma_start3A_12] : memref<2048x768xf32, #tpu.memory_space<hbm>> -> memref<16x768xf32, #tpu.memory_space<hbm>>
    tpu.enqueue_dma source(%dma_start3A_13 : memref<16x768xf32, #tpu.memory_space<hbm>>) target(%arg15 : memref<16x768xf32, #tpu.memory_space<vmem>>) target_semaphore(%arg17 : memref<!tpu.dma_semaphore, #tpu.memory_space<semaphore_mem>>)
    %mul3A_14 = arith.constant 64 : i32
    %mul3A_15 = arith.muli %add3A, %mul3A_14 : i32
    %add3A_16 = arith.constant 16 : i32
    %add3A_17 = arith.addi %mul3A_15, %add3A_16 : i32
    "tpu.region"() ({
      %run_scoped3A = tpu.sem_alloc : memref<!tpu.dma_semaphore, #tpu.memory_space<semaphore_mem>>
      %dma_start3A_138 = tpu.memref_slice %arg4[%add3A_17] : memref<2048xi32, #tpu.memory_space<hbm>> -> memref<16xi32, #tpu.memory_space<hbm>>
      %dma_start3A_139 = tpu.memref_slice %arg4[%add3A_17] : memref<2048xi32, #tpu.memory_space<hbm>> -> memref<16xi32, #tpu.memory_space<hbm>>
      tpu.enqueue_dma source(%dma_start3A_139 : memref<16xi32, #tpu.memory_space<hbm>>) target(%arg8 : memref<16xi32, #tpu.memory_space<vmem>>) target_semaphore(%run_scoped3A : memref<!tpu.dma_semaphore, #tpu.memory_space<semaphore_mem>>)
      %dma_wait3A_140 = tpu.memref_slice %arg4[%add3A_17] : memref<2048xi32, #tpu.memory_space<hbm>> -> memref<16xi32, #tpu.memory_space<hbm>>
      %dma_wait3A_141 = tpu.memref_slice %arg4[%add3A_17] : memref<2048xi32, #tpu.memory_space<hbm>> -> memref<16xi32, #tpu.memory_space<hbm>>
      tpu.wait_dma2 semaphore(%run_scoped3A : memref<!tpu.dma_semaphore, #tpu.memory_space<semaphore_mem>>) src(%dma_wait3A_141 : memref<16xi32, #tpu.memory_space<hbm>>) dst(%arg8 : memref<16xi32, #tpu.memory_space<vmem>>)
      tpu.yield
    }) : () -> ()
    "tpu.region"() ({
      %run_scoped3A = tpu.sem_alloc : memref<!tpu.dma_semaphore, #tpu.memory_space<semaphore_mem>>
      %dma_start3A_138 = tpu.memref_slice %arg5[%add3A_17] : memref<2048xi32, #tpu.memory_space<hbm>> -> memref<16xi32, #tpu.memory_space<hbm>>
      %dma_start3A_139 = tpu.memref_slice %arg5[%add3A_17] : memref<2048xi32, #tpu.memory_space<hbm>> -> memref<16xi32, #tpu.memory_space<hbm>>
      tpu.enqueue_dma source(%dma_start3A_139 : memref<16xi32, #tpu.memory_space<hbm>>) target(%arg10 : memref<16xi32, #tpu.memory_space<vmem>>) target_semaphore(%run_scoped3A : memref<!tpu.dma_semaphore, #tpu.memory_space<semaphore_mem>>)
      %dma_wait3A_140 = tpu.memref_slice %arg5[%add3A_17] : memref<2048xi32, #tpu.memory_space<hbm>> -> memref<16xi32, #tpu.memory_space<hbm>>
      %dma_wait3A_141 = tpu.memref_slice %arg5[%add3A_17] : memref<2048xi32, #tpu.memory_space<hbm>> -> memref<16xi32, #tpu.memory_space<hbm>>
      tpu.wait_dma2 semaphore(%run_scoped3A : memref<!tpu.dma_semaphore, #tpu.memory_space<semaphore_mem>>) src(%dma_wait3A_141 : memref<16xi32, #tpu.memory_space<hbm>>) dst(%arg10 : memref<16xi32, #tpu.memory_space<vmem>>)
      tpu.yield
    }) : () -> ()
    %dma_start3A_18 = arith.constant 0 : i32
    %dma_start3A_19 = arith.constant 0 : i32
    %dma_start3A_20 = tpu.memref_slice %arg2[%dma_start3A_18, %dma_start3A_19] : memref<8192x768xf32, #tpu.memory_space<hbm>> -> memref<8192x768xf32, #tpu.memory_space<hbm>>
    tpu.enqueue_indirect_dma source(%dma_start3A_20 : memref<8192x768xf32, #tpu.memory_space<hbm>>) target(%arg12 : memref<16x768xf32, #tpu.memory_space<vmem>>) offsets(%arg8 : memref<16xi32, #tpu.memory_space<vmem>>) semaphore(%arg18 : memref<!tpu.dma_semaphore, #tpu.memory_space<semaphore_mem>>)
    %dma_start3A_21 = arith.constant 0 : i32
    %dma_start3A_22 = arith.constant 0 : i32
    %dma_start3A_23 = tpu.memref_slice %arg2[%dma_start3A_21, %dma_start3A_22] : memref<8192x768xf32, #tpu.memory_space<hbm>> -> memref<8192x768xf32, #tpu.memory_space<hbm>>
    tpu.enqueue_indirect_dma source(%dma_start3A_23 : memref<8192x768xf32, #tpu.memory_space<hbm>>) target(%arg14 : memref<16x768xf32, #tpu.memory_space<vmem>>) offsets(%arg10 : memref<16xi32, #tpu.memory_space<vmem>>) semaphore(%arg18 : memref<!tpu.dma_semaphore, #tpu.memory_space<semaphore_mem>>)
    %dma_start3A_24 = arith.constant 0 : i32
    %dma_start3A_25 = tpu.memref_slice %arg3[%add3A_17, %dma_start3A_24] : memref<2048x768xf32, #tpu.memory_space<hbm>> -> memref<16x768xf32, #tpu.memory_space<hbm>>
    %dma_start3A_26 = arith.constant 0 : i32
    %dma_start3A_27 = tpu.memref_slice %arg3[%add3A_17, %dma_start3A_26] : memref<2048x768xf32, #tpu.memory_space<hbm>> -> memref<16x768xf32, #tpu.memory_space<hbm>>
    tpu.enqueue_dma source(%dma_start3A_27 : memref<16x768xf32, #tpu.memory_space<hbm>>) target(%arg16 : memref<16x768xf32, #tpu.memory_space<vmem>>) target_semaphore(%arg18 : memref<!tpu.dma_semaphore, #tpu.memory_space<semaphore_mem>>)
    %dma_wait3A = arith.constant 0 : i32
    %dma_wait3A_28 = arith.constant 0 : i32
    %dma_wait3A_29 = tpu.memref_slice %arg2[%dma_wait3A, %dma_wait3A_28] : memref<8192x768xf32, #tpu.memory_space<hbm>> -> memref<8192x768xf32, #tpu.memory_space<hbm>>
    tpu.wait_indirect_dma semaphore(%arg17 : memref<!tpu.dma_semaphore, #tpu.memory_space<semaphore_mem>>) src(%dma_wait3A_29 : memref<8192x768xf32, #tpu.memory_space<hbm>>) dst(%arg11 : memref<16x768xf32, #tpu.memory_space<vmem>>)
    %dma_wait3A_30 = arith.constant 0 : i32
    %dma_wait3A_31 = arith.constant 0 : i32
    %dma_wait3A_32 = tpu.memref_slice %arg2[%dma_wait3A_30, %dma_wait3A_31] : memref<8192x768xf32, #tpu.memory_space<hbm>> -> memref<8192x768xf32, #tpu.memory_space<hbm>>
    tpu.wait_indirect_dma semaphore(%arg17 : memref<!tpu.dma_semaphore, #tpu.memory_space<semaphore_mem>>) src(%dma_wait3A_32 : memref<8192x768xf32, #tpu.memory_space<hbm>>) dst(%arg13 : memref<16x768xf32, #tpu.memory_space<vmem>>)
    %dma_wait3A_33 = arith.constant 0 : i32
    %dma_wait3A_34 = tpu.memref_slice %arg3[%add3A_4, %dma_wait3A_33] : memref<2048x768xf32, #tpu.memory_space<hbm>> -> memref<16x768xf32, #tpu.memory_space<hbm>>
    %dma_wait3A_35 = arith.constant 0 : i32
    %dma_wait3A_36 = tpu.memref_slice %arg3[%add3A_4, %dma_wait3A_35] : memref<2048x768xf32, #tpu.memory_space<hbm>> -> memref<16x768xf32, #tpu.memory_space<hbm>>
    tpu.wait_dma2 semaphore(%arg17 : memref<!tpu.dma_semaphore, #tpu.memory_space<semaphore_mem>>) src(%dma_wait3A_36 : memref<16x768xf32, #tpu.memory_space<hbm>>) dst(%arg15 : memref<16x768xf32, #tpu.memory_space<vmem>>)
    %scan3A = arith.constant 0 : i32
    %scan3A_37 = arith.constant 0 : i32
    %scan3A_38 = arith.constant 16 : i32
    %scan3A_39 = arith.addi %scan3A_37, %scan3A_38 : i32
    %scan3A_40 = arith.constant 1 : i32
    %scan3A_41 = scf.for %scan3A_138 = %scan3A_37 to %scan3A_39 step %scan3A_40 iter_args(%scan3A_139 = %scan3A) -> (i32)  : i32 {
      %scan3A_140 = arith.constant 0 : i32
      %scan3A_141 = arith.constant 0 : i32
      %scan3A_142 = arith.constant 48 : i32
      %scan3A_143 = arith.addi %scan3A_141, %scan3A_142 : i32
      %scan3A_144 = arith.constant 8 : i32
      %scan3A_145 = scf.for %scan3A_148 = %scan3A_141 to %scan3A_143 step %scan3A_144 iter_args(%scan3A_149 = %scan3A_140) -> (i32)  : i32 {
        %mul3A_150 = arith.constant 16 : i32
        %mul3A_151 = arith.muli %scan3A_148, %mul3A_150 : i32
        %get3A = arith.index_cast %scan3A_138 : i32 to index
        %get3A_152 = arith.index_cast %mul3A_151 : i32 to index
        %get3A_153 = tpu.vector_load %arg11[%get3A, %get3A_152] {strides = array<i32>} : memref<16x768xf32, #tpu.memory_space<vmem>>, vector<1x16xf32>,
        %get3A_154 = vector.shape_cast %get3A_153 : vector<1x16xf32> to vector<16xf32>
        %get3A_155 = arith.index_cast %scan3A_138 : i32 to index
        %get3A_156 = arith.index_cast %mul3A_151 : i32 to index
        %get3A_157 = tpu.vector_load %arg13[%get3A_155, %get3A_156] {strides = array<i32>} : memref<16x768xf32, #tpu.memory_space<vmem>>, vector<1x16xf32>,
        %get3A_158 = vector.shape_cast %get3A_157 : vector<1x16xf32> to vector<16xf32>
        %add3A_159 = arith.addf %get3A_154, %get3A_158 : vector<16xf32>
        %swap3A = arith.index_cast %scan3A_138 : i32 to index
        %swap3A_160 = arith.index_cast %mul3A_151 : i32 to index
        %swap3A_161 = tpu.vector_load %arg15[%swap3A, %swap3A_160] {strides = array<i32>} : memref<16x768xf32, #tpu.memory_space<vmem>>, vector<1x16xf32>,
        %swap3A_162 = vector.shape_cast %swap3A_161 : vector<1x16xf32> to vector<16xf32>
        %swap3A_163 = vector.shape_cast %add3A_159 : vector<16xf32> to vector<1x16xf32>
        tpu.vector_store %arg15[%swap3A, %swap3A_160], %swap3A_163 {add = true, strides = array<i32>} : memref<16x768xf32, #tpu.memory_space<vmem>>, vector<1x16xf32>,
        %scan3A_164 = arith.constant 0 : i32
        %scan3A_165 = arith.constant 1 : i32
        %scan3A_166 = arith.addi %scan3A_148, %scan3A_165 : i32
        %mul3A_167 = arith.constant 16 : i32
        %mul3A_168 = arith.muli %scan3A_166, %mul3A_167 : i32
        %get3A_169 = arith.index_cast %scan3A_138 : i32 to index
        %get3A_170 = arith.index_cast %mul3A_168 : i32 to index
        %get3A_171 = tpu.vector_load %arg11[%get3A_169, %get3A_170] {strides = array<i32>} : memref<16x768xf32, #tpu.memory_space<vmem>>, vector<1x16xf32>,
        %get3A_172 = vector.shape_cast %get3A_171 : vector<1x16xf32> to vector<16xf32>
        %get3A_173 = arith.index_cast %scan3A_138 : i32 to index
        %get3A_174 = arith.index_cast %mul3A_168 : i32 to index
        %get3A_175 = tpu.vector_load %arg13[%get3A_173, %get3A_174] {strides = array<i32>} : memref<16x768xf32, #tpu.memory_space<vmem>>, vector<1x16xf32>,
        %get3A_176 = vector.shape_cast %get3A_175 : vector<1x16xf32> to vector<16xf32>
        %add3A_177 = arith.addf %get3A_172, %get3A_176 : vector<16xf32>
        %swap3A_178 = arith.index_cast %scan3A_138 : i32 to index
        %swap3A_179 = arith.index_cast %mul3A_168 : i32 to index
        %swap3A_180 = tpu.vector_load %arg15[%swap3A_178, %swap3A_179] {strides = array<i32>} : memref<16x768xf32, #tpu.memory_space<vmem>>, vector<1x16xf32>,
        %swap3A_181 = vector.shape_cast %swap3A_180 : vector<1x16xf32> to vector<16xf32>
        %swap3A_182 = vector.shape_cast %add3A_177 : vector<16xf32> to vector<1x16xf32>
        tpu.vector_store %arg15[%swap3A_178, %swap3A_179], %swap3A_182 {add = true, strides = array<i32>} : memref<16x768xf32, #tpu.memory_space<vmem>>, vector<1x16xf32>,
        %scan3A_183 = arith.constant 0 : i32
        %scan3A_184 = arith.constant 2 : i32
        %scan3A_185 = arith.addi %scan3A_148, %scan3A_184 : i32
        %mul3A_186 = arith.constant 16 : i32
        %mul3A_187 = arith.muli %scan3A_185, %mul3A_186 : i32
        %get3A_188 = arith.index_cast %scan3A_138 : i32 to index
        %get3A_189 = arith.index_cast %mul3A_187 : i32 to index
        %get3A_190 = tpu.vector_load %arg11[%get3A_188, %get3A_189] {strides = array<i32>} : memref<16x768xf32, #tpu.memory_space<vmem>>, vector<1x16xf32>,
        %get3A_191 = vector.shape_cast %get3A_190 : vector<1x16xf32> to vector<16xf32>
        %get3A_192 = arith.index_cast %scan3A_138 : i32 to index
        %get3A_193 = arith.index_cast %mul3A_187 : i32 to index
        %get3A_194 = tpu.vector_load %arg13[%get3A_192, %get3A_193] {strides = array<i32>} : memref<16x768xf32, #tpu.memory_space<vmem>>, vector<1x16xf32>,
        %get3A_195 = vector.shape_cast %get3A_194 : vector<1x16xf32> to vector<16xf32>
        %add3A_196 = arith.addf %get3A_191, %get3A_195 : vector<16xf32>
        %swap3A_197 = arith.index_cast %scan3A_138 : i32 to index
        %swap3A_198 = arith.index_cast %mul3A_187 : i32 to index
        %swap3A_199 = tpu.vector_load %arg15[%swap3A_197, %swap3A_198] {strides = array<i32>} : memref<16x768xf32, #tpu.memory_space<vmem>>, vector<1x16xf32>,
        %swap3A_200 = vector.shape_cast %swap3A_199 : vector<1x16xf32> to vector<16xf32>
        %swap3A_201 = vector.shape_cast %add3A_196 : vector<16xf32> to vector<1x16xf32>
        tpu.vector_store %arg15[%swap3A_197, %swap3A_198], %swap3A_201 {add = true, strides = array<i32>} : memref<16x768xf32, #tpu.memory_space<vmem>>, vector<1x16xf32>,
        %scan3A_202 = arith.constant 0 : i32
        %scan3A_203 = arith.constant 3 : i32
        %scan3A_204 = arith.addi %scan3A_148, %scan3A_203 : i32
        %mul3A_205 = arith.constant 16 : i32
        %mul3A_206 = arith.muli %scan3A_204, %mul3A_205 : i32
        %get3A_207 = arith.index_cast %scan3A_138 : i32 to index
        %get3A_208 = arith.index_cast %mul3A_206 : i32 to index
        %get3A_209 = tpu.vector_load %arg11[%get3A_207, %get3A_208] {strides = array<i32>} : memref<16x768xf32, #tpu.memory_space<vmem>>, vector<1x16xf32>,
        %get3A_210 = vector.shape_cast %get3A_209 : vector<1x16xf32> to vector<16xf32>
        %get3A_211 = arith.index_cast %scan3A_138 : i32 to index
        %get3A_212 = arith.index_cast %mul3A_206 : i32 to index
        %get3A_213 = tpu.vector_load %arg13[%get3A_211, %get3A_212] {strides = array<i32>} : memref<16x768xf32, #tpu.memory_space<vmem>>, vector<1x16xf32>,
        %get3A_214 = vector.shape_cast %get3A_213 : vector<1x16xf32> to vector<16xf32>
        %add3A_215 = arith.addf %get3A_210, %get3A_214 : vector<16xf32>
        %swap3A_216 = arith.index_cast %scan3A_138 : i32 to index
        %swap3A_217 = arith.index_cast %mul3A_206 : i32 to index
        %swap3A_218 = tpu.vector_load %arg15[%swap3A_216, %swap3A_217] {strides = array<i32>} : memref<16x768xf32, #tpu.memory_space<vmem>>, vector<1x16xf32>,
        %swap3A_219 = vector.shape_cast %swap3A_218 : vector<1x16xf32> to vector<16xf32>
        %swap3A_220 = vector.shape_cast %add3A_215 : vector<16xf32> to vector<1x16xf32>
        tpu.vector_store %arg15[%swap3A_216, %swap3A_217], %swap3A_220 {add = true, strides = array<i32>} : memref<16x768xf32, #tpu.memory_space<vmem>>, vector<1x16xf32>,
        %scan3A_221 = arith.constant 0 : i32
        %scan3A_222 = arith.constant 4 : i32
        %scan3A_223 = arith.addi %scan3A_148, %scan3A_222 : i32
        %mul3A_224 = arith.constant 16 : i32
        %mul3A_225 = arith.muli %scan3A_223, %mul3A_224 : i32
        %get3A_226 = arith.index_cast %scan3A_138 : i32 to index
        %get3A_227 = arith.index_cast %mul3A_225 : i32 to index
        %get3A_228 = tpu.vector_load %arg11[%get3A_226, %get3A_227] {strides = array<i32>} : memref<16x768xf32, #tpu.memory_space<vmem>>, vector<1x16xf32>,
        %get3A_229 = vector.shape_cast %get3A_228 : vector<1x16xf32> to vector<16xf32>
        %get3A_230 = arith.index_cast %scan3A_138 : i32 to index
        %get3A_231 = arith.index_cast %mul3A_225 : i32 to index
        %get3A_232 = tpu.vector_load %arg13[%get3A_230, %get3A_231] {strides = array<i32>} : memref<16x768xf32, #tpu.memory_space<vmem>>, vector<1x16xf32>,
        %get3A_233 = vector.shape_cast %get3A_232 : vector<1x16xf32> to vector<16xf32>
        %add3A_234 = arith.addf %get3A_229, %get3A_233 : vector<16xf32>
        %swap3A_235 = arith.index_cast %scan3A_138 : i32 to index
        %swap3A_236 = arith.index_cast %mul3A_225 : i32 to index
        %swap3A_237 = tpu.vector_load %arg15[%swap3A_235, %swap3A_236] {strides = array<i32>} : memref<16x768xf32, #tpu.memory_space<vmem>>, vector<1x16xf32>,
        %swap3A_238 = vector.shape_cast %swap3A_237 : vector<1x16xf32> to vector<16xf32>
        %swap3A_239 = vector.shape_cast %add3A_234 : vector<16xf32> to vector<1x16xf32>
        tpu.vector_store %arg15[%swap3A_235, %swap3A_236], %swap3A_239 {add = true, strides = array<i32>} : memref<16x768xf32, #tpu.memory_space<vmem>>, vector<1x16xf32>,
        %scan3A_240 = arith.constant 0 : i32
        %scan3A_241 = arith.constant 5 : i32
        %scan3A_242 = arith.addi %scan3A_148, %scan3A_241 : i32
        %mul3A_243 = arith.constant 16 : i32
        %mul3A_244 = arith.muli %scan3A_242, %mul3A_243 : i32
        %get3A_245 = arith.index_cast %scan3A_138 : i32 to index
        %get3A_246 = arith.index_cast %mul3A_244 : i32 to index
        %get3A_247 = tpu.vector_load %arg11[%get3A_245, %get3A_246] {strides = array<i32>} : memref<16x768xf32, #tpu.memory_space<vmem>>, vector<1x16xf32>,
        %get3A_248 = vector.shape_cast %get3A_247 : vector<1x16xf32> to vector<16xf32>
        %get3A_249 = arith.index_cast %scan3A_138 : i32 to index
        %get3A_250 = arith.index_cast %mul3A_244 : i32 to index
        %get3A_251 = tpu.vector_load %arg13[%get3A_249, %get3A_250] {strides = array<i32>} : memref<16x768xf32, #tpu.memory_space<vmem>>, vector<1x16xf32>,
        %get3A_252 = vector.shape_cast %get3A_251 : vector<1x16xf32> to vector<16xf32>
        %add3A_253 = arith.addf %get3A_248, %get3A_252 : vector<16xf32>
        %swap3A_254 = arith.index_cast %scan3A_138 : i32 to index
        %swap3A_255 = arith.index_cast %mul3A_244 : i32 to index
        %swap3A_256 = tpu.vector_load %arg15[%swap3A_254, %swap3A_255] {strides = array<i32>} : memref<16x768xf32, #tpu.memory_space<vmem>>, vector<1x16xf32>,
        %swap3A_257 = vector.shape_cast %swap3A_256 : vector<1x16xf32> to vector<16xf32>
        %swap3A_258 = vector.shape_cast %add3A_253 : vector<16xf32> to vector<1x16xf32>
        tpu.vector_store %arg15[%swap3A_254, %swap3A_255], %swap3A_258 {add = true, strides = array<i32>} : memref<16x768xf32, #tpu.memory_space<vmem>>, vector<1x16xf32>,
        %scan3A_259 = arith.constant 0 : i32
        %scan3A_260 = arith.constant 6 : i32
        %scan3A_261 = arith.addi %scan3A_148, %scan3A_260 : i32
        %mul3A_262 = arith.constant 16 : i32
        %mul3A_263 = arith.muli %scan3A_261, %mul3A_262 : i32
        %get3A_264 = arith.index_cast %scan3A_138 : i32 to index
        %get3A_265 = arith.index_cast %mul3A_263 : i32 to index
        %get3A_266 = tpu.vector_load %arg11[%get3A_264, %get3A_265] {strides = array<i32>} : memref<16x768xf32, #tpu.memory_space<vmem>>, vector<1x16xf32>,
        %get3A_267 = vector.shape_cast %get3A_266 : vector<1x16xf32> to vector<16xf32>
        %get3A_268 = arith.index_cast %scan3A_138 : i32 to index
        %get3A_269 = arith.index_cast %mul3A_263 : i32 to index
        %get3A_270 = tpu.vector_load %arg13[%get3A_268, %get3A_269] {strides = array<i32>} : memref<16x768xf32, #tpu.memory_space<vmem>>, vector<1x16xf32>,
        %get3A_271 = vector.shape_cast %get3A_270 : vector<1x16xf32> to vector<16xf32>
        %add3A_272 = arith.addf %get3A_267, %get3A_271 : vector<16xf32>
        %swap3A_273 = arith.index_cast %scan3A_138 : i32 to index
        %swap3A_274 = arith.index_cast %mul3A_263 : i32 to index
        %swap3A_275 = tpu.vector_load %arg15[%swap3A_273, %swap3A_274] {strides = array<i32>} : memref<16x768xf32, #tpu.memory_space<vmem>>, vector<1x16xf32>,
        %swap3A_276 = vector.shape_cast %swap3A_275 : vector<1x16xf32> to vector<16xf32>
        %swap3A_277 = vector.shape_cast %add3A_272 : vector<16xf32> to vector<1x16xf32>
        tpu.vector_store %arg15[%swap3A_273, %swap3A_274], %swap3A_277 {add = true, strides = array<i32>} : memref<16x768xf32, #tpu.memory_space<vmem>>, vector<1x16xf32>,
        %scan3A_278 = arith.constant 0 : i32
        %scan3A_279 = arith.constant 7 : i32
        %scan3A_280 = arith.addi %scan3A_148, %scan3A_279 : i32
        %mul3A_281 = arith.constant 16 : i32
        %mul3A_282 = arith.muli %scan3A_280, %mul3A_281 : i32
        %get3A_283 = arith.index_cast %scan3A_138 : i32 to index
        %get3A_284 = arith.index_cast %mul3A_282 : i32 to index
        %get3A_285 = tpu.vector_load %arg11[%get3A_283, %get3A_284] {strides = array<i32>} : memref<16x768xf32, #tpu.memory_space<vmem>>, vector<1x16xf32>,
        %get3A_286 = vector.shape_cast %get3A_285 : vector<1x16xf32> to vector<16xf32>
        %get3A_287 = arith.index_cast %scan3A_138 : i32 to index
        %get3A_288 = arith.index_cast %mul3A_282 : i32 to index
        %get3A_289 = tpu.vector_load %arg13[%get3A_287, %get3A_288] {strides = array<i32>} : memref<16x768xf32, #tpu.memory_space<vmem>>, vector<1x16xf32>,
        %get3A_290 = vector.shape_cast %get3A_289 : vector<1x16xf32> to vector<16xf32>
        %add3A_291 = arith.addf %get3A_286, %get3A_290 : vector<16xf32>
        %swap3A_292 = arith.index_cast %scan3A_138 : i32 to index
        %swap3A_293 = arith.index_cast %mul3A_282 : i32 to index
        %swap3A_294 = tpu.vector_load %arg15[%swap3A_292, %swap3A_293] {strides = array<i32>} : memref<16x768xf32, #tpu.memory_space<vmem>>, vector<1x16xf32>,
        %swap3A_295 = vector.shape_cast %swap3A_294 : vector<1x16xf32> to vector<16xf32>
        %swap3A_296 = vector.shape_cast %add3A_291 : vector<16xf32> to vector<1x16xf32>
        tpu.vector_store %arg15[%swap3A_292, %swap3A_293], %swap3A_296 {add = true, strides = array<i32>} : memref<16x768xf32, #tpu.memory_space<vmem>>, vector<1x16xf32>,
        %scan3A_297 = arith.constant 0 : i32
        scf.yield %scan3A_297 : i32
      }
      %scan3A_146 = arith.constant 48 : i32
      %scan3A_147 = arith.constant 0 : i32
      scf.yield %scan3A_147 : i32
    }
    %scan3A_42 = arith.constant 16 : i32
    %mul3A_43 = arith.constant 64 : i32
    %mul3A_44 = arith.muli %add3A, %mul3A_43 : i32
    %add3A_45 = arith.constant 0 : i32
    %add3A_46 = arith.addi %mul3A_44, %add3A_45 : i32
    "tpu.region"() ({
      %run_scoped3A = tpu.sem_alloc : memref<!tpu.dma_semaphore, #tpu.memory_space<semaphore_mem>>
      %dma_start3A_138 = arith.constant 0 : i32
      %dma_start3A_139 = tpu.memref_slice %arg6[%add3A_46, %dma_start3A_138] : memref<2048x768xf32, #tpu.memory_space<hbm>> -> memref<16x768xf32, #tpu.memory_space<hbm>>
      %dma_start3A_140 = arith.constant 0 : i32
      %dma_start3A_141 = tpu.memref_slice %arg6[%add3A_46, %dma_start3A_140] : memref<2048x768xf32, #tpu.memory_space<hbm>> -> memref<16x768xf32, #tpu.memory_space<hbm>>
      tpu.enqueue_dma source(%arg15 : memref<16x768xf32, #tpu.memory_space<vmem>>) target(%dma_start3A_141 : memref<16x768xf32, #tpu.memory_space<hbm>>) target_semaphore(%run_scoped3A : memref<!tpu.dma_semaphore, #tpu.memory_space<semaphore_mem>>)
      %dma_wait3A_142 = arith.constant 0 : i32
      %dma_wait3A_143 = tpu.memref_slice %arg6[%add3A_46, %dma_wait3A_142] : memref<2048x768xf32, #tpu.memory_space<hbm>> -> memref<16x768xf32, #tpu.memory_space<hbm>>
      %dma_wait3A_144 = arith.constant 0 : i32
      %dma_wait3A_145 = tpu.memref_slice %arg6[%add3A_46, %dma_wait3A_144] : memref<2048x768xf32, #tpu.memory_space<hbm>> -> memref<16x768xf32, #tpu.memory_space<hbm>>
      tpu.wait_dma2 semaphore(%run_scoped3A : memref<!tpu.dma_semaphore, #tpu.memory_space<semaphore_mem>>) src(%arg15 : memref<16x768xf32, #tpu.memory_space<vmem>>) dst(%dma_wait3A_145 : memref<16x768xf32, #tpu.memory_space<hbm>>)
      tpu.yield
    }) : () -> ()
    %mul3A_47 = arith.constant 64 : i32
    %mul3A_48 = arith.muli %add3A, %mul3A_47 : i32
    %add3A_49 = arith.constant 32 : i32
    %add3A_50 = arith.addi %mul3A_48, %add3A_49 : i32
    "tpu.region"() ({
      %run_scoped3A = tpu.sem_alloc : memref<!tpu.dma_semaphore, #tpu.memory_space<semaphore_mem>>
      %dma_start3A_138 = tpu.memref_slice %arg4[%add3A_50] : memref<2048xi32, #tpu.memory_space<hbm>> -> memref<16xi32, #tpu.memory_space<hbm>>
      %dma_start3A_139 = tpu.memref_slice %arg4[%add3A_50] : memref<2048xi32, #tpu.memory_space<hbm>> -> memref<16xi32, #tpu.memory_space<hbm>>
      tpu.enqueue_dma source(%dma_start3A_139 : memref<16xi32, #tpu.memory_space<hbm>>) target(%arg7 : memref<16xi32, #tpu.memory_space<vmem>>) target_semaphore(%run_scoped3A : memref<!tpu.dma_semaphore, #tpu.memory_space<semaphore_mem>>)
      %dma_wait3A_140 = tpu.memref_slice %arg4[%add3A_50] : memref<2048xi32, #tpu.memory_space<hbm>> -> memref<16xi32, #tpu.memory_space<hbm>>
      %dma_wait3A_141 = tpu.memref_slice %arg4[%add3A_50] : memref<2048xi32, #tpu.memory_space<hbm>> -> memref<16xi32, #tpu.memory_space<hbm>>
      tpu.wait_dma2 semaphore(%run_scoped3A : memref<!tpu.dma_semaphore, #tpu.memory_space<semaphore_mem>>) src(%dma_wait3A_141 : memref<16xi32, #tpu.memory_space<hbm>>) dst(%arg7 : memref<16xi32, #tpu.memory_space<vmem>>)
      tpu.yield
    }) : () -> ()
    "tpu.region"() ({
      %run_scoped3A = tpu.sem_alloc : memref<!tpu.dma_semaphore, #tpu.memory_space<semaphore_mem>>
      %dma_start3A_138 = tpu.memref_slice %arg5[%add3A_50] : memref<2048xi32, #tpu.memory_space<hbm>> -> memref<16xi32, #tpu.memory_space<hbm>>
      %dma_start3A_139 = tpu.memref_slice %arg5[%add3A_50] : memref<2048xi32, #tpu.memory_space<hbm>> -> memref<16xi32, #tpu.memory_space<hbm>>
      tpu.enqueue_dma source(%dma_start3A_139 : memref<16xi32, #tpu.memory_space<hbm>>) target(%arg9 : memref<16xi32, #tpu.memory_space<vmem>>) target_semaphore(%run_scoped3A : memref<!tpu.dma_semaphore, #tpu.memory_space<semaphore_mem>>)
      %dma_wait3A_140 = tpu.memref_slice %arg5[%add3A_50] : memref<2048xi32, #tpu.memory_space<hbm>> -> memref<16xi32, #tpu.memory_space<hbm>>
      %dma_wait3A_141 = tpu.memref_slice %arg5[%add3A_50] : memref<2048xi32, #tpu.memory_space<hbm>> -> memref<16xi32, #tpu.memory_space<hbm>>
      tpu.wait_dma2 semaphore(%run_scoped3A : memref<!tpu.dma_semaphore, #tpu.memory_space<semaphore_mem>>) src(%dma_wait3A_141 : memref<16xi32, #tpu.memory_space<hbm>>) dst(%arg9 : memref<16xi32, #tpu.memory_space<vmem>>)
      tpu.yield
    }) : () -> ()
    %dma_start3A_51 = arith.constant 0 : i32
    %dma_start3A_52 = arith.constant 0 : i32
    %dma_start3A_53 = tpu.memref_slice %arg2[%dma_start3A_51, %dma_start3A_52] : memref<8192x768xf32, #tpu.memory_space<hbm>> -> memref<8192x768xf32, #tpu.memory_space<hbm>>
    tpu.enqueue_indirect_dma source(%dma_start3A_53 : memref<8192x768xf32, #tpu.memory_space<hbm>>) target(%arg11 : memref<16x768xf32, #tpu.memory_space<vmem>>) offsets(%arg7 : memref<16xi32, #tpu.memory_space<vmem>>) semaphore(%arg17 : memref<!tpu.dma_semaphore, #tpu.memory_space<semaphore_mem>>)
    %dma_start3A_54 = arith.constant 0 : i32
    %dma_start3A_55 = arith.constant 0 : i32
    %dma_start3A_56 = tpu.memref_slice %arg2[%dma_start3A_54, %dma_start3A_55] : memref<8192x768xf32, #tpu.memory_space<hbm>> -> memref<8192x768xf32, #tpu.memory_space<hbm>>
    tpu.enqueue_indirect_dma source(%dma_start3A_56 : memref<8192x768xf32, #tpu.memory_space<hbm>>) target(%arg13 : memref<16x768xf32, #tpu.memory_space<vmem>>) offsets(%arg9 : memref<16xi32, #tpu.memory_space<vmem>>) semaphore(%arg17 : memref<!tpu.dma_semaphore, #tpu.memory_space<semaphore_mem>>)
    %dma_start3A_57 = arith.constant 0 : i32
    %dma_start3A_58 = tpu.memref_slice %arg3[%add3A_50, %dma_start3A_57] : memref<2048x768xf32, #tpu.memory_space<hbm>> -> memref<16x768xf32, #tpu.memory_space<hbm>>
    %dma_start3A_59 = arith.constant 0 : i32
    %dma_start3A_60 = tpu.memref_slice %arg3[%add3A_50, %dma_start3A_59] : memref<2048x768xf32, #tpu.memory_space<hbm>> -> memref<16x768xf32, #tpu.memory_space<hbm>>
    tpu.enqueue_dma source(%dma_start3A_60 : memref<16x768xf32, #tpu.memory_space<hbm>>) target(%arg15 : memref<16x768xf32, #tpu.memory_space<vmem>>) target_semaphore(%arg17 : memref<!tpu.dma_semaphore, #tpu.memory_space<semaphore_mem>>)
    %dma_wait3A_61 = arith.constant 0 : i32
    %dma_wait3A_62 = arith.constant 0 : i32
    %dma_wait3A_63 = tpu.memref_slice %arg2[%dma_wait3A_61, %dma_wait3A_62] : memref<8192x768xf32, #tpu.memory_space<hbm>> -> memref<8192x768xf32, #tpu.memory_space<hbm>>
    tpu.wait_indirect_dma semaphore(%arg18 : memref<!tpu.dma_semaphore, #tpu.memory_space<semaphore_mem>>) src(%dma_wait3A_63 : memref<8192x768xf32, #tpu.memory_space<hbm>>) dst(%arg12 : memref<16x768xf32, #tpu.memory_space<vmem>>)
    %dma_wait3A_64 = arith.constant 0 : i32
    %dma_wait3A_65 = arith.constant 0 : i32
    %dma_wait3A_66 = tpu.memref_slice %arg2[%dma_wait3A_64, %dma_wait3A_65] : memref<8192x768xf32, #tpu.memory_space<hbm>> -> memref<8192x768xf32, #tpu.memory_space<hbm>>
    tpu.wait_indirect_dma semaphore(%arg18 : memref<!tpu.dma_semaphore, #tpu.memory_space<semaphore_mem>>) src(%dma_wait3A_66 : memref<8192x768xf32, #tpu.memory_space<hbm>>) dst(%arg14 : memref<16x768xf32, #tpu.memory_space<vmem>>)
    %dma_wait3A_67 = arith.constant 0 : i32
    %dma_wait3A_68 = tpu.memref_slice %arg3[%add3A_17, %dma_wait3A_67] : memref<2048x768xf32, #tpu.memory_space<hbm>> -> memref<16x768xf32, #tpu.memory_space<hbm>>
    %dma_wait3A_69 = arith.constant 0 : i32
    %dma_wait3A_70 = tpu.memref_slice %arg3[%add3A_17, %dma_wait3A_69] : memref<2048x768xf32, #tpu.memory_space<hbm>> -> memref<16x768xf32, #tpu.memory_space<hbm>>
    tpu.wait_dma2 semaphore(%arg18 : memref<!tpu.dma_semaphore, #tpu.memory_space<semaphore_mem>>) src(%dma_wait3A_70 : memref<16x768xf32, #tpu.memory_space<hbm>>) dst(%arg16 : memref<16x768xf32, #tpu.memory_space<vmem>>)
    %scan3A_71 = arith.constant 0 : i32
    %scan3A_72 = arith.constant 0 : i32
    %scan3A_73 = arith.constant 16 : i32
    %scan3A_74 = arith.addi %scan3A_72, %scan3A_73 : i32
    %scan3A_75 = arith.constant 1 : i32
    %scan3A_76 = scf.for %scan3A_138 = %scan3A_72 to %scan3A_74 step %scan3A_75 iter_args(%scan3A_139 = %scan3A_71) -> (i32)  : i32 {
      %scan3A_140 = arith.constant 0 : i32
      %scan3A_141 = arith.constant 0 : i32
      %scan3A_142 = arith.constant 48 : i32
      %scan3A_143 = arith.addi %scan3A_141, %scan3A_142 : i32
      %scan3A_144 = arith.constant 8 : i32
      %scan3A_145 = scf.for %scan3A_148 = %scan3A_141 to %scan3A_143 step %scan3A_144 iter_args(%scan3A_149 = %scan3A_140) -> (i32)  : i32 {
        %mul3A_150 = arith.constant 16 : i32
        %mul3A_151 = arith.muli %scan3A_148, %mul3A_150 : i32
        %get3A = arith.index_cast %scan3A_138 : i32 to index
        %get3A_152 = arith.index_cast %mul3A_151 : i32 to index
        %get3A_153 = tpu.vector_load %arg12[%get3A, %get3A_152] {strides = array<i32>} : memref<16x768xf32, #tpu.memory_space<vmem>>, vector<1x16xf32>,
        %get3A_154 = vector.shape_cast %get3A_153 : vector<1x16xf32> to vector<16xf32>
        %get3A_155 = arith.index_cast %scan3A_138 : i32 to index
        %get3A_156 = arith.index_cast %mul3A_151 : i32 to index
        %get3A_157 = tpu.vector_load %arg14[%get3A_155, %get3A_156] {strides = array<i32>} : memref<16x768xf32, #tpu.memory_space<vmem>>, vector<1x16xf32>,
        %get3A_158 = vector.shape_cast %get3A_157 : vector<1x16xf32> to vector<16xf32>
        %add3A_159 = arith.addf %get3A_154, %get3A_158 : vector<16xf32>
        %swap3A = arith.index_cast %scan3A_138 : i32 to index
        %swap3A_160 = arith.index_cast %mul3A_151 : i32 to index
        %swap3A_161 = tpu.vector_load %arg16[%swap3A, %swap3A_160] {strides = array<i32>} : memref<16x768xf32, #tpu.memory_space<vmem>>, vector<1x16xf32>,
        %swap3A_162 = vector.shape_cast %swap3A_161 : vector<1x16xf32> to vector<16xf32>
        %swap3A_163 = vector.shape_cast %add3A_159 : vector<16xf32> to vector<1x16xf32>
        tpu.vector_store %arg16[%swap3A, %swap3A_160], %swap3A_163 {add = true, strides = array<i32>} : memref<16x768xf32, #tpu.memory_space<vmem>>, vector<1x16xf32>,
        %scan3A_164 = arith.constant 0 : i32
        %scan3A_165 = arith.constant 1 : i32
        %scan3A_166 = arith.addi %scan3A_148, %scan3A_165 : i32
        %mul3A_167 = arith.constant 16 : i32
        %mul3A_168 = arith.muli %scan3A_166, %mul3A_167 : i32
        %get3A_169 = arith.index_cast %scan3A_138 : i32 to index
        %get3A_170 = arith.index_cast %mul3A_168 : i32 to index
        %get3A_171 = tpu.vector_load %arg12[%get3A_169, %get3A_170] {strides = array<i32>} : memref<16x768xf32, #tpu.memory_space<vmem>>, vector<1x16xf32>,
        %get3A_172 = vector.shape_cast %get3A_171 : vector<1x16xf32> to vector<16xf32>
        %get3A_173 = arith.index_cast %scan3A_138 : i32 to index
        %get3A_174 = arith.index_cast %mul3A_168 : i32 to index
        %get3A_175 = tpu.vector_load %arg14[%get3A_173, %get3A_174] {strides = array<i32>} : memref<16x768xf32, #tpu.memory_space<vmem>>, vector<1x16xf32>,
        %get3A_176 = vector.shape_cast %get3A_175 : vector<1x16xf32> to vector<16xf32>
        %add3A_177 = arith.addf %get3A_172, %get3A_176 : vector<16xf32>
        %swap3A_178 = arith.index_cast %scan3A_138 : i32 to index
        %swap3A_179 = arith.index_cast %mul3A_168 : i32 to index
        %swap3A_180 = tpu.vector_load %arg16[%swap3A_178, %swap3A_179] {strides = array<i32>} : memref<16x768xf32, #tpu.memory_space<vmem>>, vector<1x16xf32>,
        %swap3A_181 = vector.shape_cast %swap3A_180 : vector<1x16xf32> to vector<16xf32>
        %swap3A_182 = vector.shape_cast %add3A_177 : vector<16xf32> to vector<1x16xf32>
        tpu.vector_store %arg16[%swap3A_178, %swap3A_179], %swap3A_182 {add = true, strides = array<i32>} : memref<16x768xf32, #tpu.memory_space<vmem>>, vector<1x16xf32>,
        %scan3A_183 = arith.constant 0 : i32
        %scan3A_184 = arith.constant 2 : i32
        %scan3A_185 = arith.addi %scan3A_148, %scan3A_184 : i32
        %mul3A_186 = arith.constant 16 : i32
        %mul3A_187 = arith.muli %scan3A_185, %mul3A_186 : i32
        %get3A_188 = arith.index_cast %scan3A_138 : i32 to index
        %get3A_189 = arith.index_cast %mul3A_187 : i32 to index
        %get3A_190 = tpu.vector_load %arg12[%get3A_188, %get3A_189] {strides = array<i32>} : memref<16x768xf32, #tpu.memory_space<vmem>>, vector<1x16xf32>,
        %get3A_191 = vector.shape_cast %get3A_190 : vector<1x16xf32> to vector<16xf32>
        %get3A_192 = arith.index_cast %scan3A_138 : i32 to index
        %get3A_193 = arith.index_cast %mul3A_187 : i32 to index
        %get3A_194 = tpu.vector_load %arg14[%get3A_192, %get3A_193] {strides = array<i32>} : memref<16x768xf32, #tpu.memory_space<vmem>>, vector<1x16xf32>,
        %get3A_195 = vector.shape_cast %get3A_194 : vector<1x16xf32> to vector<16xf32>
        %add3A_196 = arith.addf %get3A_191, %get3A_195 : vector<16xf32>
        %swap3A_197 = arith.index_cast %scan3A_138 : i32 to index
        %swap3A_198 = arith.index_cast %mul3A_187 : i32 to index
        %swap3A_199 = tpu.vector_load %arg16[%swap3A_197, %swap3A_198] {strides = array<i32>} : memref<16x768xf32, #tpu.memory_space<vmem>>, vector<1x16xf32>,
        %swap3A_200 = vector.shape_cast %swap3A_199 : vector<1x16xf32> to vector<16xf32>
        %swap3A_201 = vector.shape_cast %add3A_196 : vector<16xf32> to vector<1x16xf32>
        tpu.vector_store %arg16[%swap3A_197, %swap3A_198], %swap3A_201 {add = true, strides = array<i32>} : memref<16x768xf32, #tpu.memory_space<vmem>>, vector<1x16xf32>,
        %scan3A_202 = arith.constant 0 : i32
        %scan3A_203 = arith.constant 3 : i32
        %scan3A_204 = arith.addi %scan3A_148, %scan3A_203 : i32
        %mul3A_205 = arith.constant 16 : i32
        %mul3A_206 = arith.muli %scan3A_204, %mul3A_205 : i32
        %get3A_207 = arith.index_cast %scan3A_138 : i32 to index
        %get3A_208 = arith.index_cast %mul3A_206 : i32 to index
        %get3A_209 = tpu.vector_load %arg12[%get3A_207, %get3A_208] {strides = array<i32>} : memref<16x768xf32, #tpu.memory_space<vmem>>, vector<1x16xf32>,
        %get3A_210 = vector.shape_cast %get3A_209 : vector<1x16xf32> to vector<16xf32>
        %get3A_211 = arith.index_cast %scan3A_138 : i32 to index
        %get3A_212 = arith.index_cast %mul3A_206 : i32 to index
        %get3A_213 = tpu.vector_load %arg14[%get3A_211, %get3A_212] {strides = array<i32>} : memref<16x768xf32, #tpu.memory_space<vmem>>, vector<1x16xf32>,
        %get3A_214 = vector.shape_cast %get3A_213 : vector<1x16xf32> to vector<16xf32>
        %add3A_215 = arith.addf %get3A_210, %get3A_214 : vector<16xf32>
        %swap3A_216 = arith.index_cast %scan3A_138 : i32 to index
        %swap3A_217 = arith.index_cast %mul3A_206 : i32 to index
        %swap3A_218 = tpu.vector_load %arg16[%swap3A_216, %swap3A_217] {strides = array<i32>} : memref<16x768xf32, #tpu.memory_space<vmem>>, vector<1x16xf32>,
        %swap3A_219 = vector.shape_cast %swap3A_218 : vector<1x16xf32> to vector<16xf32>
        %swap3A_220 = vector.shape_cast %add3A_215 : vector<16xf32> to vector<1x16xf32>
        tpu.vector_store %arg16[%swap3A_216, %swap3A_217], %swap3A_220 {add = true, strides = array<i32>} : memref<16x768xf32, #tpu.memory_space<vmem>>, vector<1x16xf32>,
        %scan3A_221 = arith.constant 0 : i32
        %scan3A_222 = arith.constant 4 : i32
        %scan3A_223 = arith.addi %scan3A_148, %scan3A_222 : i32
        %mul3A_224 = arith.constant 16 : i32
        %mul3A_225 = arith.muli %scan3A_223, %mul3A_224 : i32
        %get3A_226 = arith.index_cast %scan3A_138 : i32 to index
        %get3A_227 = arith.index_cast %mul3A_225 : i32 to index
        %get3A_228 = tpu.vector_load %arg12[%get3A_226, %get3A_227] {strides = array<i32>} : memref<16x768xf32, #tpu.memory_space<vmem>>, vector<1x16xf32>,
        %get3A_229 = vector.shape_cast %get3A_228 : vector<1x16xf32> to vector<16xf32>
        %get3A_230 = arith.index_cast %scan3A_138 : i32 to index
        %get3A_231 = arith.index_cast %mul3A_225 : i32 to index
        %get3A_232 = tpu.vector_load %arg14[%get3A_230, %get3A_231] {strides = array<i32>} : memref<16x768xf32, #tpu.memory_space<vmem>>, vector<1x16xf32>,
        %get3A_233 = vector.shape_cast %get3A_232 : vector<1x16xf32> to vector<16xf32>
        %add3A_234 = arith.addf %get3A_229, %get3A_233 : vector<16xf32>
        %swap3A_235 = arith.index_cast %scan3A_138 : i32 to index
        %swap3A_236 = arith.index_cast %mul3A_225 : i32 to index
        %swap3A_237 = tpu.vector_load %arg16[%swap3A_235, %swap3A_236] {strides = array<i32>} : memref<16x768xf32, #tpu.memory_space<vmem>>, vector<1x16xf32>,
        %swap3A_238 = vector.shape_cast %swap3A_237 : vector<1x16xf32> to vector<16xf32>
        %swap3A_239 = vector.shape_cast %add3A_234 : vector<16xf32> to vector<1x16xf32>
        tpu.vector_store %arg16[%swap3A_235, %swap3A_236], %swap3A_239 {add = true, strides = array<i32>} : memref<16x768xf32, #tpu.memory_space<vmem>>, vector<1x16xf32>,
        %scan3A_240 = arith.constant 0 : i32
        %scan3A_241 = arith.constant 5 : i32
        %scan3A_242 = arith.addi %scan3A_148, %scan3A_241 : i32
        %mul3A_243 = arith.constant 16 : i32
        %mul3A_244 = arith.muli %scan3A_242, %mul3A_243 : i32
        %get3A_245 = arith.index_cast %scan3A_138 : i32 to index
        %get3A_246 = arith.index_cast %mul3A_244 : i32 to index
        %get3A_247 = tpu.vector_load %arg12[%get3A_245, %get3A_246] {strides = array<i32>} : memref<16x768xf32, #tpu.memory_space<vmem>>, vector<1x16xf32>,
        %get3A_248 = vector.shape_cast %get3A_247 : vector<1x16xf32> to vector<16xf32>
        %get3A_249 = arith.index_cast %scan3A_138 : i32 to index
        %get3A_250 = arith.index_cast %mul3A_244 : i32 to index
        %get3A_251 = tpu.vector_load %arg14[%get3A_249, %get3A_250] {strides = array<i32>} : memref<16x768xf32, #tpu.memory_space<vmem>>, vector<1x16xf32>,
        %get3A_252 = vector.shape_cast %get3A_251 : vector<1x16xf32> to vector<16xf32>
        %add3A_253 = arith.addf %get3A_248, %get3A_252 : vector<16xf32>
        %swap3A_254 = arith.index_cast %scan3A_138 : i32 to index
        %swap3A_255 = arith.index_cast %mul3A_244 : i32 to index
        %swap3A_256 = tpu.vector_load %arg16[%swap3A_254, %swap3A_255] {strides = array<i32>} : memref<16x768xf32, #tpu.memory_space<vmem>>, vector<1x16xf32>,
        %swap3A_257 = vector.shape_cast %swap3A_256 : vector<1x16xf32> to vector<16xf32>
        %swap3A_258 = vector.shape_cast %add3A_253 : vector<16xf32> to vector<1x16xf32>
        tpu.vector_store %arg16[%swap3A_254, %swap3A_255], %swap3A_258 {add = true, strides = array<i32>} : memref<16x768xf32, #tpu.memory_space<vmem>>, vector<1x16xf32>,
        %scan3A_259 = arith.constant 0 : i32
        %scan3A_260 = arith.constant 6 : i32
        %scan3A_261 = arith.addi %scan3A_148, %scan3A_260 : i32
        %mul3A_262 = arith.constant 16 : i32
        %mul3A_263 = arith.muli %scan3A_261, %mul3A_262 : i32
        %get3A_264 = arith.index_cast %scan3A_138 : i32 to index
        %get3A_265 = arith.index_cast %mul3A_263 : i32 to index
        %get3A_266 = tpu.vector_load %arg12[%get3A_264, %get3A_265] {strides = array<i32>} : memref<16x768xf32, #tpu.memory_space<vmem>>, vector<1x16xf32>,
        %get3A_267 = vector.shape_cast %get3A_266 : vector<1x16xf32> to vector<16xf32>
        %get3A_268 = arith.index_cast %scan3A_138 : i32 to index
        %get3A_269 = arith.index_cast %mul3A_263 : i32 to index
        %get3A_270 = tpu.vector_load %arg14[%get3A_268, %get3A_269] {strides = array<i32>} : memref<16x768xf32, #tpu.memory_space<vmem>>, vector<1x16xf32>,
        %get3A_271 = vector.shape_cast %get3A_270 : vector<1x16xf32> to vector<16xf32>
        %add3A_272 = arith.addf %get3A_267, %get3A_271 : vector<16xf32>
        %swap3A_273 = arith.index_cast %scan3A_138 : i32 to index
        %swap3A_274 = arith.index_cast %mul3A_263 : i32 to index
        %swap3A_275 = tpu.vector_load %arg16[%swap3A_273, %swap3A_274] {strides = array<i32>} : memref<16x768xf32, #tpu.memory_space<vmem>>, vector<1x16xf32>,
        %swap3A_276 = vector.shape_cast %swap3A_275 : vector<1x16xf32> to vector<16xf32>
        %swap3A_277 = vector.shape_cast %add3A_272 : vector<16xf32> to vector<1x16xf32>
        tpu.vector_store %arg16[%swap3A_273, %swap3A_274], %swap3A_277 {add = true, strides = array<i32>} : memref<16x768xf32, #tpu.memory_space<vmem>>, vector<1x16xf32>,
        %scan3A_278 = arith.constant 0 : i32
        %scan3A_279 = arith.constant 7 : i32
        %scan3A_280 = arith.addi %scan3A_148, %scan3A_279 : i32
        %mul3A_281 = arith.constant 16 : i32
        %mul3A_282 = arith.muli %scan3A_280, %mul3A_281 : i32
        %get3A_283 = arith.index_cast %scan3A_138 : i32 to index
        %get3A_284 = arith.index_cast %mul3A_282 : i32 to index
        %get3A_285 = tpu.vector_load %arg12[%get3A_283, %get3A_284] {strides = array<i32>} : memref<16x768xf32, #tpu.memory_space<vmem>>, vector<1x16xf32>,
        %get3A_286 = vector.shape_cast %get3A_285 : vector<1x16xf32> to vector<16xf32>
        %get3A_287 = arith.index_cast %scan3A_138 : i32 to index
        %get3A_288 = arith.index_cast %mul3A_282 : i32 to index
        %get3A_289 = tpu.vector_load %arg14[%get3A_287, %get3A_288] {strides = array<i32>} : memref<16x768xf32, #tpu.memory_space<vmem>>, vector<1x16xf32>,
        %get3A_290 = vector.shape_cast %get3A_289 : vector<1x16xf32> to vector<16xf32>
        %add3A_291 = arith.addf %get3A_286, %get3A_290 : vector<16xf32>
        %swap3A_292 = arith.index_cast %scan3A_138 : i32 to index
        %swap3A_293 = arith.index_cast %mul3A_282 : i32 to index
        %swap3A_294 = tpu.vector_load %arg16[%swap3A_292, %swap3A_293] {strides = array<i32>} : memref<16x768xf32, #tpu.memory_space<vmem>>, vector<1x16xf32>,
        %swap3A_295 = vector.shape_cast %swap3A_294 : vector<1x16xf32> to vector<16xf32>
        %swap3A_296 = vector.shape_cast %add3A_291 : vector<16xf32> to vector<1x16xf32>
        tpu.vector_store %arg16[%swap3A_292, %swap3A_293], %swap3A_296 {add = true, strides = array<i32>} : memref<16x768xf32, #tpu.memory_space<vmem>>, vector<1x16xf32>,
        %scan3A_297 = arith.constant 0 : i32
        scf.yield %scan3A_297 : i32
      }
      %scan3A_146 = arith.constant 48 : i32
      %scan3A_147 = arith.constant 0 : i32
      scf.yield %scan3A_147 : i32
    }
    %scan3A_77 = arith.constant 16 : i32
    %mul3A_78 = arith.constant 64 : i32
    %mul3A_79 = arith.muli %add3A, %mul3A_78 : i32
    %add3A_80 = arith.constant 16 : i32
    %add3A_81 = arith.addi %mul3A_79, %add3A_80 : i32
    "tpu.region"() ({
      %run_scoped3A = tpu.sem_alloc : memref<!tpu.dma_semaphore, #tpu.memory_space<semaphore_mem>>
      %dma_start3A_138 = arith.constant 0 : i32
      %dma_start3A_139 = tpu.memref_slice %arg6[%add3A_81, %dma_start3A_138] : memref<2048x768xf32, #tpu.memory_space<hbm>> -> memref<16x768xf32, #tpu.memory_space<hbm>>
      %dma_start3A_140 = arith.constant 0 : i32
      %dma_start3A_141 = tpu.memref_slice %arg6[%add3A_81, %dma_start3A_140] : memref<2048x768xf32, #tpu.memory_space<hbm>> -> memref<16x768xf32, #tpu.memory_space<hbm>>
      tpu.enqueue_dma source(%arg16 : memref<16x768xf32, #tpu.memory_space<vmem>>) target(%dma_start3A_141 : memref<16x768xf32, #tpu.memory_space<hbm>>) target_semaphore(%run_scoped3A : memref<!tpu.dma_semaphore, #tpu.memory_space<semaphore_mem>>)
      %dma_wait3A_142 = arith.constant 0 : i32
      %dma_wait3A_143 = tpu.memref_slice %arg6[%add3A_81, %dma_wait3A_142] : memref<2048x768xf32, #tpu.memory_space<hbm>> -> memref<16x768xf32, #tpu.memory_space<hbm>>
      %dma_wait3A_144 = arith.constant 0 : i32
      %dma_wait3A_145 = tpu.memref_slice %arg6[%add3A_81, %dma_wait3A_144] : memref<2048x768xf32, #tpu.memory_space<hbm>> -> memref<16x768xf32, #tpu.memory_space<hbm>>
      tpu.wait_dma2 semaphore(%run_scoped3A : memref<!tpu.dma_semaphore, #tpu.memory_space<semaphore_mem>>) src(%arg16 : memref<16x768xf32, #tpu.memory_space<vmem>>) dst(%dma_wait3A_145 : memref<16x768xf32, #tpu.memory_space<hbm>>)
      tpu.yield
    }) : () -> ()
    %mul3A_82 = arith.constant 64 : i32
    %mul3A_83 = arith.muli %add3A, %mul3A_82 : i32
    %add3A_84 = arith.constant 48 : i32
    %add3A_85 = arith.addi %mul3A_83, %add3A_84 : i32
    "tpu.region"() ({
      %run_scoped3A = tpu.sem_alloc : memref<!tpu.dma_semaphore, #tpu.memory_space<semaphore_mem>>
      %dma_start3A_138 = tpu.memref_slice %arg4[%add3A_85] : memref<2048xi32, #tpu.memory_space<hbm>> -> memref<16xi32, #tpu.memory_space<hbm>>
      %dma_start3A_139 = tpu.memref_slice %arg4[%add3A_85] : memref<2048xi32, #tpu.memory_space<hbm>> -> memref<16xi32, #tpu.memory_space<hbm>>
      tpu.enqueue_dma source(%dma_start3A_139 : memref<16xi32, #tpu.memory_space<hbm>>) target(%arg8 : memref<16xi32, #tpu.memory_space<vmem>>) target_semaphore(%run_scoped3A : memref<!tpu.dma_semaphore, #tpu.memory_space<semaphore_mem>>)
      %dma_wait3A_140 = tpu.memref_slice %arg4[%add3A_85] : memref<2048xi32, #tpu.memory_space<hbm>> -> memref<16xi32, #tpu.memory_space<hbm>>
      %dma_wait3A_141 = tpu.memref_slice %arg4[%add3A_85] : memref<2048xi32, #tpu.memory_space<hbm>> -> memref<16xi32, #tpu.memory_space<hbm>>
      tpu.wait_dma2 semaphore(%run_scoped3A : memref<!tpu.dma_semaphore, #tpu.memory_space<semaphore_mem>>) src(%dma_wait3A_141 : memref<16xi32, #tpu.memory_space<hbm>>) dst(%arg8 : memref<16xi32, #tpu.memory_space<vmem>>)
      tpu.yield
    }) : () -> ()
    "tpu.region"() ({
      %run_scoped3A = tpu.sem_alloc : memref<!tpu.dma_semaphore, #tpu.memory_space<semaphore_mem>>
      %dma_start3A_138 = tpu.memref_slice %arg5[%add3A_85] : memref<2048xi32, #tpu.memory_space<hbm>> -> memref<16xi32, #tpu.memory_space<hbm>>
      %dma_start3A_139 = tpu.memref_slice %arg5[%add3A_85] : memref<2048xi32, #tpu.memory_space<hbm>> -> memref<16xi32, #tpu.memory_space<hbm>>
      tpu.enqueue_dma source(%dma_start3A_139 : memref<16xi32, #tpu.memory_space<hbm>>) target(%arg10 : memref<16xi32, #tpu.memory_space<vmem>>) target_semaphore(%run_scoped3A : memref<!tpu.dma_semaphore, #tpu.memory_space<semaphore_mem>>)
      %dma_wait3A_140 = tpu.memref_slice %arg5[%add3A_85] : memref<2048xi32, #tpu.memory_space<hbm>> -> memref<16xi32, #tpu.memory_space<hbm>>
      %dma_wait3A_141 = tpu.memref_slice %arg5[%add3A_85] : memref<2048xi32, #tpu.memory_space<hbm>> -> memref<16xi32, #tpu.memory_space<hbm>>
      tpu.wait_dma2 semaphore(%run_scoped3A : memref<!tpu.dma_semaphore, #tpu.memory_space<semaphore_mem>>) src(%dma_wait3A_141 : memref<16xi32, #tpu.memory_space<hbm>>) dst(%arg10 : memref<16xi32, #tpu.memory_space<vmem>>)
      tpu.yield
    }) : () -> ()
    %dma_start3A_86 = arith.constant 0 : i32
    %dma_start3A_87 = arith.constant 0 : i32
    %dma_start3A_88 = tpu.memref_slice %arg2[%dma_start3A_86, %dma_start3A_87] : memref<8192x768xf32, #tpu.memory_space<hbm>> -> memref<8192x768xf32, #tpu.memory_space<hbm>>
    tpu.enqueue_indirect_dma source(%dma_start3A_88 : memref<8192x768xf32, #tpu.memory_space<hbm>>) target(%arg12 : memref<16x768xf32, #tpu.memory_space<vmem>>) offsets(%arg8 : memref<16xi32, #tpu.memory_space<vmem>>) semaphore(%arg18 : memref<!tpu.dma_semaphore, #tpu.memory_space<semaphore_mem>>)
    %dma_start3A_89 = arith.constant 0 : i32
    %dma_start3A_90 = arith.constant 0 : i32
    %dma_start3A_91 = tpu.memref_slice %arg2[%dma_start3A_89, %dma_start3A_90] : memref<8192x768xf32, #tpu.memory_space<hbm>> -> memref<8192x768xf32, #tpu.memory_space<hbm>>
    tpu.enqueue_indirect_dma source(%dma_start3A_91 : memref<8192x768xf32, #tpu.memory_space<hbm>>) target(%arg14 : memref<16x768xf32, #tpu.memory_space<vmem>>) offsets(%arg10 : memref<16xi32, #tpu.memory_space<vmem>>) semaphore(%arg18 : memref<!tpu.dma_semaphore, #tpu.memory_space<semaphore_mem>>)
    %dma_start3A_92 = arith.constant 0 : i32
    %dma_start3A_93 = tpu.memref_slice %arg3[%add3A_85, %dma_start3A_92] : memref<2048x768xf32, #tpu.memory_space<hbm>> -> memref<16x768xf32, #tpu.memory_space<hbm>>
    %dma_start3A_94 = arith.constant 0 : i32
    %dma_start3A_95 = tpu.memref_slice %arg3[%add3A_85, %dma_start3A_94] : memref<2048x768xf32, #tpu.memory_space<hbm>> -> memref<16x768xf32, #tpu.memory_space<hbm>>
    tpu.enqueue_dma source(%dma_start3A_95 : memref<16x768xf32, #tpu.memory_space<hbm>>) target(%arg16 : memref<16x768xf32, #tpu.memory_space<vmem>>) target_semaphore(%arg18 : memref<!tpu.dma_semaphore, #tpu.memory_space<semaphore_mem>>)
    %dma_wait3A_96 = arith.constant 0 : i32
    %dma_wait3A_97 = arith.constant 0 : i32
    %dma_wait3A_98 = tpu.memref_slice %arg2[%dma_wait3A_96, %dma_wait3A_97] : memref<8192x768xf32, #tpu.memory_space<hbm>> -> memref<8192x768xf32, #tpu.memory_space<hbm>>
    tpu.wait_indirect_dma semaphore(%arg17 : memref<!tpu.dma_semaphore, #tpu.memory_space<semaphore_mem>>) src(%dma_wait3A_98 : memref<8192x768xf32, #tpu.memory_space<hbm>>) dst(%arg11 : memref<16x768xf32, #tpu.memory_space<vmem>>)
    %dma_wait3A_99 = arith.constant 0 : i32
    %dma_wait3A_100 = arith.constant 0 : i32
    %dma_wait3A_101 = tpu.memref_slice %arg2[%dma_wait3A_99, %dma_wait3A_100] : memref<8192x768xf32, #tpu.memory_space<hbm>> -> memref<8192x768xf32, #tpu.memory_space<hbm>>
    tpu.wait_indirect_dma semaphore(%arg17 : memref<!tpu.dma_semaphore, #tpu.memory_space<semaphore_mem>>) src(%dma_wait3A_101 : memref<8192x768xf32, #tpu.memory_space<hbm>>) dst(%arg13 : memref<16x768xf32, #tpu.memory_space<vmem>>)
    %dma_wait3A_102 = arith.constant 0 : i32
    %dma_wait3A_103 = tpu.memref_slice %arg3[%add3A_50, %dma_wait3A_102] : memref<2048x768xf32, #tpu.memory_space<hbm>> -> memref<16x768xf32, #tpu.memory_space<hbm>>
    %dma_wait3A_104 = arith.constant 0 : i32
    %dma_wait3A_105 = tpu.memref_slice %arg3[%add3A_50, %dma_wait3A_104] : memref<2048x768xf32, #tpu.memory_space<hbm>> -> memref<16x768xf32, #tpu.memory_space<hbm>>
    tpu.wait_dma2 semaphore(%arg17 : memref<!tpu.dma_semaphore, #tpu.memory_space<semaphore_mem>>) src(%dma_wait3A_105 : memref<16x768xf32, #tpu.memory_space<hbm>>) dst(%arg15 : memref<16x768xf32, #tpu.memory_space<vmem>>)
    %scan3A_106 = arith.constant 0 : i32
    %scan3A_107 = arith.constant 0 : i32
    %scan3A_108 = arith.constant 16 : i32
    %scan3A_109 = arith.addi %scan3A_107, %scan3A_108 : i32
    %scan3A_110 = arith.constant 1 : i32
    %scan3A_111 = scf.for %scan3A_138 = %scan3A_107 to %scan3A_109 step %scan3A_110 iter_args(%scan3A_139 = %scan3A_106) -> (i32)  : i32 {
      %scan3A_140 = arith.constant 0 : i32
      %scan3A_141 = arith.constant 0 : i32
      %scan3A_142 = arith.constant 48 : i32
      %scan3A_143 = arith.addi %scan3A_141, %scan3A_142 : i32
      %scan3A_144 = arith.constant 8 : i32
      %scan3A_145 = scf.for %scan3A_148 = %scan3A_141 to %scan3A_143 step %scan3A_144 iter_args(%scan3A_149 = %scan3A_140) -> (i32)  : i32 {
        %mul3A_150 = arith.constant 16 : i32
        %mul3A_151 = arith.muli %scan3A_148, %mul3A_150 : i32
        %get3A = arith.index_cast %scan3A_138 : i32 to index
        %get3A_152 = arith.index_cast %mul3A_151 : i32 to index
        %get3A_153 = tpu.vector_load %arg11[%get3A, %get3A_152] {strides = array<i32>} : memref<16x768xf32, #tpu.memory_space<vmem>>, vector<1x16xf32>,
        %get3A_154 = vector.shape_cast %get3A_153 : vector<1x16xf32> to vector<16xf32>
        %get3A_155 = arith.index_cast %scan3A_138 : i32 to index
        %get3A_156 = arith.index_cast %mul3A_151 : i32 to index
        %get3A_157 = tpu.vector_load %arg13[%get3A_155, %get3A_156] {strides = array<i32>} : memref<16x768xf32, #tpu.memory_space<vmem>>, vector<1x16xf32>,
        %get3A_158 = vector.shape_cast %get3A_157 : vector<1x16xf32> to vector<16xf32>
        %add3A_159 = arith.addf %get3A_154, %get3A_158 : vector<16xf32>
        %swap3A = arith.index_cast %scan3A_138 : i32 to index
        %swap3A_160 = arith.index_cast %mul3A_151 : i32 to index
        %swap3A_161 = tpu.vector_load %arg15[%swap3A, %swap3A_160] {strides = array<i32>} : memref<16x768xf32, #tpu.memory_space<vmem>>, vector<1x16xf32>,
        %swap3A_162 = vector.shape_cast %swap3A_161 : vector<1x16xf32> to vector<16xf32>
        %swap3A_163 = vector.shape_cast %add3A_159 : vector<16xf32> to vector<1x16xf32>
        tpu.vector_store %arg15[%swap3A, %swap3A_160], %swap3A_163 {add = true, strides = array<i32>} : memref<16x768xf32, #tpu.memory_space<vmem>>, vector<1x16xf32>,
        %scan3A_164 = arith.constant 0 : i32
        %scan3A_165 = arith.constant 1 : i32
        %scan3A_166 = arith.addi %scan3A_148, %scan3A_165 : i32
        %mul3A_167 = arith.constant 16 : i32
        %mul3A_168 = arith.muli %scan3A_166, %mul3A_167 : i32
        %get3A_169 = arith.index_cast %scan3A_138 : i32 to index
        %get3A_170 = arith.index_cast %mul3A_168 : i32 to index
        %get3A_171 = tpu.vector_load %arg11[%get3A_169, %get3A_170] {strides = array<i32>} : memref<16x768xf32, #tpu.memory_space<vmem>>, vector<1x16xf32>,
        %get3A_172 = vector.shape_cast %get3A_171 : vector<1x16xf32> to vector<16xf32>
        %get3A_173 = arith.index_cast %scan3A_138 : i32 to index
        %get3A_174 = arith.index_cast %mul3A_168 : i32 to index
        %get3A_175 = tpu.vector_load %arg13[%get3A_173, %get3A_174] {strides = array<i32>} : memref<16x768xf32, #tpu.memory_space<vmem>>, vector<1x16xf32>,
        %get3A_176 = vector.shape_cast %get3A_175 : vector<1x16xf32> to vector<16xf32>
        %add3A_177 = arith.addf %get3A_172, %get3A_176 : vector<16xf32>
        %swap3A_178 = arith.index_cast %scan3A_138 : i32 to index
        %swap3A_179 = arith.index_cast %mul3A_168 : i32 to index
        %swap3A_180 = tpu.vector_load %arg15[%swap3A_178, %swap3A_179] {strides = array<i32>} : memref<16x768xf32, #tpu.memory_space<vmem>>, vector<1x16xf32>,
        %swap3A_181 = vector.shape_cast %swap3A_180 : vector<1x16xf32> to vector<16xf32>
        %swap3A_182 = vector.shape_cast %add3A_177 : vector<16xf32> to vector<1x16xf32>
        tpu.vector_store %arg15[%swap3A_178, %swap3A_179], %swap3A_182 {add = true, strides = array<i32>} : memref<16x768xf32, #tpu.memory_space<vmem>>, vector<1x16xf32>,
        %scan3A_183 = arith.constant 0 : i32
        %scan3A_184 = arith.constant 2 : i32
        %scan3A_185 = arith.addi %scan3A_148, %scan3A_184 : i32
        %mul3A_186 = arith.constant 16 : i32
        %mul3A_187 = arith.muli %scan3A_185, %mul3A_186 : i32
        %get3A_188 = arith.index_cast %scan3A_138 : i32 to index
        %get3A_189 = arith.index_cast %mul3A_187 : i32 to index
        %get3A_190 = tpu.vector_load %arg11[%get3A_188, %get3A_189] {strides = array<i32>} : memref<16x768xf32, #tpu.memory_space<vmem>>, vector<1x16xf32>,
        %get3A_191 = vector.shape_cast %get3A_190 : vector<1x16xf32> to vector<16xf32>
        %get3A_192 = arith.index_cast %scan3A_138 : i32 to index
        %get3A_193 = arith.index_cast %mul3A_187 : i32 to index
        %get3A_194 = tpu.vector_load %arg13[%get3A_192, %get3A_193] {strides = array<i32>} : memref<16x768xf32, #tpu.memory_space<vmem>>, vector<1x16xf32>,
        %get3A_195 = vector.shape_cast %get3A_194 : vector<1x16xf32> to vector<16xf32>
        %add3A_196 = arith.addf %get3A_191, %get3A_195 : vector<16xf32>
        %swap3A_197 = arith.index_cast %scan3A_138 : i32 to index
        %swap3A_198 = arith.index_cast %mul3A_187 : i32 to index
        %swap3A_199 = tpu.vector_load %arg15[%swap3A_197, %swap3A_198] {strides = array<i32>} : memref<16x768xf32, #tpu.memory_space<vmem>>, vector<1x16xf32>,
        %swap3A_200 = vector.shape_cast %swap3A_199 : vector<1x16xf32> to vector<16xf32>
        %swap3A_201 = vector.shape_cast %add3A_196 : vector<16xf32> to vector<1x16xf32>
        tpu.vector_store %arg15[%swap3A_197, %swap3A_198], %swap3A_201 {add = true, strides = array<i32>} : memref<16x768xf32, #tpu.memory_space<vmem>>, vector<1x16xf32>,
        %scan3A_202 = arith.constant 0 : i32
        %scan3A_203 = arith.constant 3 : i32
        %scan3A_204 = arith.addi %scan3A_148, %scan3A_203 : i32
        %mul3A_205 = arith.constant 16 : i32
        %mul3A_206 = arith.muli %scan3A_204, %mul3A_205 : i32
        %get3A_207 = arith.index_cast %scan3A_138 : i32 to index
        %get3A_208 = arith.index_cast %mul3A_206 : i32 to index
        %get3A_209 = tpu.vector_load %arg11[%get3A_207, %get3A_208] {strides = array<i32>} : memref<16x768xf32, #tpu.memory_space<vmem>>, vector<1x16xf32>,
        %get3A_210 = vector.shape_cast %get3A_209 : vector<1x16xf32> to vector<16xf32>
        %get3A_211 = arith.index_cast %scan3A_138 : i32 to index
        %get3A_212 = arith.index_cast %mul3A_206 : i32 to index
        %get3A_213 = tpu.vector_load %arg13[%get3A_211, %get3A_212] {strides = array<i32>} : memref<16x768xf32, #tpu.memory_space<vmem>>, vector<1x16xf32>,
        %get3A_214 = vector.shape_cast %get3A_213 : vector<1x16xf32> to vector<16xf32>
        %add3A_215 = arith.addf %get3A_210, %get3A_214 : vector<16xf32>
        %swap3A_216 = arith.index_cast %scan3A_138 : i32 to index
        %swap3A_217 = arith.index_cast %mul3A_206 : i32 to index
        %swap3A_218 = tpu.vector_load %arg15[%swap3A_216, %swap3A_217] {strides = array<i32>} : memref<16x768xf32, #tpu.memory_space<vmem>>, vector<1x16xf32>,
        %swap3A_219 = vector.shape_cast %swap3A_218 : vector<1x16xf32> to vector<16xf32>
        %swap3A_220 = vector.shape_cast %add3A_215 : vector<16xf32> to vector<1x16xf32>
        tpu.vector_store %arg15[%swap3A_216, %swap3A_217], %swap3A_220 {add = true, strides = array<i32>} : memref<16x768xf32, #tpu.memory_space<vmem>>, vector<1x16xf32>,
        %scan3A_221 = arith.constant 0 : i32
        %scan3A_222 = arith.constant 4 : i32
        %scan3A_223 = arith.addi %scan3A_148, %scan3A_222 : i32
        %mul3A_224 = arith.constant 16 : i32
        %mul3A_225 = arith.muli %scan3A_223, %mul3A_224 : i32
        %get3A_226 = arith.index_cast %scan3A_138 : i32 to index
        %get3A_227 = arith.index_cast %mul3A_225 : i32 to index
        %get3A_228 = tpu.vector_load %arg11[%get3A_226, %get3A_227] {strides = array<i32>} : memref<16x768xf32, #tpu.memory_space<vmem>>, vector<1x16xf32>,
        %get3A_229 = vector.shape_cast %get3A_228 : vector<1x16xf32> to vector<16xf32>
        %get3A_230 = arith.index_cast %scan3A_138 : i32 to index
        %get3A_231 = arith.index_cast %mul3A_225 : i32 to index
        %get3A_232 = tpu.vector_load %arg13[%get3A_230, %get3A_231] {strides = array<i32>} : memref<16x768xf32, #tpu.memory_space<vmem>>, vector<1x16xf32>,
        %get3A_233 = vector.shape_cast %get3A_232 : vector<1x16xf32> to vector<16xf32>
        %add3A_234 = arith.addf %get3A_229, %get3A_233 : vector<16xf32>
        %swap3A_235 = arith.index_cast %scan3A_138 : i32 to index
        %swap3A_236 = arith.index_cast %mul3A_225 : i32 to index
        %swap3A_237 = tpu.vector_load %arg15[%swap3A_235, %swap3A_236] {strides = array<i32>} : memref<16x768xf32, #tpu.memory_space<vmem>>, vector<1x16xf32>,
        %swap3A_238 = vector.shape_cast %swap3A_237 : vector<1x16xf32> to vector<16xf32>
        %swap3A_239 = vector.shape_cast %add3A_234 : vector<16xf32> to vector<1x16xf32>
        tpu.vector_store %arg15[%swap3A_235, %swap3A_236], %swap3A_239 {add = true, strides = array<i32>} : memref<16x768xf32, #tpu.memory_space<vmem>>, vector<1x16xf32>,
        %scan3A_240 = arith.constant 0 : i32
        %scan3A_241 = arith.constant 5 : i32
        %scan3A_242 = arith.addi %scan3A_148, %scan3A_241 : i32
        %mul3A_243 = arith.constant 16 : i32
        %mul3A_244 = arith.muli %scan3A_242, %mul3A_243 : i32
        %get3A_245 = arith.index_cast %scan3A_138 : i32 to index
        %get3A_246 = arith.index_cast %mul3A_244 : i32 to index
        %get3A_247 = tpu.vector_load %arg11[%get3A_245, %get3A_246] {strides = array<i32>} : memref<16x768xf32, #tpu.memory_space<vmem>>, vector<1x16xf32>,
        %get3A_248 = vector.shape_cast %get3A_247 : vector<1x16xf32> to vector<16xf32>
        %get3A_249 = arith.index_cast %scan3A_138 : i32 to index
        %get3A_250 = arith.index_cast %mul3A_244 : i32 to index
        %get3A_251 = tpu.vector_load %arg13[%get3A_249, %get3A_250] {strides = array<i32>} : memref<16x768xf32, #tpu.memory_space<vmem>>, vector<1x16xf32>,
        %get3A_252 = vector.shape_cast %get3A_251 : vector<1x16xf32> to vector<16xf32>
        %add3A_253 = arith.addf %get3A_248, %get3A_252 : vector<16xf32>
        %swap3A_254 = arith.index_cast %scan3A_138 : i32 to index
        %swap3A_255 = arith.index_cast %mul3A_244 : i32 to index
        %swap3A_256 = tpu.vector_load %arg15[%swap3A_254, %swap3A_255] {strides = array<i32>} : memref<16x768xf32, #tpu.memory_space<vmem>>, vector<1x16xf32>,
        %swap3A_257 = vector.shape_cast %swap3A_256 : vector<1x16xf32> to vector<16xf32>
        %swap3A_258 = vector.shape_cast %add3A_253 : vector<16xf32> to vector<1x16xf32>
        tpu.vector_store %arg15[%swap3A_254, %swap3A_255], %swap3A_258 {add = true, strides = array<i32>} : memref<16x768xf32, #tpu.memory_space<vmem>>, vector<1x16xf32>,
        %scan3A_259 = arith.constant 0 : i32
        %scan3A_260 = arith.constant 6 : i32
        %scan3A_261 = arith.addi %scan3A_148, %scan3A_260 : i32
        %mul3A_262 = arith.constant 16 : i32
        %mul3A_263 = arith.muli %scan3A_261, %mul3A_262 : i32
        %get3A_264 = arith.index_cast %scan3A_138 : i32 to index
        %get3A_265 = arith.index_cast %mul3A_263 : i32 to index
        %get3A_266 = tpu.vector_load %arg11[%get3A_264, %get3A_265] {strides = array<i32>} : memref<16x768xf32, #tpu.memory_space<vmem>>, vector<1x16xf32>,
        %get3A_267 = vector.shape_cast %get3A_266 : vector<1x16xf32> to vector<16xf32>
        %get3A_268 = arith.index_cast %scan3A_138 : i32 to index
        %get3A_269 = arith.index_cast %mul3A_263 : i32 to index
        %get3A_270 = tpu.vector_load %arg13[%get3A_268, %get3A_269] {strides = array<i32>} : memref<16x768xf32, #tpu.memory_space<vmem>>, vector<1x16xf32>,
        %get3A_271 = vector.shape_cast %get3A_270 : vector<1x16xf32> to vector<16xf32>
        %add3A_272 = arith.addf %get3A_267, %get3A_271 : vector<16xf32>
        %swap3A_273 = arith.index_cast %scan3A_138 : i32 to index
        %swap3A_274 = arith.index_cast %mul3A_263 : i32 to index
        %swap3A_275 = tpu.vector_load %arg15[%swap3A_273, %swap3A_274] {strides = array<i32>} : memref<16x768xf32, #tpu.memory_space<vmem>>, vector<1x16xf32>,
        %swap3A_276 = vector.shape_cast %swap3A_275 : vector<1x16xf32> to vector<16xf32>
        %swap3A_277 = vector.shape_cast %add3A_272 : vector<16xf32> to vector<1x16xf32>
        tpu.vector_store %arg15[%swap3A_273, %swap3A_274], %swap3A_277 {add = true, strides = array<i32>} : memref<16x768xf32, #tpu.memory_space<vmem>>, vector<1x16xf32>,
        %scan3A_278 = arith.constant 0 : i32
        %scan3A_279 = arith.constant 7 : i32
        %scan3A_280 = arith.addi %scan3A_148, %scan3A_279 : i32
        %mul3A_281 = arith.constant 16 : i32
        %mul3A_282 = arith.muli %scan3A_280, %mul3A_281 : i32
        %get3A_283 = arith.index_cast %scan3A_138 : i32 to index
        %get3A_284 = arith.index_cast %mul3A_282 : i32 to index
        %get3A_285 = tpu.vector_load %arg11[%get3A_283, %get3A_284] {strides = array<i32>} : memref<16x768xf32, #tpu.memory_space<vmem>>, vector<1x16xf32>,
        %get3A_286 = vector.shape_cast %get3A_285 : vector<1x16xf32> to vector<16xf32>
        %get3A_287 = arith.index_cast %scan3A_138 : i32 to index
        %get3A_288 = arith.index_cast %mul3A_282 : i32 to index
        %get3A_289 = tpu.vector_load %arg13[%get3A_287, %get3A_288] {strides = array<i32>} : memref<16x768xf32, #tpu.memory_space<vmem>>, vector<1x16xf32>,
        %get3A_290 = vector.shape_cast %get3A_289 : vector<1x16xf32> to vector<16xf32>
        %add3A_291 = arith.addf %get3A_286, %get3A_290 : vector<16xf32>
        %swap3A_292 = arith.index_cast %scan3A_138 : i32 to index
        %swap3A_293 = arith.index_cast %mul3A_282 : i32 to index
        %swap3A_294 = tpu.vector_load %arg15[%swap3A_292, %swap3A_293] {strides = array<i32>} : memref<16x768xf32, #tpu.memory_space<vmem>>, vector<1x16xf32>,
        %swap3A_295 = vector.shape_cast %swap3A_294 : vector<1x16xf32> to vector<16xf32>
        %swap3A_296 = vector.shape_cast %add3A_291 : vector<16xf32> to vector<1x16xf32>
        tpu.vector_store %arg15[%swap3A_292, %swap3A_293], %swap3A_296 {add = true, strides = array<i32>} : memref<16x768xf32, #tpu.memory_space<vmem>>, vector<1x16xf32>,
        %scan3A_297 = arith.constant 0 : i32
        scf.yield %scan3A_297 : i32
      }
      %scan3A_146 = arith.constant 48 : i32
      %scan3A_147 = arith.constant 0 : i32
      scf.yield %scan3A_147 : i32
    }
    %scan3A_112 = arith.constant 16 : i32
    %mul3A_113 = arith.constant 64 : i32
    %mul3A_114 = arith.muli %add3A, %mul3A_113 : i32
    %add3A_115 = arith.constant 32 : i32
    %add3A_116 = arith.addi %mul3A_114, %add3A_115 : i32
    "tpu.region"() ({
      %run_scoped3A = tpu.sem_alloc : memref<!tpu.dma_semaphore, #tpu.memory_space<semaphore_mem>>
      %dma_start3A_138 = arith.constant 0 : i32
      %dma_start3A_139 = tpu.memref_slice %arg6[%add3A_116, %dma_start3A_138] : memref<2048x768xf32, #tpu.memory_space<hbm>> -> memref<16x768xf32, #tpu.memory_space<hbm>>
      %dma_start3A_140 = arith.constant 0 : i32
      %dma_start3A_141 = tpu.memref_slice %arg6[%add3A_116, %dma_start3A_140] : memref<2048x768xf32, #tpu.memory_space<hbm>> -> memref<16x768xf32, #tpu.memory_space<hbm>>
      tpu.enqueue_dma source(%arg15 : memref<16x768xf32, #tpu.memory_space<vmem>>) target(%dma_start3A_141 : memref<16x768xf32, #tpu.memory_space<hbm>>) target_semaphore(%run_scoped3A : memref<!tpu.dma_semaphore, #tpu.memory_space<semaphore_mem>>)
      %dma_wait3A_142 = arith.constant 0 : i32
      %dma_wait3A_143 = tpu.memref_slice %arg6[%add3A_116, %dma_wait3A_142] : memref<2048x768xf32, #tpu.memory_space<hbm>> -> memref<16x768xf32, #tpu.memory_space<hbm>>
      %dma_wait3A_144 = arith.constant 0 : i32
      %dma_wait3A_145 = tpu.memref_slice %arg6[%add3A_116, %dma_wait3A_144] : memref<2048x768xf32, #tpu.memory_space<hbm>> -> memref<16x768xf32, #tpu.memory_space<hbm>>
      tpu.wait_dma2 semaphore(%run_scoped3A : memref<!tpu.dma_semaphore, #tpu.memory_space<semaphore_mem>>) src(%arg15 : memref<16x768xf32, #tpu.memory_space<vmem>>) dst(%dma_wait3A_145 : memref<16x768xf32, #tpu.memory_space<hbm>>)
      tpu.yield
    }) : () -> ()
    %dma_wait3A_117 = arith.constant 0 : i32
    %dma_wait3A_118 = arith.constant 0 : i32
    %dma_wait3A_119 = tpu.memref_slice %arg2[%dma_wait3A_117, %dma_wait3A_118] : memref<8192x768xf32, #tpu.memory_space<hbm>> -> memref<8192x768xf32, #tpu.memory_space<hbm>>
    tpu.wait_indirect_dma semaphore(%arg18 : memref<!tpu.dma_semaphore, #tpu.memory_space<semaphore_mem>>) src(%dma_wait3A_119 : memref<8192x768xf32, #tpu.memory_space<hbm>>) dst(%arg12 : memref<16x768xf32, #tpu.memory_space<vmem>>)
    %dma_wait3A_120 = arith.constant 0 : i32
    %dma_wait3A_121 = arith.constant 0 : i32
    %dma_wait3A_122 = tpu.memref_slice %arg2[%dma_wait3A_120, %dma_wait3A_121] : memref<8192x768xf32, #tpu.memory_space<hbm>> -> memref<8192x768xf32, #tpu.memory_space<hbm>>
    tpu.wait_indirect_dma semaphore(%arg18 : memref<!tpu.dma_semaphore, #tpu.memory_space<semaphore_mem>>) src(%dma_wait3A_122 : memref<8192x768xf32, #tpu.memory_space<hbm>>) dst(%arg14 : memref<16x768xf32, #tpu.memory_space<vmem>>)
    %dma_wait3A_123 = arith.constant 0 : i32
    %dma_wait3A_124 = tpu.memref_slice %arg3[%add3A_85, %dma_wait3A_123] : memref<2048x768xf32, #tpu.memory_space<hbm>> -> memref<16x768xf32, #tpu.memory_space<hbm>>
    %dma_wait3A_125 = arith.constant 0 : i32
    %dma_wait3A_126 = tpu.memref_slice %arg3[%add3A_85, %dma_wait3A_125] : memref<2048x768xf32, #tpu.memory_space<hbm>> -> memref<16x768xf32, #tpu.memory_space<hbm>>
    tpu.wait_dma2 semaphore(%arg18 : memref<!tpu.dma_semaphore, #tpu.memory_space<semaphore_mem>>) src(%dma_wait3A_126 : memref<16x768xf32, #tpu.memory_space<hbm>>) dst(%arg16 : memref<16x768xf32, #tpu.memory_space<vmem>>)
    %scan3A_127 = arith.constant 0 : i32
    %scan3A_128 = arith.constant 0 : i32
    %scan3A_129 = arith.constant 16 : i32
    %scan3A_130 = arith.addi %scan3A_128, %scan3A_129 : i32
    %scan3A_131 = arith.constant 1 : i32
    %scan3A_132 = scf.for %scan3A_138 = %scan3A_128 to %scan3A_130 step %scan3A_131 iter_args(%scan3A_139 = %scan3A_127) -> (i32)  : i32 {
      %scan3A_140 = arith.constant 0 : i32
      %scan3A_141 = arith.constant 0 : i32
      %scan3A_142 = arith.constant 48 : i32
      %scan3A_143 = arith.addi %scan3A_141, %scan3A_142 : i32
      %scan3A_144 = arith.constant 8 : i32
      %scan3A_145 = scf.for %scan3A_148 = %scan3A_141 to %scan3A_143 step %scan3A_144 iter_args(%scan3A_149 = %scan3A_140) -> (i32)  : i32 {
        %mul3A_150 = arith.constant 16 : i32
        %mul3A_151 = arith.muli %scan3A_148, %mul3A_150 : i32
        %get3A = arith.index_cast %scan3A_138 : i32 to index
        %get3A_152 = arith.index_cast %mul3A_151 : i32 to index
        %get3A_153 = tpu.vector_load %arg12[%get3A, %get3A_152] {strides = array<i32>} : memref<16x768xf32, #tpu.memory_space<vmem>>, vector<1x16xf32>,
        %get3A_154 = vector.shape_cast %get3A_153 : vector<1x16xf32> to vector<16xf32>
        %get3A_155 = arith.index_cast %scan3A_138 : i32 to index
        %get3A_156 = arith.index_cast %mul3A_151 : i32 to index
        %get3A_157 = tpu.vector_load %arg14[%get3A_155, %get3A_156] {strides = array<i32>} : memref<16x768xf32, #tpu.memory_space<vmem>>, vector<1x16xf32>,
        %get3A_158 = vector.shape_cast %get3A_157 : vector<1x16xf32> to vector<16xf32>
        %add3A_159 = arith.addf %get3A_154, %get3A_158 : vector<16xf32>
        %swap3A = arith.index_cast %scan3A_138 : i32 to index
        %swap3A_160 = arith.index_cast %mul3A_151 : i32 to index
        %swap3A_161 = tpu.vector_load %arg16[%swap3A, %swap3A_160] {strides = array<i32>} : memref<16x768xf32, #tpu.memory_space<vmem>>, vector<1x16xf32>,
        %swap3A_162 = vector.shape_cast %swap3A_161 : vector<1x16xf32> to vector<16xf32>
        %swap3A_163 = vector.shape_cast %add3A_159 : vector<16xf32> to vector<1x16xf32>
        tpu.vector_store %arg16[%swap3A, %swap3A_160], %swap3A_163 {add = true, strides = array<i32>} : memref<16x768xf32, #tpu.memory_space<vmem>>, vector<1x16xf32>,
        %scan3A_164 = arith.constant 0 : i32
        %scan3A_165 = arith.constant 1 : i32
        %scan3A_166 = arith.addi %scan3A_148, %scan3A_165 : i32
        %mul3A_167 = arith.constant 16 : i32
        %mul3A_168 = arith.muli %scan3A_166, %mul3A_167 : i32
        %get3A_169 = arith.index_cast %scan3A_138 : i32 to index
        %get3A_170 = arith.index_cast %mul3A_168 : i32 to index
        %get3A_171 = tpu.vector_load %arg12[%get3A_169, %get3A_170] {strides = array<i32>} : memref<16x768xf32, #tpu.memory_space<vmem>>, vector<1x16xf32>,
        %get3A_172 = vector.shape_cast %get3A_171 : vector<1x16xf32> to vector<16xf32>
        %get3A_173 = arith.index_cast %scan3A_138 : i32 to index
        %get3A_174 = arith.index_cast %mul3A_168 : i32 to index
        %get3A_175 = tpu.vector_load %arg14[%get3A_173, %get3A_174] {strides = array<i32>} : memref<16x768xf32, #tpu.memory_space<vmem>>, vector<1x16xf32>,
        %get3A_176 = vector.shape_cast %get3A_175 : vector<1x16xf32> to vector<16xf32>
        %add3A_177 = arith.addf %get3A_172, %get3A_176 : vector<16xf32>
        %swap3A_178 = arith.index_cast %scan3A_138 : i32 to index
        %swap3A_179 = arith.index_cast %mul3A_168 : i32 to index
        %swap3A_180 = tpu.vector_load %arg16[%swap3A_178, %swap3A_179] {strides = array<i32>} : memref<16x768xf32, #tpu.memory_space<vmem>>, vector<1x16xf32>,
        %swap3A_181 = vector.shape_cast %swap3A_180 : vector<1x16xf32> to vector<16xf32>
        %swap3A_182 = vector.shape_cast %add3A_177 : vector<16xf32> to vector<1x16xf32>
        tpu.vector_store %arg16[%swap3A_178, %swap3A_179], %swap3A_182 {add = true, strides = array<i32>} : memref<16x768xf32, #tpu.memory_space<vmem>>, vector<1x16xf32>,
        %scan3A_183 = arith.constant 0 : i32
        %scan3A_184 = arith.constant 2 : i32
        %scan3A_185 = arith.addi %scan3A_148, %scan3A_184 : i32
        %mul3A_186 = arith.constant 16 : i32
        %mul3A_187 = arith.muli %scan3A_185, %mul3A_186 : i32
        %get3A_188 = arith.index_cast %scan3A_138 : i32 to index
        %get3A_189 = arith.index_cast %mul3A_187 : i32 to index
        %get3A_190 = tpu.vector_load %arg12[%get3A_188, %get3A_189] {strides = array<i32>} : memref<16x768xf32, #tpu.memory_space<vmem>>, vector<1x16xf32>,
        %get3A_191 = vector.shape_cast %get3A_190 : vector<1x16xf32> to vector<16xf32>
        %get3A_192 = arith.index_cast %scan3A_138 : i32 to index
        %get3A_193 = arith.index_cast %mul3A_187 : i32 to index
        %get3A_194 = tpu.vector_load %arg14[%get3A_192, %get3A_193] {strides = array<i32>} : memref<16x768xf32, #tpu.memory_space<vmem>>, vector<1x16xf32>,
        %get3A_195 = vector.shape_cast %get3A_194 : vector<1x16xf32> to vector<16xf32>
        %add3A_196 = arith.addf %get3A_191, %get3A_195 : vector<16xf32>
        %swap3A_197 = arith.index_cast %scan3A_138 : i32 to index
        %swap3A_198 = arith.index_cast %mul3A_187 : i32 to index
        %swap3A_199 = tpu.vector_load %arg16[%swap3A_197, %swap3A_198] {strides = array<i32>} : memref<16x768xf32, #tpu.memory_space<vmem>>, vector<1x16xf32>,
        %swap3A_200 = vector.shape_cast %swap3A_199 : vector<1x16xf32> to vector<16xf32>
        %swap3A_201 = vector.shape_cast %add3A_196 : vector<16xf32> to vector<1x16xf32>
        tpu.vector_store %arg16[%swap3A_197, %swap3A_198], %swap3A_201 {add = true, strides = array<i32>} : memref<16x768xf32, #tpu.memory_space<vmem>>, vector<1x16xf32>,
        %scan3A_202 = arith.constant 0 : i32
        %scan3A_203 = arith.constant 3 : i32
        %scan3A_204 = arith.addi %scan3A_148, %scan3A_203 : i32
        %mul3A_205 = arith.constant 16 : i32
        %mul3A_206 = arith.muli %scan3A_204, %mul3A_205 : i32
        %get3A_207 = arith.index_cast %scan3A_138 : i32 to index
        %get3A_208 = arith.index_cast %mul3A_206 : i32 to index
        %get3A_209 = tpu.vector_load %arg12[%get3A_207, %get3A_208] {strides = array<i32>} : memref<16x768xf32, #tpu.memory_space<vmem>>, vector<1x16xf32>,
        %get3A_210 = vector.shape_cast %get3A_209 : vector<1x16xf32> to vector<16xf32>
        %get3A_211 = arith.index_cast %scan3A_138 : i32 to index
        %get3A_212 = arith.index_cast %mul3A_206 : i32 to index
        %get3A_213 = tpu.vector_load %arg14[%get3A_211, %get3A_212] {strides = array<i32>} : memref<16x768xf32, #tpu.memory_space<vmem>>, vector<1x16xf32>,
        %get3A_214 = vector.shape_cast %get3A_213 : vector<1x16xf32> to vector<16xf32>
        %add3A_215 = arith.addf %get3A_210, %get3A_214 : vector<16xf32>
        %swap3A_216 = arith.index_cast %scan3A_138 : i32 to index
        %swap3A_217 = arith.index_cast %mul3A_206 : i32 to index
        %swap3A_218 = tpu.vector_load %arg16[%swap3A_216, %swap3A_217] {strides = array<i32>} : memref<16x768xf32, #tpu.memory_space<vmem>>, vector<1x16xf32>,
        %swap3A_219 = vector.shape_cast %swap3A_218 : vector<1x16xf32> to vector<16xf32>
        %swap3A_220 = vector.shape_cast %add3A_215 : vector<16xf32> to vector<1x16xf32>
        tpu.vector_store %arg16[%swap3A_216, %swap3A_217], %swap3A_220 {add = true, strides = array<i32>} : memref<16x768xf32, #tpu.memory_space<vmem>>, vector<1x16xf32>,
        %scan3A_221 = arith.constant 0 : i32
        %scan3A_222 = arith.constant 4 : i32
        %scan3A_223 = arith.addi %scan3A_148, %scan3A_222 : i32
        %mul3A_224 = arith.constant 16 : i32
        %mul3A_225 = arith.muli %scan3A_223, %mul3A_224 : i32
        %get3A_226 = arith.index_cast %scan3A_138 : i32 to index
        %get3A_227 = arith.index_cast %mul3A_225 : i32 to index
        %get3A_228 = tpu.vector_load %arg12[%get3A_226, %get3A_227] {strides = array<i32>} : memref<16x768xf32, #tpu.memory_space<vmem>>, vector<1x16xf32>,
        %get3A_229 = vector.shape_cast %get3A_228 : vector<1x16xf32> to vector<16xf32>
        %get3A_230 = arith.index_cast %scan3A_138 : i32 to index
        %get3A_231 = arith.index_cast %mul3A_225 : i32 to index
        %get3A_232 = tpu.vector_load %arg14[%get3A_230, %get3A_231] {strides = array<i32>} : memref<16x768xf32, #tpu.memory_space<vmem>>, vector<1x16xf32>,
        %get3A_233 = vector.shape_cast %get3A_232 : vector<1x16xf32> to vector<16xf32>
        %add3A_234 = arith.addf %get3A_229, %get3A_233 : vector<16xf32>
        %swap3A_235 = arith.index_cast %scan3A_138 : i32 to index
        %swap3A_236 = arith.index_cast %mul3A_225 : i32 to index
        %swap3A_237 = tpu.vector_load %arg16[%swap3A_235, %swap3A_236] {strides = array<i32>} : memref<16x768xf32, #tpu.memory_space<vmem>>, vector<1x16xf32>,
        %swap3A_238 = vector.shape_cast %swap3A_237 : vector<1x16xf32> to vector<16xf32>
        %swap3A_239 = vector.shape_cast %add3A_234 : vector<16xf32> to vector<1x16xf32>
        tpu.vector_store %arg16[%swap3A_235, %swap3A_236], %swap3A_239 {add = true, strides = array<i32>} : memref<16x768xf32, #tpu.memory_space<vmem>>, vector<1x16xf32>,
        %scan3A_240 = arith.constant 0 : i32
        %scan3A_241 = arith.constant 5 : i32
        %scan3A_242 = arith.addi %scan3A_148, %scan3A_241 : i32
        %mul3A_243 = arith.constant 16 : i32
        %mul3A_244 = arith.muli %scan3A_242, %mul3A_243 : i32
        %get3A_245 = arith.index_cast %scan3A_138 : i32 to index
        %get3A_246 = arith.index_cast %mul3A_244 : i32 to index
        %get3A_247 = tpu.vector_load %arg12[%get3A_245, %get3A_246] {strides = array<i32>} : memref<16x768xf32, #tpu.memory_space<vmem>>, vector<1x16xf32>,
        %get3A_248 = vector.shape_cast %get3A_247 : vector<1x16xf32> to vector<16xf32>
        %get3A_249 = arith.index_cast %scan3A_138 : i32 to index
        %get3A_250 = arith.index_cast %mul3A_244 : i32 to index
        %get3A_251 = tpu.vector_load %arg14[%get3A_249, %get3A_250] {strides = array<i32>} : memref<16x768xf32, #tpu.memory_space<vmem>>, vector<1x16xf32>,
        %get3A_252 = vector.shape_cast %get3A_251 : vector<1x16xf32> to vector<16xf32>
        %add3A_253 = arith.addf %get3A_248, %get3A_252 : vector<16xf32>
        %swap3A_254 = arith.index_cast %scan3A_138 : i32 to index
        %swap3A_255 = arith.index_cast %mul3A_244 : i32 to index
        %swap3A_256 = tpu.vector_load %arg16[%swap3A_254, %swap3A_255] {strides = array<i32>} : memref<16x768xf32, #tpu.memory_space<vmem>>, vector<1x16xf32>,
        %swap3A_257 = vector.shape_cast %swap3A_256 : vector<1x16xf32> to vector<16xf32>
        %swap3A_258 = vector.shape_cast %add3A_253 : vector<16xf32> to vector<1x16xf32>
        tpu.vector_store %arg16[%swap3A_254, %swap3A_255], %swap3A_258 {add = true, strides = array<i32>} : memref<16x768xf32, #tpu.memory_space<vmem>>, vector<1x16xf32>,
        %scan3A_259 = arith.constant 0 : i32
        %scan3A_260 = arith.constant 6 : i32
        %scan3A_261 = arith.addi %scan3A_148, %scan3A_260 : i32
        %mul3A_262 = arith.constant 16 : i32
        %mul3A_263 = arith.muli %scan3A_261, %mul3A_262 : i32
        %get3A_264 = arith.index_cast %scan3A_138 : i32 to index
        %get3A_265 = arith.index_cast %mul3A_263 : i32 to index
        %get3A_266 = tpu.vector_load %arg12[%get3A_264, %get3A_265] {strides = array<i32>} : memref<16x768xf32, #tpu.memory_space<vmem>>, vector<1x16xf32>,
        %get3A_267 = vector.shape_cast %get3A_266 : vector<1x16xf32> to vector<16xf32>
        %get3A_268 = arith.index_cast %scan3A_138 : i32 to index
        %get3A_269 = arith.index_cast %mul3A_263 : i32 to index
        %get3A_270 = tpu.vector_load %arg14[%get3A_268, %get3A_269] {strides = array<i32>} : memref<16x768xf32, #tpu.memory_space<vmem>>, vector<1x16xf32>,
        %get3A_271 = vector.shape_cast %get3A_270 : vector<1x16xf32> to vector<16xf32>
        %add3A_272 = arith.addf %get3A_267, %get3A_271 : vector<16xf32>
        %swap3A_273 = arith.index_cast %scan3A_138 : i32 to index
        %swap3A_274 = arith.index_cast %mul3A_263 : i32 to index
        %swap3A_275 = tpu.vector_load %arg16[%swap3A_273, %swap3A_274] {strides = array<i32>} : memref<16x768xf32, #tpu.memory_space<vmem>>, vector<1x16xf32>,
        %swap3A_276 = vector.shape_cast %swap3A_275 : vector<1x16xf32> to vector<16xf32>
        %swap3A_277 = vector.shape_cast %add3A_272 : vector<16xf32> to vector<1x16xf32>
        tpu.vector_store %arg16[%swap3A_273, %swap3A_274], %swap3A_277 {add = true, strides = array<i32>} : memref<16x768xf32, #tpu.memory_space<vmem>>, vector<1x16xf32>,
        %scan3A_278 = arith.constant 0 : i32
        %scan3A_279 = arith.constant 7 : i32
        %scan3A_280 = arith.addi %scan3A_148, %scan3A_279 : i32
        %mul3A_281 = arith.constant 16 : i32
        %mul3A_282 = arith.muli %scan3A_280, %mul3A_281 : i32
        %get3A_283 = arith.index_cast %scan3A_138 : i32 to index
        %get3A_284 = arith.index_cast %mul3A_282 : i32 to index
        %get3A_285 = tpu.vector_load %arg12[%get3A_283, %get3A_284] {strides = array<i32>} : memref<16x768xf32, #tpu.memory_space<vmem>>, vector<1x16xf32>,
        %get3A_286 = vector.shape_cast %get3A_285 : vector<1x16xf32> to vector<16xf32>
        %get3A_287 = arith.index_cast %scan3A_138 : i32 to index
        %get3A_288 = arith.index_cast %mul3A_282 : i32 to index
        %get3A_289 = tpu.vector_load %arg14[%get3A_287, %get3A_288] {strides = array<i32>} : memref<16x768xf32, #tpu.memory_space<vmem>>, vector<1x16xf32>,
        %get3A_290 = vector.shape_cast %get3A_289 : vector<1x16xf32> to vector<16xf32>
        %add3A_291 = arith.addf %get3A_286, %get3A_290 : vector<16xf32>
        %swap3A_292 = arith.index_cast %scan3A_138 : i32 to index
        %swap3A_293 = arith.index_cast %mul3A_282 : i32 to index
        %swap3A_294 = tpu.vector_load %arg16[%swap3A_292, %swap3A_293] {strides = array<i32>} : memref<16x768xf32, #tpu.memory_space<vmem>>, vector<1x16xf32>,
        %swap3A_295 = vector.shape_cast %swap3A_294 : vector<1x16xf32> to vector<16xf32>
        %swap3A_296 = vector.shape_cast %add3A_291 : vector<16xf32> to vector<1x16xf32>
        tpu.vector_store %arg16[%swap3A_292, %swap3A_293], %swap3A_296 {add = true, strides = array<i32>} : memref<16x768xf32, #tpu.memory_space<vmem>>, vector<1x16xf32>,
        %scan3A_297 = arith.constant 0 : i32
        scf.yield %scan3A_297 : i32
      }
      %scan3A_146 = arith.constant 48 : i32
      %scan3A_147 = arith.constant 0 : i32
      scf.yield %scan3A_147 : i32
    }
    %scan3A_133 = arith.constant 16 : i32
    %mul3A_134 = arith.constant 64 : i32
    %mul3A_135 = arith.muli %add3A, %mul3A_134 : i32
    %add3A_136 = arith.constant 48 : i32
    %add3A_137 = arith.addi %mul3A_135, %add3A_136 : i32
    "tpu.region"() ({
      %run_scoped3A = tpu.sem_alloc : memref<!tpu.dma_semaphore, #tpu.memory_space<semaphore_mem>>
      %dma_start3A_138 = arith.constant 0 : i32
      %dma_start3A_139 = tpu.memref_slice %arg6[%add3A_137, %dma_start3A_138] : memref<2048x768xf32, #tpu.memory_space<hbm>> -> memref<16x768xf32, #tpu.memory_space<hbm>>
      %dma_start3A_140 = arith.constant 0 : i32
      %dma_start3A_141 = tpu.memref_slice %arg6[%add3A_137, %dma_start3A_140] : memref<2048x768xf32, #tpu.memory_space<hbm>> -> memref<16x768xf32, #tpu.memory_space<hbm>>
      tpu.enqueue_dma source(%arg16 : memref<16x768xf32, #tpu.memory_space<vmem>>) target(%dma_start3A_141 : memref<16x768xf32, #tpu.memory_space<hbm>>) target_semaphore(%run_scoped3A : memref<!tpu.dma_semaphore, #tpu.memory_space<semaphore_mem>>)
      %dma_wait3A_142 = arith.constant 0 : i32
      %dma_wait3A_143 = tpu.memref_slice %arg6[%add3A_137, %dma_wait3A_142] : memref<2048x768xf32, #tpu.memory_space<hbm>> -> memref<16x768xf32, #tpu.memory_space<hbm>>
      %dma_wait3A_144 = arith.constant 0 : i32
      %dma_wait3A_145 = tpu.memref_slice %arg6[%add3A_137, %dma_wait3A_144] : memref<2048x768xf32, #tpu.memory_space<hbm>> -> memref<16x768xf32, #tpu.memory_space<hbm>>
      tpu.wait_dma2 semaphore(%run_scoped3A : memref<!tpu.dma_semaphore, #tpu.memory_space<semaphore_mem>>) src(%arg16 : memref<16x768xf32, #tpu.memory_space<vmem>>) dst(%dma_wait3A_145 : memref<16x768xf32, #tpu.memory_space<hbm>>)
      tpu.yield
    }) : () -> ()
    return
  }
}

#map = affine_map<(d0, d1) -> (0, 0)>
#map1 = affine_map<(d0, d1) -> (0)>
module attributes {stable_mosaic.version = 14 : i64} {
  func.func @scatter_k(%arg0: i32, %arg1: i32, %arg2: memref<2048x768xf32, #tpu.memory_space<hbm>>, %arg3: memref<2048xi32, #tpu.memory_space<hbm>>, %arg4: memref<2048xi32, #tpu.memory_space<hbm>>, %arg5: memref<2048x128xf32, #tpu.memory_space<hbm>>, %arg6: memref<2048x128xf32, #tpu.memory_space<hbm>>, %arg7: memref<8192x768xf32, #tpu.memory_space<hbm>>, %arg8: memref<8192x128xf32, #tpu.memory_space<hbm>>, %arg9: memref<64xi32, #tpu.memory_space<vmem>>, %arg10: memref<64xi32, #tpu.memory_space<vmem>>, %arg11: memref<64x768xf32, #tpu.memory_space<vmem>>, %arg12: memref<64x128xf32, #tpu.memory_space<vmem>>, %arg13: memref<64x128xf32, #tpu.memory_space<vmem>>, %arg14: memref<!tpu.dma_semaphore, #tpu.memory_space<semaphore_mem>>) attributes {dimension_semantics = [#tpu.dimension_semantics<core_parallel>, #tpu.dimension_semantics<subcore_parallel>], iteration_bounds = array<i64: 2, 16>, scalar_prefetch = 0 : i64, scratch_operands = 6 : i64, tpu.core_type = #tpu.core_type<sc_vector_subcore>, window_params = [{transform_indices = #map}, {transform_indices = #map1}, {transform_indices = #map1}, {transform_indices = #map}, {transform_indices = #map}, {transform_indices = #map}, {transform_indices = #map}]} {
    %mul3A = arith.constant 2 : i32
    %mul3A_0 = arith.muli %arg1, %mul3A : i32
    %add3A = arith.addi %mul3A_0, %arg0 : i32
    %mul3A_1 = arith.constant 64 : i32
    %mul3A_2 = arith.muli %add3A, %mul3A_1 : i32
    "tpu.region"() ({
      %run_scoped3A = tpu.sem_alloc : memref<!tpu.dma_semaphore, #tpu.memory_space<semaphore_mem>>
      %dma_start3A_25 = arith.constant 0 : i32
      %dma_start3A_26 = tpu.memref_slice %arg2[%mul3A_2, %dma_start3A_25] : memref<2048x768xf32, #tpu.memory_space<hbm>> -> memref<64x768xf32, #tpu.memory_space<hbm>>
      %dma_start3A_27 = arith.constant 0 : i32
      %dma_start3A_28 = tpu.memref_slice %arg2[%mul3A_2, %dma_start3A_27] : memref<2048x768xf32, #tpu.memory_space<hbm>> -> memref<64x768xf32, #tpu.memory_space<hbm>>
      tpu.enqueue_dma source(%dma_start3A_28 : memref<64x768xf32, #tpu.memory_space<hbm>>) target(%arg11 : memref<64x768xf32, #tpu.memory_space<vmem>>) target_semaphore(%run_scoped3A : memref<!tpu.dma_semaphore, #tpu.memory_space<semaphore_mem>>)
      %dma_wait3A_29 = arith.constant 0 : i32
      %dma_wait3A_30 = tpu.memref_slice %arg2[%mul3A_2, %dma_wait3A_29] : memref<2048x768xf32, #tpu.memory_space<hbm>> -> memref<64x768xf32, #tpu.memory_space<hbm>>
      %dma_wait3A_31 = arith.constant 0 : i32
      %dma_wait3A_32 = tpu.memref_slice %arg2[%mul3A_2, %dma_wait3A_31] : memref<2048x768xf32, #tpu.memory_space<hbm>> -> memref<64x768xf32, #tpu.memory_space<hbm>>
      tpu.wait_dma2 semaphore(%run_scoped3A : memref<!tpu.dma_semaphore, #tpu.memory_space<semaphore_mem>>) src(%dma_wait3A_32 : memref<64x768xf32, #tpu.memory_space<hbm>>) dst(%arg11 : memref<64x768xf32, #tpu.memory_space<vmem>>)
      tpu.yield
    }) : () -> ()
    "tpu.region"() ({
      %run_scoped3A = tpu.sem_alloc : memref<!tpu.dma_semaphore, #tpu.memory_space<semaphore_mem>>
      %dma_start3A_25 = tpu.memref_slice %arg3[%mul3A_2] : memref<2048xi32, #tpu.memory_space<hbm>> -> memref<64xi32, #tpu.memory_space<hbm>>
      %dma_start3A_26 = tpu.memref_slice %arg3[%mul3A_2] : memref<2048xi32, #tpu.memory_space<hbm>> -> memref<64xi32, #tpu.memory_space<hbm>>
      tpu.enqueue_dma source(%dma_start3A_26 : memref<64xi32, #tpu.memory_space<hbm>>) target(%arg9 : memref<64xi32, #tpu.memory_space<vmem>>) target_semaphore(%run_scoped3A : memref<!tpu.dma_semaphore, #tpu.memory_space<semaphore_mem>>)
      %dma_wait3A_27 = tpu.memref_slice %arg3[%mul3A_2] : memref<2048xi32, #tpu.memory_space<hbm>> -> memref<64xi32, #tpu.memory_space<hbm>>
      %dma_wait3A_28 = tpu.memref_slice %arg3[%mul3A_2] : memref<2048xi32, #tpu.memory_space<hbm>> -> memref<64xi32, #tpu.memory_space<hbm>>
      tpu.wait_dma2 semaphore(%run_scoped3A : memref<!tpu.dma_semaphore, #tpu.memory_space<semaphore_mem>>) src(%dma_wait3A_28 : memref<64xi32, #tpu.memory_space<hbm>>) dst(%arg9 : memref<64xi32, #tpu.memory_space<vmem>>)
      tpu.yield
    }) : () -> ()
    "tpu.region"() ({
      %run_scoped3A = tpu.sem_alloc : memref<!tpu.dma_semaphore, #tpu.memory_space<semaphore_mem>>
      %dma_start3A_25 = tpu.memref_slice %arg4[%mul3A_2] : memref<2048xi32, #tpu.memory_space<hbm>> -> memref<64xi32, #tpu.memory_space<hbm>>
      %dma_start3A_26 = tpu.memref_slice %arg4[%mul3A_2] : memref<2048xi32, #tpu.memory_space<hbm>> -> memref<64xi32, #tpu.memory_space<hbm>>
      tpu.enqueue_dma source(%dma_start3A_26 : memref<64xi32, #tpu.memory_space<hbm>>) target(%arg10 : memref<64xi32, #tpu.memory_space<vmem>>) target_semaphore(%run_scoped3A : memref<!tpu.dma_semaphore, #tpu.memory_space<semaphore_mem>>)
      %dma_wait3A_27 = tpu.memref_slice %arg4[%mul3A_2] : memref<2048xi32, #tpu.memory_space<hbm>> -> memref<64xi32, #tpu.memory_space<hbm>>
      %dma_wait3A_28 = tpu.memref_slice %arg4[%mul3A_2] : memref<2048xi32, #tpu.memory_space<hbm>> -> memref<64xi32, #tpu.memory_space<hbm>>
      tpu.wait_dma2 semaphore(%run_scoped3A : memref<!tpu.dma_semaphore, #tpu.memory_space<semaphore_mem>>) src(%dma_wait3A_28 : memref<64xi32, #tpu.memory_space<hbm>>) dst(%arg10 : memref<64xi32, #tpu.memory_space<vmem>>)
      tpu.yield
    }) : () -> ()
    "tpu.region"() ({
      %run_scoped3A = tpu.sem_alloc : memref<!tpu.dma_semaphore, #tpu.memory_space<semaphore_mem>>
      %dma_start3A_25 = arith.constant 0 : i32
      %dma_start3A_26 = tpu.memref_slice %arg5[%mul3A_2, %dma_start3A_25] : memref<2048x128xf32, #tpu.memory_space<hbm>> -> memref<64x128xf32, #tpu.memory_space<hbm>>
      %dma_start3A_27 = arith.constant 0 : i32
      %dma_start3A_28 = tpu.memref_slice %arg5[%mul3A_2, %dma_start3A_27] : memref<2048x128xf32, #tpu.memory_space<hbm>> -> memref<64x128xf32, #tpu.memory_space<hbm>>
      tpu.enqueue_dma source(%dma_start3A_28 : memref<64x128xf32, #tpu.memory_space<hbm>>) target(%arg12 : memref<64x128xf32, #tpu.memory_space<vmem>>) target_semaphore(%run_scoped3A : memref<!tpu.dma_semaphore, #tpu.memory_space<semaphore_mem>>)
      %dma_wait3A_29 = arith.constant 0 : i32
      %dma_wait3A_30 = tpu.memref_slice %arg5[%mul3A_2, %dma_wait3A_29] : memref<2048x128xf32, #tpu.memory_space<hbm>> -> memref<64x128xf32, #tpu.memory_space<hbm>>
      %dma_wait3A_31 = arith.constant 0 : i32
      %dma_wait3A_32 = tpu.memref_slice %arg5[%mul3A_2, %dma_wait3A_31] : memref<2048x128xf32, #tpu.memory_space<hbm>> -> memref<64x128xf32, #tpu.memory_space<hbm>>
      tpu.wait_dma2 semaphore(%run_scoped3A : memref<!tpu.dma_semaphore, #tpu.memory_space<semaphore_mem>>) src(%dma_wait3A_32 : memref<64x128xf32, #tpu.memory_space<hbm>>) dst(%arg12 : memref<64x128xf32, #tpu.memory_space<vmem>>)
      tpu.yield
    }) : () -> ()
    "tpu.region"() ({
      %run_scoped3A = tpu.sem_alloc : memref<!tpu.dma_semaphore, #tpu.memory_space<semaphore_mem>>
      %dma_start3A_25 = arith.constant 0 : i32
      %dma_start3A_26 = tpu.memref_slice %arg6[%mul3A_2, %dma_start3A_25] : memref<2048x128xf32, #tpu.memory_space<hbm>> -> memref<64x128xf32, #tpu.memory_space<hbm>>
      %dma_start3A_27 = arith.constant 0 : i32
      %dma_start3A_28 = tpu.memref_slice %arg6[%mul3A_2, %dma_start3A_27] : memref<2048x128xf32, #tpu.memory_space<hbm>> -> memref<64x128xf32, #tpu.memory_space<hbm>>
      tpu.enqueue_dma source(%dma_start3A_28 : memref<64x128xf32, #tpu.memory_space<hbm>>) target(%arg13 : memref<64x128xf32, #tpu.memory_space<vmem>>) target_semaphore(%run_scoped3A : memref<!tpu.dma_semaphore, #tpu.memory_space<semaphore_mem>>)
      %dma_wait3A_29 = arith.constant 0 : i32
      %dma_wait3A_30 = tpu.memref_slice %arg6[%mul3A_2, %dma_wait3A_29] : memref<2048x128xf32, #tpu.memory_space<hbm>> -> memref<64x128xf32, #tpu.memory_space<hbm>>
      %dma_wait3A_31 = arith.constant 0 : i32
      %dma_wait3A_32 = tpu.memref_slice %arg6[%mul3A_2, %dma_wait3A_31] : memref<2048x128xf32, #tpu.memory_space<hbm>> -> memref<64x128xf32, #tpu.memory_space<hbm>>
      tpu.wait_dma2 semaphore(%run_scoped3A : memref<!tpu.dma_semaphore, #tpu.memory_space<semaphore_mem>>) src(%dma_wait3A_32 : memref<64x128xf32, #tpu.memory_space<hbm>>) dst(%arg13 : memref<64x128xf32, #tpu.memory_space<vmem>>)
      tpu.yield
    }) : () -> ()
    %dma_start3A = arith.constant 0 : i32
    %dma_start3A_3 = arith.constant 0 : i32
    %dma_start3A_4 = tpu.memref_slice %arg7[%dma_start3A, %dma_start3A_3] : memref<8192x768xf32, #tpu.memory_space<hbm>> -> memref<8192x768xf32, #tpu.memory_space<hbm>>
    tpu.enqueue_indirect_dma source(%arg11 : memref<64x768xf32, #tpu.memory_space<vmem>>) target(%dma_start3A_4 : memref<8192x768xf32, #tpu.memory_space<hbm>>) offsets(%arg9 : memref<64xi32, #tpu.memory_space<vmem>>) semaphore(%arg14 : memref<!tpu.dma_semaphore, #tpu.memory_space<semaphore_mem>>)
    %dma_start3A_5 = arith.constant 0 : i32
    %dma_start3A_6 = arith.constant 0 : i32
    %dma_start3A_7 = tpu.memref_slice %arg7[%dma_start3A_5, %dma_start3A_6] : memref<8192x768xf32, #tpu.memory_space<hbm>> -> memref<8192x768xf32, #tpu.memory_space<hbm>>
    tpu.enqueue_indirect_dma source(%arg11 : memref<64x768xf32, #tpu.memory_space<vmem>>) target(%dma_start3A_7 : memref<8192x768xf32, #tpu.memory_space<hbm>>) offsets(%arg10 : memref<64xi32, #tpu.memory_space<vmem>>) semaphore(%arg14 : memref<!tpu.dma_semaphore, #tpu.memory_space<semaphore_mem>>)
    %dma_start3A_8 = arith.constant 0 : i32
    %dma_start3A_9 = arith.constant 0 : i32
    %dma_start3A_10 = tpu.memref_slice %arg8[%dma_start3A_8, %dma_start3A_9] : memref<8192x128xf32, #tpu.memory_space<hbm>> -> memref<8192x128xf32, #tpu.memory_space<hbm>>
    tpu.enqueue_indirect_dma source(%arg12 : memref<64x128xf32, #tpu.memory_space<vmem>>) target(%dma_start3A_10 : memref<8192x128xf32, #tpu.memory_space<hbm>>) offsets(%arg9 : memref<64xi32, #tpu.memory_space<vmem>>) semaphore(%arg14 : memref<!tpu.dma_semaphore, #tpu.memory_space<semaphore_mem>>)
    %dma_start3A_11 = arith.constant 0 : i32
    %dma_start3A_12 = arith.constant 0 : i32
    %dma_start3A_13 = tpu.memref_slice %arg8[%dma_start3A_11, %dma_start3A_12] : memref<8192x128xf32, #tpu.memory_space<hbm>> -> memref<8192x128xf32, #tpu.memory_space<hbm>>
    tpu.enqueue_indirect_dma source(%arg13 : memref<64x128xf32, #tpu.memory_space<vmem>>) target(%dma_start3A_13 : memref<8192x128xf32, #tpu.memory_space<hbm>>) offsets(%arg10 : memref<64xi32, #tpu.memory_space<vmem>>) semaphore(%arg14 : memref<!tpu.dma_semaphore, #tpu.memory_space<semaphore_mem>>)
    %dma_wait3A = arith.constant 0 : i32
    %dma_wait3A_14 = arith.constant 0 : i32
    %dma_wait3A_15 = tpu.memref_slice %arg7[%dma_wait3A, %dma_wait3A_14] : memref<8192x768xf32, #tpu.memory_space<hbm>> -> memref<8192x768xf32, #tpu.memory_space<hbm>>
    tpu.wait_indirect_dma semaphore(%arg14 : memref<!tpu.dma_semaphore, #tpu.memory_space<semaphore_mem>>) src(%arg11 : memref<64x768xf32, #tpu.memory_space<vmem>>) dst(%dma_wait3A_15 : memref<8192x768xf32, #tpu.memory_space<hbm>>)
    %dma_wait3A_16 = arith.constant 0 : i32
    %dma_wait3A_17 = arith.constant 0 : i32
    %dma_wait3A_18 = tpu.memref_slice %arg7[%dma_wait3A_16, %dma_wait3A_17] : memref<8192x768xf32, #tpu.memory_space<hbm>> -> memref<8192x768xf32, #tpu.memory_space<hbm>>
    tpu.wait_indirect_dma semaphore(%arg14 : memref<!tpu.dma_semaphore, #tpu.memory_space<semaphore_mem>>) src(%arg11 : memref<64x768xf32, #tpu.memory_space<vmem>>) dst(%dma_wait3A_18 : memref<8192x768xf32, #tpu.memory_space<hbm>>)
    %dma_wait3A_19 = arith.constant 0 : i32
    %dma_wait3A_20 = arith.constant 0 : i32
    %dma_wait3A_21 = tpu.memref_slice %arg8[%dma_wait3A_19, %dma_wait3A_20] : memref<8192x128xf32, #tpu.memory_space<hbm>> -> memref<8192x128xf32, #tpu.memory_space<hbm>>
    tpu.wait_indirect_dma semaphore(%arg14 : memref<!tpu.dma_semaphore, #tpu.memory_space<semaphore_mem>>) src(%arg12 : memref<64x128xf32, #tpu.memory_space<vmem>>) dst(%dma_wait3A_21 : memref<8192x128xf32, #tpu.memory_space<hbm>>)
    %dma_wait3A_22 = arith.constant 0 : i32
    %dma_wait3A_23 = arith.constant 0 : i32
    %dma_wait3A_24 = tpu.memref_slice %arg8[%dma_wait3A_22, %dma_wait3A_23] : memref<8192x128xf32, #tpu.memory_space<hbm>> -> memref<8192x128xf32, #tpu.memory_space<hbm>>
    tpu.wait_indirect_dma semaphore(%arg14 : memref<!tpu.dma_semaphore, #tpu.memory_space<semaphore_mem>>) src(%arg13 : memref<64x128xf32, #tpu.memory_space<vmem>>) dst(%dma_wait3A_24 : memref<8192x128xf32, #tpu.memory_space<hbm>>)
    return
  }
}

module attributes {stable_mosaic.version = 14 : i64} {
  func.func @_gemm_body(%arg0: i32, %arg1: memref<16x1xi32, #tpu.memory_space<smem>>, %arg2: memref<16x1xi32, #tpu.memory_space<smem>>, %arg3: memref<512x768xf32, #tpu.memory_space<vmem>>, %arg4: memref<512x128xf32, #tpu.memory_space<vmem>>, %arg5: memref<1x768x1536xf32, #tpu.memory_space<vmem>>, %arg6: memref<1x768x768xf32, #tpu.memory_space<vmem>>, %arg7: memref<512x768xf32, #tpu.memory_space<vmem>>, %arg8: memref<768x1536xbf16, #tpu.memory_space<vmem>>, %arg9: memref<768x768xbf16, #tpu.memory_space<vmem>>) attributes {dimension_semantics = [#tpu.dimension_semantics<arbitrary>], iteration_bounds = array<i64: 16>, scalar_prefetch = 2 : i64, scratch_operands = 2 : i64, tpu.core_type = #tpu.core_type<tc>, window_params = [{transform_indices = @transform_0, window_bounds = array<i64: 512, 768>}, {transform_indices = @transform_1, window_bounds = array<i64: 512, 128>}, {transform_indices = @transform_2, window_bounds = array<i64: 1, 768, 1536>}, {transform_indices = @transform_3, window_bounds = array<i64: 1, 768, 768>}, {transform_indices = @transform_4, window_bounds = array<i64: 512, 768>}]} {
    %sub3A = arith.constant 1 : i32
    %sub3A_0 = arith.subi %arg0, %sub3A : i32
    %max3A = arith.constant 0 : i32
    %max3A_1 = arith.maxsi %sub3A_0, %max3A : i32
    %get3A = arith.index_cast %max3A_1 : i32 to index
    %get3A_2 = arith.constant 0 : index
    %get3A_3 = memref.load %arg1[%get3A, %get3A_2] : memref<16x1xi32, #tpu.memory_space<smem>>
    %eq3A = arith.constant 0 : i32
    %eq3A_4 = arith.cmpi eq, %arg0, %eq3A : i32
    %get3A_5 = arith.index_cast %arg0 : i32 to index
    %get3A_6 = arith.constant 0 : index
    %get3A_7 = memref.load %arg1[%get3A_5, %get3A_6] : memref<16x1xi32, #tpu.memory_space<smem>>
    %ne3A = arith.cmpi ne, %get3A_7, %get3A_3 : i32
    %or3A = arith.ori %eq3A_4, %ne3A : i1
    %convert_element_type3A = arith.extui %or3A : i1 to i32
    %cond3A = arith.constant 0 : i32
    %cond3A_8 = arith.cmpi ne, %convert_element_type3A, %cond3A : i32
    scf.if %cond3A_8 {
      %get3A_16 = arith.constant 0 : index
      %get3A_17 = arith.constant 0 : index
      %get3A_18 = arith.constant 0 : index
      %get3A_19 = vector.load %arg5[%get3A_16, %get3A_17, %get3A_18] : memref<1x768x1536xf32, #tpu.memory_space<vmem>>, vector<1x768x1536xf32>
      %get3A_20 = vector.shape_cast %get3A_19 : vector<1x768x1536xf32> to vector<768x1536xf32>
      %convert_element_type3A_21 = arith.truncf %get3A_20 : vector<768x1536xf32> to vector<768x1536xbf16>
      %swap3A = arith.constant 0 : index
      %swap3A_22 = arith.constant 0 : index
      %swap3A_23 = vector.load %arg8[%swap3A, %swap3A_22] : memref<768x1536xbf16, #tpu.memory_space<vmem>>, vector<768x1536xbf16>
      tpu.vector_store %arg8[%swap3A, %swap3A_22], %convert_element_type3A_21 {strides = array<i32>} : memref<768x1536xbf16, #tpu.memory_space<vmem>>, vector<768x1536xbf16>,
      %get3A_24 = arith.constant 0 : index
      %get3A_25 = arith.constant 0 : index
      %get3A_26 = arith.constant 0 : index
      %get3A_27 = vector.load %arg6[%get3A_24, %get3A_25, %get3A_26] : memref<1x768x768xf32, #tpu.memory_space<vmem>>, vector<1x768x768xf32>
      %get3A_28 = vector.shape_cast %get3A_27 : vector<1x768x768xf32> to vector<768x768xf32>
      %convert_element_type3A_29 = arith.truncf %get3A_28 : vector<768x768xf32> to vector<768x768xbf16>
      %swap3A_30 = arith.constant 0 : index
      %swap3A_31 = arith.constant 0 : index
      %swap3A_32 = vector.load %arg9[%swap3A_30, %swap3A_31] : memref<768x768xbf16, #tpu.memory_space<vmem>>, vector<768x768xbf16>
      tpu.vector_store %arg9[%swap3A_30, %swap3A_31], %convert_element_type3A_29 {strides = array<i32>} : memref<768x768xbf16, #tpu.memory_space<vmem>>, vector<768x768xbf16>,
    } else {
    }
    %get3A_9 = arith.index_cast %arg0 : i32 to index
    %get3A_10 = arith.constant 0 : index
    %get3A_11 = memref.load %arg2[%get3A_9, %get3A_10] : memref<16x1xi32, #tpu.memory_space<smem>>
    %gt3A = arith.constant 0 : i32
    %gt3A_12 = arith.cmpi sgt, %get3A_11, %gt3A : i32
    %convert_element_type3A_13 = arith.extui %gt3A_12 : i1 to i32
    %cond3A_14 = arith.constant 0 : i32
    %cond3A_15 = arith.cmpi ne, %convert_element_type3A_13, %cond3A_14 : i32
    scf.if %cond3A_15 {
      %get3A_16 = arith.constant 0 : index
      %get3A_17 = arith.constant 0 : index
      %get3A_18 = vector.load %arg3[%get3A_16, %get3A_17] : memref<512x768xf32, #tpu.memory_space<vmem>>, vector<512x768xf32>
      %convert_element_type3A_19 = arith.truncf %get3A_18 : vector<512x768xf32> to vector<512x768xbf16>
      %get3A_20 = arith.constant 0 : index
      %get3A_21 = arith.constant 0 : index
      %get3A_22 = vector.load %arg8[%get3A_20, %get3A_21] : memref<768x1536xbf16, #tpu.memory_space<vmem>>, vector<768x1536xbf16>
      %dot_general3A = arith.constant dense<0.000000e+00> : vector<512x1536xf32>
      %dot_general3A_23 = tpu.matmul %convert_element_type3A_19, %get3A_22, %dot_general3A {dimension_numbers = #tpu.dot_dimension_numbers<[1], [0], [0], [1], [0, 0, 1, 1], [], []>, transpose_lhs_hint = false} : vector<512x768xbf16>, vector<768x1536xbf16>, vector<512x1536xf32> -> vector<512x1536xf32>
      %slice3A = vector.extract_strided_slice %dot_general3A_23 {offsets = [0, 0], sizes = [512, 768], strides = [1, 1]} : vector<512x1536xf32> to vector<512x768xf32>
      %slice3A_24 = vector.extract_strided_slice %dot_general3A_23 {offsets = [0, 768], sizes = [512, 768], strides = [1, 1]} : vector<512x1536xf32> to vector<512x768xf32>
      %neg3A = arith.constant 0.000000e+00 : f32
      %neg3A_25 = vector.broadcast %neg3A : f32 to vector<512x768xf32>
      %neg3A_26 = arith.subf %neg3A_25, %slice3A : vector<512x768xf32>
      %exp3A = math.exp %neg3A_26 : vector<512x768xf32>
      %add3A = arith.constant 1.000000e+00 : f32
      %add3A_27 = vector.broadcast %add3A : f32 to vector<512x768xf32>
      %add3A_28 = arith.addf %add3A_27, %exp3A : vector<512x768xf32>
      %div3A = arith.constant 1.000000e+00 : f32
      %div3A_29 = vector.broadcast %div3A : f32 to vector<512x768xf32>
      %div3A_30 = arith.divf %div3A_29, %add3A_28 : vector<512x768xf32>
      %mul3A = arith.mulf %slice3A, %div3A_30 : vector<512x768xf32>
      %mul3A_31 = arith.mulf %mul3A, %slice3A_24 : vector<512x768xf32>
      %convert_element_type3A_32 = arith.truncf %mul3A_31 : vector<512x768xf32> to vector<512x768xbf16>
      %get3A_33 = arith.constant 0 : index
      %get3A_34 = arith.constant 0 : index
      %get3A_35 = vector.load %arg9[%get3A_33, %get3A_34] : memref<768x768xbf16, #tpu.memory_space<vmem>>, vector<768x768xbf16>
      %dot_general3A_36 = arith.constant dense<0.000000e+00> : vector<512x768xf32>
      %dot_general3A_37 = tpu.matmul %convert_element_type3A_32, %get3A_35, %dot_general3A_36 {dimension_numbers = #tpu.dot_dimension_numbers<[1], [0], [0], [1], [0, 0, 1, 1], [], []>, transpose_lhs_hint = false} : vector<512x768xbf16>, vector<768x768xbf16>, vector<512x768xf32> -> vector<512x768xf32>
      %get3A_38 = arith.constant 0 : index
      %get3A_39 = arith.constant 0 : index
      %get3A_40 = vector.load %arg4[%get3A_38, %get3A_39] : memref<512x128xf32, #tpu.memory_space<vmem>>, vector<512x1xf32>
      %mul3A_41 = vector.broadcast %get3A_40 : vector<512x1xf32> to vector<512x768xf32>
      %mul3A_42 = arith.mulf %dot_general3A_37, %mul3A_41 : vector<512x768xf32>
      %swap3A = arith.constant 0 : index
      %swap3A_43 = arith.constant 0 : index
      %swap3A_44 = vector.load %arg7[%swap3A, %swap3A_43] : memref<512x768xf32, #tpu.memory_space<vmem>>, vector<512x768xf32>
      tpu.vector_store %arg7[%swap3A, %swap3A_43], %mul3A_42 {strides = array<i32>} : memref<512x768xf32, #tpu.memory_space<vmem>>, vector<512x768xf32>,
    } else {
    }
    return
  }
  func.func @transform_0(%arg0: i32, %arg1: memref<16x1xi32, #tpu.memory_space<smem>>, %arg2: memref<16x1xi32, #tpu.memory_space<smem>>) -> (i32, i32) {
    %c0_i32 = arith.constant 0 : i32
    %c0_i32_0 = arith.constant 0 : i32
    return %arg0, %c0_i32 : i32, i32
  }
  func.func @transform_1(%arg0: i32, %arg1: memref<16x1xi32, #tpu.memory_space<smem>>, %arg2: memref<16x1xi32, #tpu.memory_space<smem>>) -> (i32, i32) {
    %c0_i32 = arith.constant 0 : i32
    %c0_i32_0 = arith.constant 0 : i32
    return %arg0, %c0_i32 : i32, i32
  }
  func.func @transform_2(%arg0: i32, %arg1: memref<16x1xi32, #tpu.memory_space<smem>>, %arg2: memref<16x1xi32, #tpu.memory_space<smem>>) -> (i32, i32, i32) {
    %get3A = arith.index_cast %arg0 : i32 to index
    %get3A_0 = arith.constant 0 : index
    %get3A_1 = memref.load %arg1[%get3A, %get3A_0] : memref<16x1xi32, #tpu.memory_space<smem>>
    %c0_i32 = arith.constant 0 : i32
    %c0_i32_2 = arith.constant 0 : i32
    %c0_i32_3 = arith.constant 0 : i32
    return %get3A_1, %c0_i32, %c0_i32_2 : i32, i32, i32
  }
  func.func @transform_3(%arg0: i32, %arg1: memref<16x1xi32, #tpu.memory_space<smem>>, %arg2: memref<16x1xi32, #tpu.memory_space<smem>>) -> (i32, i32, i32) {
    %get3A = arith.index_cast %arg0 : i32 to index
    %get3A_0 = arith.constant 0 : index
    %get3A_1 = memref.load %arg1[%get3A, %get3A_0] : memref<16x1xi32, #tpu.memory_space<smem>>
    %c0_i32 = arith.constant 0 : i32
    %c0_i32_2 = arith.constant 0 : i32
    %c0_i32_3 = arith.constant 0 : i32
    return %get3A_1, %c0_i32, %c0_i32_2 : i32, i32, i32
  }
  func.func @transform_4(%arg0: i32, %arg1: memref<16x1xi32, #tpu.memory_space<smem>>, %arg2: memref<16x1xi32, #tpu.memory_space<smem>>) -> (i32, i32) {
    %c0_i32 = arith.constant 0 : i32
    %c0_i32_0 = arith.constant 0 : i32
    return %arg0, %c0_i32 : i32, i32
  }
}

module attributes {stable_mosaic.version = 14 : i64} {
  func.func @_router_body(%arg0: memref<2048x8xf32, #tpu.memory_space<vmem>>, %arg1: memref<16x128xi32, #tpu.memory_space<vmem>>, %arg2: memref<16x128xi32, #tpu.memory_space<vmem>>, %arg3: memref<2048x128xf32, #tpu.memory_space<vmem>>, %arg4: memref<2048x128xf32, #tpu.memory_space<vmem>>, %arg5: memref<16x1xi32, #tpu.memory_space<vmem>>, %arg6: memref<16x1xi32, #tpu.memory_space<vmem>>) attributes {dimension_semantics = [], scalar_prefetch = 0 : i64, scratch_operands = 0 : i64, tpu.core_type = #tpu.core_type<tc>} {
    %get3A = arith.constant 0 : index
    %get3A_0 = arith.constant 0 : index
    %get3A_1 = vector.load %arg0[%get3A, %get3A_0] : memref<2048x8xf32, #tpu.memory_space<vmem>>, vector<2048x8xf32>
    %iota3A = tpu.iota {dimensions = array<i32: 1>} : vector<2048x8xi32>
    %reduce_max3A = arith.constant dense<0xFF800000> : vector<2048xf32>
    %reduce_max3A_2 = vector.multi_reduction <maximumf>, %get3A_1, %reduce_max3A [1] : vector<2048x8xf32> to vector<2048xf32>
    %broadcast_in_dim3A = vector.shape_cast %reduce_max3A_2 : vector<2048xf32> to vector<2048x1xf32>
    %eq3A = vector.broadcast %broadcast_in_dim3A : vector<2048x1xf32> to vector<2048x8xf32>
    %eq3A_3 = arith.cmpf oeq, %get3A_1, %eq3A : vector<2048x8xf32>
    %jit3A = arith.constant 8 : i32
    %broadcast_in_dim3A_4 = vector.broadcast %jit3A : i32 to vector<2048x8xi32>
    %select_n3A = arith.select %eq3A_3, %iota3A, %broadcast_in_dim3A_4 : vector<2048x8xi1>, vector<2048x8xi32>
    %reduce_min3A = arith.constant dense<2147483647> : vector<2048xi32>
    %reduce_min3A_5 = vector.multi_reduction <minsi>, %select_n3A, %reduce_min3A [1] : vector<2048x8xi32> to vector<2048xi32>
    %broadcast_in_dim3A_6 = vector.shape_cast %reduce_min3A_5 : vector<2048xi32> to vector<2048x1xi32>
    %eq3A_7 = vector.broadcast %broadcast_in_dim3A_6 : vector<2048x1xi32> to vector<2048x8xi32>
    %eq3A_8 = arith.cmpi eq, %iota3A, %eq3A_7 : vector<2048x8xi32>
    %jit3A_9 = arith.constant 0xFF800000 : f32
    %broadcast_in_dim3A_10 = vector.broadcast %jit3A_9 : f32 to vector<2048x8xf32>
    %select_n3A_11 = arith.select %eq3A_8, %broadcast_in_dim3A_10, %get3A_1 : vector<2048x8xi1>, vector<2048x8xf32>
    %reduce_max3A_12 = arith.constant dense<0xFF800000> : vector<2048xf32>
    %reduce_max3A_13 = vector.multi_reduction <maximumf>, %select_n3A_11, %reduce_max3A_12 [1] : vector<2048x8xf32> to vector<2048xf32>
    %broadcast_in_dim3A_14 = vector.shape_cast %reduce_max3A_13 : vector<2048xf32> to vector<2048x1xf32>
    %eq3A_15 = vector.broadcast %broadcast_in_dim3A_14 : vector<2048x1xf32> to vector<2048x8xf32>
    %eq3A_16 = arith.cmpf oeq, %select_n3A_11, %eq3A_15 : vector<2048x8xf32>
    %jit3A_17 = arith.constant 8 : i32
    %broadcast_in_dim3A_18 = vector.broadcast %jit3A_17 : i32 to vector<2048x8xi32>
    %select_n3A_19 = arith.select %eq3A_16, %iota3A, %broadcast_in_dim3A_18 : vector<2048x8xi1>, vector<2048x8xi32>
    %reduce_min3A_20 = arith.constant dense<2147483647> : vector<2048xi32>
    %reduce_min3A_21 = vector.multi_reduction <minsi>, %select_n3A_19, %reduce_min3A_20 [1] : vector<2048x8xi32> to vector<2048xi32>
    %broadcast_in_dim3A_22 = vector.shape_cast %reduce_min3A_21 : vector<2048xi32> to vector<2048x1xi32>
    %sub3A = arith.subf %broadcast_in_dim3A_14, %broadcast_in_dim3A : vector<2048x1xf32>
    %exp3A = math.exp %sub3A : vector<2048x1xf32>
    %add3A = arith.constant 1.000000e+00 : f32
    %add3A_23 = vector.broadcast %add3A : f32 to vector<2048x1xf32>
    %add3A_24 = arith.addf %add3A_23, %exp3A : vector<2048x1xf32>
    %div3A = arith.constant 1.000000e+00 : f32
    %div3A_25 = vector.broadcast %div3A : f32 to vector<2048x1xf32>
    %div3A_26 = arith.divf %div3A_25, %add3A_24 : vector<2048x1xf32>
    %add3A_27 = arith.constant 1.000000e+00 : f32
    %add3A_28 = vector.broadcast %add3A_27 : f32 to vector<2048x1xf32>
    %add3A_29 = arith.addf %add3A_28, %exp3A : vector<2048x1xf32>
    %div3A_30 = arith.divf %exp3A, %add3A_29 : vector<2048x1xf32>
    %broadcast_in_dim3A_31 = vector.shape_cast %div3A_26 : vector<2048x1xf32> to vector<2048x1xf32>
    %broadcast_in_dim3A_32 = vector.broadcast %broadcast_in_dim3A_31 : vector<2048x1xf32> to vector<2048x128xf32>
    %swap3A = arith.constant 0 : index
    %swap3A_33 = arith.constant 0 : index
    %swap3A_34 = vector.load %arg3[%swap3A, %swap3A_33] : memref<2048x128xf32, #tpu.memory_space<vmem>>, vector<2048x128xf32>
    tpu.vector_store %arg3[%swap3A, %swap3A_33], %broadcast_in_dim3A_32 {strides = array<i32>} : memref<2048x128xf32, #tpu.memory_space<vmem>>, vector<2048x128xf32>,
    %broadcast_in_dim3A_35 = vector.shape_cast %div3A_30 : vector<2048x1xf32> to vector<2048x1xf32>
    %broadcast_in_dim3A_36 = vector.broadcast %broadcast_in_dim3A_35 : vector<2048x1xf32> to vector<2048x128xf32>
    %swap3A_37 = arith.constant 0 : index
    %swap3A_38 = arith.constant 0 : index
    %swap3A_39 = vector.load %arg4[%swap3A_37, %swap3A_38] : memref<2048x128xf32, #tpu.memory_space<vmem>>, vector<2048x128xf32>
    tpu.vector_store %arg4[%swap3A_37, %swap3A_38], %broadcast_in_dim3A_36 {strides = array<i32>} : memref<2048x128xf32, #tpu.memory_space<vmem>>, vector<2048x128xf32>,
    %eq3A_40 = vector.broadcast %broadcast_in_dim3A_6 : vector<2048x1xi32> to vector<2048x8xi32>
    %eq3A_41 = arith.cmpi eq, %iota3A, %eq3A_40 : vector<2048x8xi32>
    %eq3A_42 = vector.broadcast %broadcast_in_dim3A_22 : vector<2048x1xi32> to vector<2048x8xi32>
    %eq3A_43 = arith.cmpi eq, %iota3A, %eq3A_42 : vector<2048x8xi32>
    %or3A = arith.ori %eq3A_41, %eq3A_43 : vector<2048x8xi1>
    %convert_element_type3A = arith.extui %or3A : vector<2048x8xi1> to vector<2048x8xi32>
    %convert_element_type3A_44 = arith.sitofp %convert_element_type3A : vector<2048x8xi32> to vector<2048x8xf32>
    %broadcast_in_dim3A_45 = arith.constant 0.000000e+00 : f32
    %broadcast_in_dim3A_46 = vector.broadcast %broadcast_in_dim3A_45 : f32 to vector<1x8xf32>
    %slice3A = vector.extract_strided_slice %convert_element_type3A_44 {offsets = [0, 0], sizes = [2047, 8], strides = [1, 1]} : vector<2048x8xf32> to vector<2047x8xf32>
    %concatenate3A = tpu.concatenate %broadcast_in_dim3A_46, %slice3A in 0 : vector<1x8xf32>, vector<2047x8xf32> -> vector<2048x8xf32>
    %add3A_47 = arith.addf %convert_element_type3A_44, %concatenate3A : vector<2048x8xf32>
    %broadcast_in_dim3A_48 = arith.constant 0.000000e+00 : f32
    %broadcast_in_dim3A_49 = vector.broadcast %broadcast_in_dim3A_48 : f32 to vector<2x8xf32>
    %slice3A_50 = vector.extract_strided_slice %add3A_47 {offsets = [0, 0], sizes = [2046, 8], strides = [1, 1]} : vector<2048x8xf32> to vector<2046x8xf32>
    %concatenate3A_51 = tpu.concatenate %broadcast_in_dim3A_49, %slice3A_50 in 0 : vector<2x8xf32>, vector<2046x8xf32> -> vector<2048x8xf32>
    %add3A_52 = arith.addf %add3A_47, %concatenate3A_51 : vector<2048x8xf32>
    %broadcast_in_dim3A_53 = arith.constant 0.000000e+00 : f32
    %broadcast_in_dim3A_54 = vector.broadcast %broadcast_in_dim3A_53 : f32 to vector<4x8xf32>
    %slice3A_55 = vector.extract_strided_slice %add3A_52 {offsets = [0, 0], sizes = [2044, 8], strides = [1, 1]} : vector<2048x8xf32> to vector<2044x8xf32>
    %concatenate3A_56 = tpu.concatenate %broadcast_in_dim3A_54, %slice3A_55 in 0 : vector<4x8xf32>, vector<2044x8xf32> -> vector<2048x8xf32>
    %add3A_57 = arith.addf %add3A_52, %concatenate3A_56 : vector<2048x8xf32>
    %broadcast_in_dim3A_58 = arith.constant 0.000000e+00 : f32
    %broadcast_in_dim3A_59 = vector.broadcast %broadcast_in_dim3A_58 : f32 to vector<8x8xf32>
    %slice3A_60 = vector.extract_strided_slice %add3A_57 {offsets = [0, 0], sizes = [2040, 8], strides = [1, 1]} : vector<2048x8xf32> to vector<2040x8xf32>
    %concatenate3A_61 = tpu.concatenate %broadcast_in_dim3A_59, %slice3A_60 in 0 : vector<8x8xf32>, vector<2040x8xf32> -> vector<2048x8xf32>
    %add3A_62 = arith.addf %add3A_57, %concatenate3A_61 : vector<2048x8xf32>
    %broadcast_in_dim3A_63 = arith.constant 0.000000e+00 : f32
    %broadcast_in_dim3A_64 = vector.broadcast %broadcast_in_dim3A_63 : f32 to vector<16x8xf32>
    %slice3A_65 = vector.extract_strided_slice %add3A_62 {offsets = [0, 0], sizes = [2032, 8], strides = [1, 1]} : vector<2048x8xf32> to vector<2032x8xf32>
    %concatenate3A_66 = tpu.concatenate %broadcast_in_dim3A_64, %slice3A_65 in 0 : vector<16x8xf32>, vector<2032x8xf32> -> vector<2048x8xf32>
    %add3A_67 = arith.addf %add3A_62, %concatenate3A_66 : vector<2048x8xf32>
    %broadcast_in_dim3A_68 = arith.constant 0.000000e+00 : f32
    %broadcast_in_dim3A_69 = vector.broadcast %broadcast_in_dim3A_68 : f32 to vector<32x8xf32>
    %slice3A_70 = vector.extract_strided_slice %add3A_67 {offsets = [0, 0], sizes = [2016, 8], strides = [1, 1]} : vector<2048x8xf32> to vector<2016x8xf32>
    %concatenate3A_71 = tpu.concatenate %broadcast_in_dim3A_69, %slice3A_70 in 0 : vector<32x8xf32>, vector<2016x8xf32> -> vector<2048x8xf32>
    %add3A_72 = arith.addf %add3A_67, %concatenate3A_71 : vector<2048x8xf32>
    %broadcast_in_dim3A_73 = arith.constant 0.000000e+00 : f32
    %broadcast_in_dim3A_74 = vector.broadcast %broadcast_in_dim3A_73 : f32 to vector<64x8xf32>
    %slice3A_75 = vector.extract_strided_slice %add3A_72 {offsets = [0, 0], sizes = [1984, 8], strides = [1, 1]} : vector<2048x8xf32> to vector<1984x8xf32>
    %concatenate3A_76 = tpu.concatenate %broadcast_in_dim3A_74, %slice3A_75 in 0 : vector<64x8xf32>, vector<1984x8xf32> -> vector<2048x8xf32>
    %add3A_77 = arith.addf %add3A_72, %concatenate3A_76 : vector<2048x8xf32>
    %broadcast_in_dim3A_78 = arith.constant 0.000000e+00 : f32
    %broadcast_in_dim3A_79 = vector.broadcast %broadcast_in_dim3A_78 : f32 to vector<128x8xf32>
    %slice3A_80 = vector.extract_strided_slice %add3A_77 {offsets = [0, 0], sizes = [1920, 8], strides = [1, 1]} : vector<2048x8xf32> to vector<1920x8xf32>
    %concatenate3A_81 = tpu.concatenate %broadcast_in_dim3A_79, %slice3A_80 in 0 : vector<128x8xf32>, vector<1920x8xf32> -> vector<2048x8xf32>
    %add3A_82 = arith.addf %add3A_77, %concatenate3A_81 : vector<2048x8xf32>
    %broadcast_in_dim3A_83 = arith.constant 0.000000e+00 : f32
    %broadcast_in_dim3A_84 = vector.broadcast %broadcast_in_dim3A_83 : f32 to vector<256x8xf32>
    %slice3A_85 = vector.extract_strided_slice %add3A_82 {offsets = [0, 0], sizes = [1792, 8], strides = [1, 1]} : vector<2048x8xf32> to vector<1792x8xf32>
    %concatenate3A_86 = tpu.concatenate %broadcast_in_dim3A_84, %slice3A_85 in 0 : vector<256x8xf32>, vector<1792x8xf32> -> vector<2048x8xf32>
    %add3A_87 = arith.addf %add3A_82, %concatenate3A_86 : vector<2048x8xf32>
    %broadcast_in_dim3A_88 = arith.constant 0.000000e+00 : f32
    %broadcast_in_dim3A_89 = vector.broadcast %broadcast_in_dim3A_88 : f32 to vector<512x8xf32>
    %slice3A_90 = vector.extract_strided_slice %add3A_87 {offsets = [0, 0], sizes = [1536, 8], strides = [1, 1]} : vector<2048x8xf32> to vector<1536x8xf32>
    %concatenate3A_91 = tpu.concatenate %broadcast_in_dim3A_89, %slice3A_90 in 0 : vector<512x8xf32>, vector<1536x8xf32> -> vector<2048x8xf32>
    %add3A_92 = arith.addf %add3A_87, %concatenate3A_91 : vector<2048x8xf32>
    %broadcast_in_dim3A_93 = arith.constant 0.000000e+00 : f32
    %broadcast_in_dim3A_94 = vector.broadcast %broadcast_in_dim3A_93 : f32 to vector<1024x8xf32>
    %slice3A_95 = vector.extract_strided_slice %add3A_92 {offsets = [0, 0], sizes = [1024, 8], strides = [1, 1]} : vector<2048x8xf32> to vector<1024x8xf32>
    %concatenate3A_96 = tpu.concatenate %broadcast_in_dim3A_94, %slice3A_95 in 0 : vector<1024x8xf32>, vector<1024x8xf32> -> vector<2048x8xf32>
    %add3A_97 = arith.addf %add3A_92, %concatenate3A_96 : vector<2048x8xf32>
    %slice3A_98 = vector.extract_strided_slice %add3A_97 {offsets = [2047, 0], sizes = [1, 8], strides = [1, 1]} : vector<2048x8xf32> to vector<1x8xf32>
    %mul3A = arith.constant 0.001953125 : f32
    %mul3A_99 = vector.broadcast %mul3A : f32 to vector<1x8xf32>
    %mul3A_100 = arith.mulf %slice3A_98, %mul3A_99 : vector<1x8xf32>
    %ceil3A = math.ceil %mul3A_100 : vector<1x8xf32>
    %mul3A_101 = arith.constant 5.120000e+02 : f32
    %mul3A_102 = vector.broadcast %mul3A_101 : f32 to vector<1x8xf32>
    %mul3A_103 = arith.mulf %ceil3A, %mul3A_102 : vector<1x8xf32>
    %broadcast_in_dim3A_104 = arith.constant 0.000000e+00 : f32
    %broadcast_in_dim3A_105 = vector.broadcast %broadcast_in_dim3A_104 : f32 to vector<1x1xf32>
    %slice3A_106 = vector.extract_strided_slice %mul3A_103 {offsets = [0, 0], sizes = [1, 7], strides = [1, 1]} : vector<1x8xf32> to vector<1x7xf32>
    %concatenate3A_107 = tpu.concatenate %broadcast_in_dim3A_105, %slice3A_106 in 1 : vector<1x1xf32>, vector<1x7xf32> -> vector<1x8xf32>
    %add3A_108 = arith.addf %mul3A_103, %concatenate3A_107 : vector<1x8xf32>
    %broadcast_in_dim3A_109 = arith.constant 0.000000e+00 : f32
    %broadcast_in_dim3A_110 = vector.broadcast %broadcast_in_dim3A_109 : f32 to vector<1x2xf32>
    %slice3A_111 = vector.extract_strided_slice %add3A_108 {offsets = [0, 0], sizes = [1, 6], strides = [1, 1]} : vector<1x8xf32> to vector<1x6xf32>
    %concatenate3A_112 = tpu.concatenate %broadcast_in_dim3A_110, %slice3A_111 in 1 : vector<1x2xf32>, vector<1x6xf32> -> vector<1x8xf32>
    %add3A_113 = arith.addf %add3A_108, %concatenate3A_112 : vector<1x8xf32>
    %broadcast_in_dim3A_114 = arith.constant 0.000000e+00 : f32
    %broadcast_in_dim3A_115 = vector.broadcast %broadcast_in_dim3A_114 : f32 to vector<1x4xf32>
    %slice3A_116 = vector.extract_strided_slice %add3A_113 {offsets = [0, 0], sizes = [1, 4], strides = [1, 1]} : vector<1x8xf32> to vector<1x4xf32>
    %concatenate3A_117 = tpu.concatenate %broadcast_in_dim3A_115, %slice3A_116 in 1 : vector<1x4xf32>, vector<1x4xf32> -> vector<1x8xf32>
    %add3A_118 = arith.addf %add3A_113, %concatenate3A_117 : vector<1x8xf32>
    %sub3A_119 = arith.subf %add3A_118, %mul3A_103 : vector<1x8xf32>
    %add3A_120 = vector.broadcast %sub3A_119 : vector<1x8xf32> to vector<2048x8xf32>
    %add3A_121 = arith.addf %add3A_120, %add3A_97 : vector<2048x8xf32>
    %sub3A_122 = arith.constant 1.000000e+00 : f32
    %sub3A_123 = vector.broadcast %sub3A_122 : f32 to vector<2048x8xf32>
    %sub3A_124 = arith.subf %add3A_121, %sub3A_123 : vector<2048x8xf32>
    %eq3A_125 = vector.broadcast %broadcast_in_dim3A_6 : vector<2048x1xi32> to vector<2048x8xi32>
    %eq3A_126 = arith.cmpi eq, %iota3A, %eq3A_125 : vector<2048x8xi32>
    %jit3A_127 = arith.constant 0.000000e+00 : f32
    %broadcast_in_dim3A_128 = vector.broadcast %jit3A_127 : f32 to vector<2048x8xf32>
    %select_n3A_129 = arith.select %eq3A_126, %sub3A_124, %broadcast_in_dim3A_128 : vector<2048x8xi1>, vector<2048x8xf32>
    %reduce_sum3A = arith.constant dense<0.000000e+00> : vector<2048xf32>
    %reduce_sum3A_130 = vector.multi_reduction <add>, %select_n3A_129, %reduce_sum3A [1] : vector<2048x8xf32> to vector<2048xf32>
    %broadcast_in_dim3A_131 = vector.shape_cast %reduce_sum3A_130 : vector<2048xf32> to vector<2048x1xf32>
    %eq3A_132 = vector.broadcast %broadcast_in_dim3A_22 : vector<2048x1xi32> to vector<2048x8xi32>
    %eq3A_133 = arith.cmpi eq, %iota3A, %eq3A_132 : vector<2048x8xi32>
    %jit3A_134 = arith.constant 0.000000e+00 : f32
    %broadcast_in_dim3A_135 = vector.broadcast %jit3A_134 : f32 to vector<2048x8xf32>
    %select_n3A_136 = arith.select %eq3A_133, %sub3A_124, %broadcast_in_dim3A_135 : vector<2048x8xi1>, vector<2048x8xf32>
    %reduce_sum3A_137 = arith.constant dense<0.000000e+00> : vector<2048xf32>
    %reduce_sum3A_138 = vector.multi_reduction <add>, %select_n3A_136, %reduce_sum3A_137 [1] : vector<2048x8xf32> to vector<2048xf32>
    %broadcast_in_dim3A_139 = vector.shape_cast %reduce_sum3A_138 : vector<2048xf32> to vector<2048x1xf32>
    %convert_element_type3A_140 = arith.fptosi %broadcast_in_dim3A_131 : vector<2048x1xf32> to vector<2048x1xi32>
    %reshape3A = vector.shape_cast %convert_element_type3A_140 : vector<2048x1xi32> to vector<16x128xi32>
    %swap3A_141 = arith.constant 0 : index
    %swap3A_142 = arith.constant 0 : index
    %swap3A_143 = vector.load %arg1[%swap3A_141, %swap3A_142] : memref<16x128xi32, #tpu.memory_space<vmem>>, vector<16x128xi32>
    tpu.vector_store %arg1[%swap3A_141, %swap3A_142], %reshape3A {strides = array<i32>} : memref<16x128xi32, #tpu.memory_space<vmem>>, vector<16x128xi32>,
    %convert_element_type3A_144 = arith.fptosi %broadcast_in_dim3A_139 : vector<2048x1xf32> to vector<2048x1xi32>
    %reshape3A_145 = vector.shape_cast %convert_element_type3A_144 : vector<2048x1xi32> to vector<16x128xi32>
    %swap3A_146 = arith.constant 0 : index
    %swap3A_147 = arith.constant 0 : index
    %swap3A_148 = vector.load %arg2[%swap3A_146, %swap3A_147] : memref<16x128xi32, #tpu.memory_space<vmem>>, vector<16x128xi32>
    tpu.vector_store %arg2[%swap3A_146, %swap3A_147], %reshape3A_145 {strides = array<i32>} : memref<16x128xi32, #tpu.memory_space<vmem>>, vector<16x128xi32>,
    %mul3A_149 = arith.constant 0.001953125 : f32
    %mul3A_150 = vector.broadcast %mul3A_149 : f32 to vector<1x8xf32>
    %mul3A_151 = arith.mulf %sub3A_119, %mul3A_150 : vector<1x8xf32>
    %reduce_sum3A_152 = vector.shape_cast %mul3A_103 : vector<1x8xf32> to vector<1x1x8xf32>
    %reduce_sum3A_153 = arith.constant dense<0.000000e+00> : vector<1xf32>
    %reduce_sum3A_154 = vector.multi_reduction <add>, %reduce_sum3A_152, %reduce_sum3A_153 [1, 2] : vector<1x1x8xf32> to vector<1xf32>
    %reduce_sum3A_155 = vector.shape_cast %reduce_sum3A_154 : vector<1xf32> to vector<1x1x1xf32>
    %reduce_sum3A_156 = vector.extract %reduce_sum3A_155[0, 0, 0] : f32 from vector<1x1x1xf32>
    %mul3A_157 = arith.constant 0.001953125 : f32
    %mul3A_158 = arith.mulf %reduce_sum3A_156, %mul3A_157 : f32
    %gt3A = arith.constant 0.000000e+00 : f32
    %gt3A_159 = vector.broadcast %gt3A : f32 to vector<1x8xf32>
    %gt3A_160 = arith.cmpf ogt, %slice3A_98, %gt3A_159 : vector<1x8xf32>
    %slice3A_161 = vector.extract_strided_slice %iota3A {offsets = [0, 0], sizes = [1, 8], strides = [1, 1]} : vector<2048x8xi32> to vector<1x8xi32>
    %convert_element_type3A_162 = arith.sitofp %slice3A_161 : vector<1x8xi32> to vector<1x8xf32>
    %jit3A_163 = arith.constant 0.000000e+00 : f32
    %broadcast_in_dim3A_164 = vector.broadcast %jit3A_163 : f32 to vector<1x8xf32>
    %select_n3A_165 = arith.select %gt3A_160, %convert_element_type3A_162, %broadcast_in_dim3A_164 : vector<1x8xi1>, vector<1x8xf32>
    %reduce_max3A_166 = vector.shape_cast %select_n3A_165 : vector<1x8xf32> to vector<1x1x8xf32>
    %reduce_max3A_167 = arith.constant dense<0xFF800000> : vector<1xf32>
    %reduce_max3A_168 = vector.multi_reduction <maximumf>, %reduce_max3A_166, %reduce_max3A_167 [1, 2] : vector<1x1x8xf32> to vector<1xf32>
    %reduce_max3A_169 = vector.shape_cast %reduce_max3A_168 : vector<1xf32> to vector<1x1x1xf32>
    %reduce_max3A_170 = vector.extract %reduce_max3A_169[0, 0, 0] : f32 from vector<1x1x1xf32>
    %iota3A_171 = tpu.iota {dimensions = array<i32: 0>} : vector<16x8xi32>
    %convert_element_type3A_172 = arith.sitofp %iota3A_171 : vector<16x8xi32> to vector<16x8xf32>
    %broadcast_in_dim3A_173 = vector.shape_cast %mul3A_151 : vector<1x8xf32> to vector<1x8xf32>
    %broadcast_in_dim3A_174 = vector.broadcast %broadcast_in_dim3A_173 : vector<1x8xf32> to vector<16x8xf32>
    %le3A = arith.cmpf ole, %broadcast_in_dim3A_174, %convert_element_type3A_172 : vector<16x8xf32>
    %convert_element_type3A_175 = arith.extui %le3A : vector<16x8xi1> to vector<16x8xi32>
    %convert_element_type3A_176 = arith.sitofp %convert_element_type3A_175 : vector<16x8xi32> to vector<16x8xf32>
    %reduce_sum3A_177 = arith.constant dense<0.000000e+00> : vector<16xf32>
    %reduce_sum3A_178 = vector.multi_reduction <add>, %convert_element_type3A_176, %reduce_sum3A_177 [1] : vector<16x8xf32> to vector<16xf32>
    %broadcast_in_dim3A_179 = vector.shape_cast %reduce_sum3A_178 : vector<16xf32> to vector<16x1xf32>
    %sub3A_180 = arith.constant 1.000000e+00 : f32
    %sub3A_181 = vector.broadcast %sub3A_180 : f32 to vector<16x1xf32>
    %sub3A_182 = arith.subf %broadcast_in_dim3A_179, %sub3A_181 : vector<16x1xf32>
    %iota3A_183 = tpu.iota {dimensions = array<i32: 0>} : vector<16x1xi32>
    %convert_element_type3A_184 = arith.sitofp %iota3A_183 : vector<16x1xi32> to vector<16x1xf32>
    %lt3A = vector.broadcast %mul3A_158 : f32 to vector<16x1xf32>
    %lt3A_185 = arith.cmpf olt, %convert_element_type3A_184, %lt3A : vector<16x1xf32>
    %broadcast_in_dim3A_186 = vector.broadcast %reduce_max3A_170 : f32 to vector<16x1xf32>
    %select_n3A_187 = arith.select %lt3A_185, %sub3A_182, %broadcast_in_dim3A_186 : vector<16x1xi1>, vector<16x1xf32>
    %convert_element_type3A_188 = arith.fptosi %select_n3A_187 : vector<16x1xf32> to vector<16x1xi32>
    %swap3A_189 = arith.constant 0 : index
    %swap3A_190 = arith.constant 0 : index
    %swap3A_191 = vector.load %arg5[%swap3A_189, %swap3A_190] : memref<16x1xi32, #tpu.memory_space<vmem>>, vector<16x1xi32>
    tpu.vector_store %arg5[%swap3A_189, %swap3A_190], %convert_element_type3A_188 {strides = array<i32>} : memref<16x1xi32, #tpu.memory_space<vmem>>, vector<16x1xi32>,
    %convert_element_type3A_192 = arith.extui %lt3A_185 : vector<16x1xi1> to vector<16x1xi32>
    %swap3A_193 = arith.constant 0 : index
    %swap3A_194 = arith.constant 0 : index
    %swap3A_195 = vector.load %arg6[%swap3A_193, %swap3A_194] : memref<16x1xi32, #tpu.memory_space<vmem>>, vector<16x1xi32>
    tpu.vector_store %arg6[%swap3A_193, %swap3A_194], %convert_element_type3A_192 {strides = array<i32>} : memref<16x1xi32, #tpu.memory_space<vmem>>, vector<16x1xi32>,
    return
  }
}

module attributes {stable_mosaic.version = 14 : i64} {
  func.func @_shared_body(%arg0: i32, %arg1: memref<512x768xf32, #tpu.memory_space<vmem>>, %arg2: memref<768x1536xf32, #tpu.memory_space<vmem>>, %arg3: memref<768x768xf32, #tpu.memory_space<vmem>>, %arg4: memref<512x768xf32, #tpu.memory_space<vmem>>, %arg5: memref<768x1536xbf16, #tpu.memory_space<vmem>>, %arg6: memref<768x768xbf16, #tpu.memory_space<vmem>>) attributes {dimension_semantics = [#tpu.dimension_semantics<arbitrary>], iteration_bounds = array<i64: 4>, scalar_prefetch = 0 : i64, scratch_operands = 2 : i64, tpu.core_type = #tpu.core_type<tc>, window_params = [{transform_indices = @transform_0, window_bounds = array<i64: 512, 768>}, {pipeline_mode = #tpu.pipeline_mode<synchronous>, transform_indices = @transform_1, window_bounds = array<i64: 768, 1536>}, {pipeline_mode = #tpu.pipeline_mode<synchronous>, transform_indices = @transform_2, window_bounds = array<i64: 768, 768>}, {transform_indices = @transform_3, window_bounds = array<i64: 512, 768>}]} {
    %eq3A = arith.constant 0 : i32
    %eq3A_0 = arith.cmpi eq, %arg0, %eq3A : i32
    %convert_element_type3A = arith.extui %eq3A_0 : i1 to i32
    %cond3A = arith.constant 0 : i32
    %cond3A_1 = arith.cmpi ne, %convert_element_type3A, %cond3A : i32
    scf.if %cond3A_1 {
      %get3A_25 = arith.constant 0 : index
      %get3A_26 = arith.constant 0 : index
      %get3A_27 = vector.load %arg2[%get3A_25, %get3A_26] : memref<768x1536xf32, #tpu.memory_space<vmem>>, vector<768x1536xf32>
      %convert_element_type3A_28 = arith.truncf %get3A_27 : vector<768x1536xf32> to vector<768x1536xbf16>
      %swap3A_29 = arith.constant 0 : index
      %swap3A_30 = arith.constant 0 : index
      %swap3A_31 = vector.load %arg5[%swap3A_29, %swap3A_30] : memref<768x1536xbf16, #tpu.memory_space<vmem>>, vector<768x1536xbf16>
      tpu.vector_store %arg5[%swap3A_29, %swap3A_30], %convert_element_type3A_28 {strides = array<i32>} : memref<768x1536xbf16, #tpu.memory_space<vmem>>, vector<768x1536xbf16>,
      %get3A_32 = arith.constant 0 : index
      %get3A_33 = arith.constant 0 : index
      %get3A_34 = vector.load %arg3[%get3A_32, %get3A_33] : memref<768x768xf32, #tpu.memory_space<vmem>>, vector<768x768xf32>
      %convert_element_type3A_35 = arith.truncf %get3A_34 : vector<768x768xf32> to vector<768x768xbf16>
      %swap3A_36 = arith.constant 0 : index
      %swap3A_37 = arith.constant 0 : index
      %swap3A_38 = vector.load %arg6[%swap3A_36, %swap3A_37] : memref<768x768xbf16, #tpu.memory_space<vmem>>, vector<768x768xbf16>
      tpu.vector_store %arg6[%swap3A_36, %swap3A_37], %convert_element_type3A_35 {strides = array<i32>} : memref<768x768xbf16, #tpu.memory_space<vmem>>, vector<768x768xbf16>,
    } else {
    }
    %get3A = arith.constant 0 : index
    %get3A_2 = arith.constant 0 : index
    %get3A_3 = vector.load %arg1[%get3A, %get3A_2] : memref<512x768xf32, #tpu.memory_space<vmem>>, vector<512x768xf32>
    %convert_element_type3A_4 = arith.truncf %get3A_3 : vector<512x768xf32> to vector<512x768xbf16>
    %get3A_5 = arith.constant 0 : index
    %get3A_6 = arith.constant 0 : index
    %get3A_7 = vector.load %arg5[%get3A_5, %get3A_6] : memref<768x1536xbf16, #tpu.memory_space<vmem>>, vector<768x1536xbf16>
    %dot_general3A = arith.constant dense<0.000000e+00> : vector<512x1536xf32>
    %dot_general3A_8 = tpu.matmul %convert_element_type3A_4, %get3A_7, %dot_general3A {dimension_numbers = #tpu.dot_dimension_numbers<[1], [0], [0], [1], [0, 0, 1, 1], [], []>, transpose_lhs_hint = false} : vector<512x768xbf16>, vector<768x1536xbf16>, vector<512x1536xf32> -> vector<512x1536xf32>
    %slice3A = vector.extract_strided_slice %dot_general3A_8 {offsets = [0, 0], sizes = [512, 768], strides = [1, 1]} : vector<512x1536xf32> to vector<512x768xf32>
    %slice3A_9 = vector.extract_strided_slice %dot_general3A_8 {offsets = [0, 768], sizes = [512, 768], strides = [1, 1]} : vector<512x1536xf32> to vector<512x768xf32>
    %neg3A = arith.constant 0.000000e+00 : f32
    %neg3A_10 = vector.broadcast %neg3A : f32 to vector<512x768xf32>
    %neg3A_11 = arith.subf %neg3A_10, %slice3A : vector<512x768xf32>
    %exp3A = math.exp %neg3A_11 : vector<512x768xf32>
    %add3A = arith.constant 1.000000e+00 : f32
    %add3A_12 = vector.broadcast %add3A : f32 to vector<512x768xf32>
    %add3A_13 = arith.addf %add3A_12, %exp3A : vector<512x768xf32>
    %div3A = arith.constant 1.000000e+00 : f32
    %div3A_14 = vector.broadcast %div3A : f32 to vector<512x768xf32>
    %div3A_15 = arith.divf %div3A_14, %add3A_13 : vector<512x768xf32>
    %mul3A = arith.mulf %slice3A, %div3A_15 : vector<512x768xf32>
    %mul3A_16 = arith.mulf %mul3A, %slice3A_9 : vector<512x768xf32>
    %convert_element_type3A_17 = arith.truncf %mul3A_16 : vector<512x768xf32> to vector<512x768xbf16>
    %get3A_18 = arith.constant 0 : index
    %get3A_19 = arith.constant 0 : index
    %get3A_20 = vector.load %arg6[%get3A_18, %get3A_19] : memref<768x768xbf16, #tpu.memory_space<vmem>>, vector<768x768xbf16>
    %dot_general3A_21 = arith.constant dense<0.000000e+00> : vector<512x768xf32>
    %dot_general3A_22 = tpu.matmul %convert_element_type3A_17, %get3A_20, %dot_general3A_21 {dimension_numbers = #tpu.dot_dimension_numbers<[1], [0], [0], [1], [0, 0, 1, 1], [], []>, transpose_lhs_hint = false} : vector<512x768xbf16>, vector<768x768xbf16>, vector<512x768xf32> -> vector<512x768xf32>
    %swap3A = arith.constant 0 : index
    %swap3A_23 = arith.constant 0 : index
    %swap3A_24 = vector.load %arg4[%swap3A, %swap3A_23] : memref<512x768xf32, #tpu.memory_space<vmem>>, vector<512x768xf32>
    tpu.vector_store %arg4[%swap3A, %swap3A_23], %dot_general3A_22 {strides = array<i32>} : memref<512x768xf32, #tpu.memory_space<vmem>>, vector<512x768xf32>,
    return
  }
  func.func @transform_0(%arg0: i32) -> (i32, i32) {
    %c0_i32 = arith.constant 0 : i32
    %c0_i32_0 = arith.constant 0 : i32
    return %arg0, %c0_i32 : i32, i32
  }
  func.func @transform_1(%arg0: i32) -> (i32, i32) {
    %c0_i32 = arith.constant 0 : i32
    %c0_i32_0 = arith.constant 0 : i32
    %c0_i32_1 = arith.constant 0 : i32
    return %c0_i32, %c0_i32_0 : i32, i32
  }
  func.func @transform_2(%arg0: i32) -> (i32, i32) {
    %c0_i32 = arith.constant 0 : i32
    %c0_i32_0 = arith.constant 0 : i32
    %c0_i32_1 = arith.constant 0 : i32
    return %c0_i32, %c0_i32_0 : i32, i32
  }
  func.func @transform_3(%arg0: i32) -> (i32, i32) {
    %c0_i32 = arith.constant 0 : i32
    %c0_i32_0 = arith.constant 0 : i32
    return %arg0, %c0_i32 : i32, i32
  }
}

</mosaic_0001>

<sc_bundles>
// kernel: kernel.10.cloned.1.call-start
scs
__scs_entry_jumppad:
0x0: {  	(pc) =	sbr.rel $0x88, $3  }
0x1: {  	(tag) =	ssettag $0x0;
	lr =	simm.s32 $0x1  }
0x2: {  	[smem:$0x3F9B] =	sst lr;
	_ =	strace $0xD0000000  }
0x3: {  	_ = 	snop  }
0x4: {  	_ = 	snop  }
0x5: {  	_ = 	snop  }
0x6: {  	_ = 	snop  }
0x7: {  	_ = 	snop  }
__scs_overlays_trampoline_lowered:
0x8: {  	[smem:$0x3FAA] =	sst s0  }
0x9: {  	[smem:$0x3FAB] =	sst s1  }
0xa: {  	[smem:$0x3FAC] =	sst s2  }
0xb: {  	[smem:$0x3FAD] =	sst s3  }
0xc: {  	[smem:$0x3FAE] =	sst s4  }
0xd: {  	[smem:$0x3FAF] =	sst s5  }
0xe: {  	[smem:$0x3FB0] =	sst s6  }
0xf: {  	[smem:$0x3FB1] =	sst s7  }
0x10: {  	[smem:$0x3FB2] =	sst s8  }
0x11: {  	[smem:$0x3FB3] =	sst s9;
	s0 =	simm.s32 @!p0 $0x0  }
0x12: {  	s1 =	sld [smem:$0x3F99];
	s0 =	simm.s32 @p0 $0x1  }
0x13: {  	[smem:$0x3FB4] =	sst s0;
	s0 =	simm.s32 @!p1 $0x0  }
0x14: {  	s2 =	sld [smem:$0x3F98];
	s0 =	simm.s32 @p1 $0x1  }
0x15: {  	[smem:$0x3FB5] =	sst s0;
	s0 =	simm.s32 @!p2 $0x0  }
0x16: {  	s3 =	sld [smem:$0x3FDB];
	s0 =	simm.s32 @p2 $0x1  }
0x17: {  	s4 =	simm.s32 $0x1BF5;
	[smem:$0x3FB7] =	sst s0  }
0x18: {  	s0 =	sld [smem:$0x3F9A];
	_ =	swait.ge [sflag:s4], $0x0  }
0x19: {  	s7 =	sld [smem:$0x3F9B]  }
0x1a: {  	s8 =	sadd.s32 $0xFFFFE003, lr  }
0x1b: {  	s9 =	sadd.s32 $0xFFFFFEF7, lr;
	s5 =	simm.s32 $0xFFFFFFFF;
	p2 =	slt.u32 s8, $0xFFFFF086  }
0x1c: {  	p1 =	slt.u32 s9, $0xF7A;
	s5 =	simm.s32 @!p2 $0x0  }
0x1d: {  	s5 =	simm.s32 @p1 $0x1;
	p0 =	seq.s32 s7, s2  }
0x1e: {  	s7 =	smul.u32 @!p0 $0xF7A, s2;
	p2 =	seq.s32 @!p0 s5, $0x0  }
0x1f: {  	s9 =	smul.u32 $0xF7A, s1;
	s8 =	simm.s32 @!p0 $0x1BF5;
	p2 =	por !p2, p0  }
0x20: {  	[sflag:s8] =	ssyncset.s32 @!p0 $0xFFFFF086;
	s6 =	sadd.s32 @!p0 s3, s7;
	s7 =	simm.s32 @!p0 $0x108  }
0x21: {  	s3 =	sadd.s32 s3, s9;
	s6 =	sadd.s32 @!p0 $0x88, s6;
	s7 =	simm.s32 @p2 $0x1082  }
0x22: {  	[simem:s7], [sflag:s8] =	dma.local @!p0 [hbm:s6], $0xF7A  }
0x23: {  	s9 =	sor.u32 $0xD0000000, s2;
	s6 =	simm.s32 $0x108;
	_ =	swait.ge @!p0 [sflag:s8], $0x0  }
0x24: {  	s3 =	sadd.s32 $0x88, s3;
	s6 =	simm.s32 @!p1 $0x1082;
	[sflag:s4] =	ssyncset.s32 $0xFFFFF086  }
0x25: {  	[simem:s6], [sflag:s4] =	dma.local [hbm:s3], $0xF7A  }
0x26: {  	[smem:$0x3F9B] =	sst s1;
	(tag) =	ssettag s2;
	_ =	strace s9  }
0x27: {  	s1 =	sld [smem:$0x3FAB]  }
0x28: {  	s2 =	sld [smem:$0x3FAC]  }
0x29: {  	s4 =	sld [smem:$0x3FAE]  }
0x2a: {  	p0 =	seq.s32 s5, $0x0;
	s5 =	sld [smem:$0x3FAF]  }
0x2b: {  	s6 =	sld [smem:$0x3FB0]  }
0x2c: {  	s7 =	sld [smem:$0x3FB1]  }
0x2d: {  	s3 =	simm.s32 $0x108;
	s8 =	sld [smem:$0x3FB2]  }
0x2e: {  	s3 =	simm.s32 @!p0 $0x1082;
	s9 =	sld [smem:$0x3FB3]  }
0x2f: {  	lr =	sadd.s32 s0, s3;
	s0 =	sld [smem:$0x3FAA]  }
0x30: {  	s3 =	sld [smem:$0x3FAD]  }
0x31: {  	[smem:$0x3FB6] =	sst s10  }
0x32: {  	s10 =	sld [smem:$0x3FB4];
	_ =	sdelay $0x3  }
0x33: {  	p0 =	seq.s32 s10, $0x1;
	s10 =	sld [smem:$0x3FB6];
	_ =	sdelay $0x3  }
0x34: {  	[smem:$0x3FB6] =	sst s10  }
0x35: {  	s10 =	sld [smem:$0x3FB5];
	_ =	sdelay $0x3  }
0x36: {  	p1 =	seq.s32 s10, $0x1;
	s10 =	sld [smem:$0x3FB6];
	_ =	sdelay $0x3  }
0x37: {  	[smem:$0x3FB6] =	sst s10  }
0x38: {  	s10 =	sld [smem:$0x3FB7]  }
0x39: {  	_ = 	snop;
	(pc) =	sbr.ind lr, $3  }
0x3a: {  	_ = 	snop  }
0x3b: {  	_ = 	snop  }
0x3c: {  	p2 =	seq.s32 s10, $0x1;
	s10 =	sld [smem:$0x3FB6]  }
0x3d: {  	_ =	shalt  }
0x3e: {  	_ =	shalt  }
0x3f: {  	_ =	shalt  }
0x40: {  	_ =	shalt  }
0x41: {  	_ =	shalt  }
0x42: {  	_ =	shalt  }
0x43: {  	_ =	shalt  }
0x44: {  	_ =	shalt  }
0x45: {  	_ =	shalt  }
0x46: {  	_ =	shalt  }
0x47: {  	_ =	shalt  }
0x48: {  	_ =	shalt  }
0x49: {  	_ =	shalt  }
0x4a: {  	_ =	shalt  }
0x4b: {  	_ =	shalt  }
0x4c: {  	_ =	shalt  }
0x4d: {  	_ =	shalt  }
0x4e: {  	_ =	shalt  }
0x4f: {  	_ =	shalt  }
0x50: {  	_ =	shalt  }
0x51: {  	_ =	shalt  }
0x52: {  	_ =	shalt  }
0x53: {  	_ =	shalt  }
0x54: {  	_ =	shalt  }
0x55: {  	_ =	shalt  }
0x56: {  	_ =	shalt  }
0x57: {  	_ =	shalt  }
0x58: {  	_ =	shalt  }
0x59: {  	_ =	shalt  }
0x5a: {  	_ =	shalt  }
0x5b: {  	_ =	shalt  }
0x5c: {  	_ =	shalt  }
0x5d: {  	_ =	shalt  }
0x5e: {  	_ =	shalt  }
0x5f: {  	_ =	shalt  }
0x60: {  	_ =	shalt  }
0x61: {  	_ =	shalt  }
0x62: {  	_ =	shalt  }
0x63: {  	_ =	shalt  }
0x64: {  	_ =	shalt  }
0x65: {  	_ =	shalt  }
0x66: {  	_ =	shalt  }
0x67: {  	_ =	shalt  }
0x68: {  	_ =	shalt  }
0x69: {  	_ =	shalt  }
0x6a: {  	_ =	shalt  }
0x6b: {  	_ =	shalt  }
0x6c: {  	_ =	shalt  }
0x6d: {  	_ =	shalt  }
0x6e: {  	_ =	shalt  }
0x6f: {  	_ =	shalt  }
0x70: {  	_ =	shalt  }
0x71: {  	_ =	shalt  }
0x72: {  	_ =	shalt  }
0x73: {  	_ =	shalt  }
0x74: {  	_ =	shalt  }
0x75: {  	_ =	shalt  }
0x76: {  	_ =	shalt  }
0x77: {  	_ =	shalt  }
0x78: {  	_ =	shalt  }
0x79: {  	_ =	shalt  }
0x7a: {  	_ =	shalt  }
0x7b: {  	_ =	shalt  }
0x7c: {  	_ =	shalt  }
0x7d: {  	_ =	shalt  }
0x7e: {  	_ =	shalt  }
0x7f: {  	_ =	shalt  }
0x80: {  	_ =	shalt  }
0x81: {  	_ =	shalt  }
0x82: {  	_ =	shalt  }
0x83: {  	_ =	shalt  }
0x84: {  	_ =	shalt  }
0x85: {  	_ =	shalt  }
0x86: {  	_ =	shalt  }
0x87: {  	_ =	shalt  }
.Lfunc_end0:
.L_simem_size_0:
called_computation.1_lowered:
.L_overlay_start_0:
0x88: {  	s2 =	sld [smem:$0x3FD9]  }
0x89: {  	s3 =	sld [smem:$0x3FFE];
	_ =	sdelay $0x1  }
0x8a: {  	s1 =	srdreg.scid  }
0x8b: {  	s0 =	sand.u32 $0x1, s1  }
0x8c: {  	s17 =	sshll.u32 s0, $0xA;
	s2 =	sadd.s32 s3, s2  }
0x8d: {  	s2 =	sadd.s32 s2, s17  }
0x8e: {  	[smem:$0x3FC2] =	sst s2  }
0x8f: {  	_ = 	snop  }
0x90: {  	s2 =	sld [smem:$0x3FD0];
	(tm) =	ssettm $0x1  }
0x91: {  	s18 =	sld [smem:$0x3FFB];
	_ =	sdelay $0x3  }
0x92: {  	_ =	strace s18  }
0x93: {  	s3 =	sld [smem:$0x3FFC];
	_ =	sdelay $0x3  }
0x94: {  	_ =	strace s3  }
0x95: {  	s3 =	sld [smem:$0x3FFD];
	_ =	sdelay $0x3  }
0x96: {  	_ =	strace s3  }
0x97: {  	_ =	strace $0x8FFFFFFF  }
0x98: {  	s19 =	sld [smem:$0x3FDB];
	_ =	sdelay $0x1  }
0x99: {  	s4 =	simm.s32 $_scs_section_size  }
0x9a: {  	s5 =	simm.s32 $_size__tile_overlayer_lowered;
	s6 =	simm.s32 $_tile_overlayer_lowered  }
0x9b: {  	s22 =	simm.s32 $0x1BFF;
	s21 =	sshll.u32 s6, $0x1;
	s3 =	sadd.s32 s4, s19  }
0x9c: {  	s7 =	simm.s32 $0x0;
	s20 =	sshll.u32 s5, $0x1;
	s5 =	sadd.s32 s21, s3  }
0x9d: {  	[timem:s7], [sflag:s22] =	dma.local [hbm:s5], s20  }
0x9e: {  	_ =	swait.ge [sflag:s22], s20  }
0x9f: {  	s4 =	ssub.s32 $0x0, s20;
	[sflag:s22] =	ssyncset.done $0x0  }
0xa0: {  	[sflag:s22] =	ssyncadd.s32 s4;
	_ =	sdelay $0x1  }
0xa1: {  	s23 =	simm.s32 $0x1B8B  }
0xa2: {  	_ =	swait.ge [sflag:s23], $0x1  }
0xa3: {  	[sflag:s23] =	ssyncset.done $0x0  }
0xa4: {  	s25 =	simm.s32 $0x1B8E;
	s24 =	sld [smem:$0x3FFE];
	[sflag:s23] =	ssyncadd.s32 $0xFFFFFFFF  }
0xa5: {  	s26 =	simm.s32 $execute0_lowered;
	[smem:$0x3FD2] =	sst s25  }
0xa6: {  	s5 =	sshll.u32 s26, $0x1;
	_ =	strace $0x80000049;
	[dreg:$0x1] =	wrdreg $0xFFFFFFFF  }
0xa7: {  	s28 =	simm.s32 $_size_execute0_lowered;
	s3 =	sadd.s32 s3, s5;
	[dreg:$0x0] =	wrdreg $0x0  }
0xa8: {  	s5 =	sshll.u32 s28, $0x1;
	[dreg:$0x2] =	wrdreg s3  }
0xa9: {  	[dreg:$0x3] =	wrdreg s5  }
0xaa: {  	[dreg:$0x4] =	wrdreg $0xC0  }
0xab: {  	_ =	task [dreg:s7], $0x5FFFF  }
0xac: {  	[dreg:$0x1] =	wrdreg $0xFFFFFFFF  }
0xad: {  	[dreg:$0x0] =	wrdreg $0x60  }
0xae: {  	[dreg:$0x2] =	wrdreg s24  }
0xaf: {  	[dreg:$0x3] =	wrdreg s2  }
0xb0: {  	[dreg:$0x4] =	wrdreg $0x9  }
0xb1: {  	_ =	task.clear_ibuf [dreg:s7], $0x5FFFF;
	_ =	strace $0x90000049  }
0xb2: {  	s29 =	simm.s32 $0x9;
	_ =	strace $0x8000004B  }
0xb3: {  	_ =	swait.ge [sflag:s29], $0x1  }
0xb4: {  	[sflag:s29] =	ssyncadd.s32 $0xFFFFFFFF  }
0xb5: {  	_ =	strace $0x9000004B  }
0xb6: {  	_ =	sfence  }
0xb7: {  	s30 =	sld [smem:$0x0];
	_ =	sdelay $0x2  }
0xb8: {  	s31 =	sshll.u32 s1, $0xD;
	s1 =	sshrl.u32 s1, $0x2  }
0xb9: {  	s3 =	sand.u32 $0x4000, s31;
	s1 =	sadd.s32 s1, s30  }
0xba: {  	s0 =	sor.u32 s3, s0;
	s1 =	sshll.u32 s1, $0x11  }
0xbb: {  	s0 =	sor.u32 s1, s0  }
0xbc: {  	s0 =	sadd.s32 $0x8F2B, s0  }
0xbd: {  	[sflag:s0] =	ssyncadd.remote.s32 $0x1  }
0xbe: {  	_ =	sfence.sel $0xFFFF  }
0xbf: {  	[dreg:$0x0] =	wrdreg $0xFFFFFFFF;
	(pc) =	sbr.abs _section_cstart, $3  }
0xc0: {  	[dreg:$0x1] =	wrdreg $0xFFFFFFFF  }
0xc1: {  	_ =	task.clear_ibuf [dreg:s7], $0x2FFFF;
	_ =	strace $0x9FFFFFFF  }
0xc2: {  	(tm) =	ssettm $0x7FFFFFFF  }
0xc3: {  	_ =	shalt  }
tec
execute0_lowered:
.L_overlay_start_1:
0x0: {  	(tag) =	ssettag $0x1  }
0x1: {  	s0 =	rddreg [dreg:$0x0]  }
0x2: {  	s2 =	rddreg [dreg:$0x1]  }
0x3: {  	s1 =	simm.s32 $0x0;
	s5 =	srdreg.scid;
	s7 =	stileid.u32  }
0x4: {  	s28 =	simm.s32 $0x4A00;
	s29 =	simm.s32 $0x5A00;
	s30 =	simm.s32 $0x9A00  }
0x5: {  	s31 =	simm.s32 $0xAA00;
	[smem:$0x7FF] =	sst s1;
	s3 =	sadd.s32 $0x103400, s0  }
0x6: {  	s4 =	sadd.s32 $0xD3400, s0;
	s8 =	sadd.s32 $0x13200, s0;
	s5 =	sand.u32 $0x1, s5  }
0x7: {  	s7 =	sshll.u32 s7, $0x4;
	s9 =	sadd.s32 $0x13000, s0;
	s6 =	ssub.s32 $0x2, s5  }
0x8: {  	_ =	strace $0x8000004A;
	s5 =	sshll.u32 s5, $0x3;
	s10 =	sshrl.u32 s6, $0x1  }
0x9: {  	s5 =	sor.u32 s5, s7;
	s7 =	sadd.s32 $0x103600, s0;
	s10 =	ssub.s32 s6, s10  }
0xa: {  	s11 =	sadd.s32 s8, s5;
	s12 =	sadd.s32 s9, s5;
	s6 =	sadd.s32 $0x103500, s0  }
0xb: {  	s15 =	sor.u32 $0x4, s5;
	[dreg:$0x3] =	wrdreg s11;
	s11 =	smul.u32 $0x300, s5  }
0xc: {  	[dreg:$0x4] =	wrdreg s12;
	s12 =	sor.u32 $0x2, s5;
	s18 =	sadd.s32 s8, s15  }
0xd: {  	s5 =	sor.u32 $0x6, s5;
	s26 =	smax.u32 s10, $0x1;
	[dreg:$0xa] =	wrdreg s18  }
0xe: {  	s17 =	smul.u32 $0x300, s15;
	s21 =	sadd.s32 s8, s5;
	[dreg:$0x13] =	wrdreg s26  }
0xf: {  	s10 =	simm.s32 $0xC200;
	s22 =	sadd.s32 s9, s5;
	[dreg:$0xe] =	wrdreg s21  }
0x10: {  	s14 =	smul.u32 $0x300, s12;
	s13 =	sadd.s32 s4, s11;
	[dreg:$0xf] =	wrdreg s22  }
0x11: {  	s19 =	smul.u32 $0x300, s5;
	s11 =	sadd.s32 s2, s11;
	[dreg:$0x5] =	wrdreg s13  }
0x12: {  	s26 =	simm.s32 $0x3A00;
	s20 =	sadd.s32 s4, s17;
	[dreg:$0x9] =	wrdreg s11  }
0x13: {  	s18 =	simm.s32 $0x2;
	s24 =	sadd.s32 s2, s17;
	[dreg:$0xc] =	wrdreg s20  }
0x14: {  	s17 =	simm.s32 $0xF200;
	s13 =	sadd.s32 s8, s12;
	[dreg:$0x11] =	wrdreg s24  }
0x15: {  	s12 =	sadd.s32 s9, s12;
	s16 =	sadd.s32 s4, s14;
	[dreg:$0x6] =	wrdreg s13  }
0x16: {  	s0 =	sadd.s32 s2, s14;
	s23 =	sadd.s32 s4, s19;
	[dreg:$0x7] =	wrdreg s12  }
0x17: {  	s25 =	sadd.s32 s2, s19;
	s24 =	simm.s32 $0x180;
	[dreg:$0x8] =	wrdreg s16  }
0x18: {  	s14 =	simm.s32 $0x9200;
	s2 =	simm.s32 $0x1;
	[dreg:$0xd] =	wrdreg s0  }
0x19: {  	s4 =	simm.s32 $0x0;
	s12 =	sadd.s32 s9, s15;
	[dreg:$0x10] =	wrdreg s23  }
0x1a: {  	v2 =	vlaneseq.u32;
	[dreg:$0x12] =	wrdreg s25;
	s23 =	simm.s32 $0x3;
	s25 =	simm.s32 $0x3200  }
0x1b: {  	vm0 =	vmmov $0xffff;
	v1 =	vshrl.u32 v2, $0x3;
	s13 =	simm.s32 $0x5200;
	s15 =	simm.s32 $0xA200;
	s16 =	simm.s32 $0xB200  }
0x1c: {  	v0 =	vand.u32 $0x7, v2;
	v2 =	vor.u32 $0x8, v2;
	v1 =	vmul.u32 $0x8, v1;
	s0 =	simm.s32 $0xBA00;
	[dreg:$0xb] =	wrdreg s12;
	s12 =	simm.s32 $0x4200  }
.LBB2_1:
0x1d: {  	s5 =	rddreg [dreg:$0x3]  }
0x1e: {  	[tilespmem:s1], [sflag:$0x3] =	stream.linear.gather [hbm4b:s5+s1], $0x10, $0x38;
	[tilespmem:$0x12200] =	vst v63  }
0x1f: {  	_ =	swait.ge [sflag:s23], $0x10  }
0x20: {  	[sflag:s23] =	ssyncset.done $0x0  }
0x21: {  	s8 =	simm.s32 $0x100;
	s19 =	rddreg [dreg:$0x4];
	[sflag:s23] =	ssyncadd.s32 $0xFFFFFFF0  }
0x22: {  	[tilespmem:s8], [sflag:$0x3] =	stream.linear.gather [hbm4b:s19+s1], $0x10, $0x38;
	[tilespmem:$0x12200] =	vst v63  }
0x23: {  	_ =	swait.ge [sflag:s23], $0x10  }
0x24: {  	[sflag:s23] =	ssyncset.done $0x0  }
0x25: {  	[sflag:s23] =	ssyncadd.s32 $0xFFFFFFF0  }
0x26: {  	v3 =	vld [tilespmem:$0x0];
	_ =	sdelay $0x4  }
0x27: {  	v4 =	vshrl.u32 v3, $0x3  }
0x28: {  	v4 =	vmul.u32 $0x30, v4  }
0x29: {  	v3 =	vand.u32 $0x7, v3  }
0x2a: {  	v3 =	vor.u32 v3, v4  }
0x2b: {  	v4 =	vperm.xlane v3, v0;
	_ =	sdelay $0x1  }
0x2c: {  	v4 =	vadd.s32 v1, v4;
	_ =	sdelay $0x3  }
0x2d: {  	s20 =	simm.s32 $0x200;
	v3 =	vperm.xlane v3, v2  }
0x2e: {  	[tilespmem:s20], [sflag:$0x1] =	stream.indirect_vreg.gather [hbm4b:s3+s1], $0x80, v4, vm0, $0xb8;
	[tilespmem:$0x12200] =	vst v63  }
0x2f: {  	s21 =	simm.s32 $0xA00;
	v3 =	vadd.s32 v1, v3  }
0x30: {  	[tilespmem:s21], [sflag:$0x1] =	stream.indirect_vreg.gather [hbm4b:s6+s1], $0x80, v4, vm0, $0xb8;
	[tilespmem:$0x12200] =	vst v63  }
0x31: {  	s22 =	simm.s32 $0x1200  }
0x32: {  	[tilespmem:s22], [sflag:$0x1] =	stream.indirect_vreg.gather [hbm4b:s7+s1], $0x80, v4, vm0, $0xb8;
	[tilespmem:$0x12200] =	vst v63  }
0x33: {  	s8 =	simm.s32 $0x1A00  }
0x34: {  	[tilespmem:s8], [sflag:$0x1] =	stream.indirect_vreg.gather [hbm4b:s3+s1], $0x80, v3, vm0, $0xb8;
	[tilespmem:$0x12200] =	vst v63  }
0x35: {  	s9 =	simm.s32 $0x2200  }
0x36: {  	[tilespmem:s9], [sflag:$0x1] =	stream.indirect_vreg.gather [hbm4b:s6+s1], $0x80, v3, vm0, $0xb8;
	[tilespmem:$0x12200] =	vst v63  }
0x37: {  	s11 =	simm.s32 $0x2A00  }
0x38: {  	[tilespmem:s11], [sflag:$0x1] =	stream.indirect_vreg.gather [hbm4b:s7+s1], $0x80, v3, vm0, $0xb8;
	[tilespmem:$0x12200] =	vst v63  }
0x39: {  	v3 =	vld [tilespmem:$0x100];
	_ =	sdelay $0x4  }
0x3a: {  	v61 =	vshrl.u32 v3, $0x3  }
0x3b: {  	v4 =	vmul.u32 $0x30, v61  }
0x3c: {  	v3 =	vand.u32 $0x7, v3  }
0x3d: {  	v3 =	vor.u32 v3, v4  }
0x3e: {  	v4 =	vperm.xlane v3, v0;
	_ =	sdelay $0x1  }
0x3f: {  	v4 =	vadd.s32 v1, v4;
	_ =	sdelay $0x3  }
0x40: {  	s19 =	simm.s32 $0x6200;
	v3 =	vperm.xlane v3, v2  }
0x41: {  	[tilespmem:s19], [sflag:$0x1] =	stream.indirect_vreg.gather [hbm4b:s3+s1], $0x80, v4, vm0, $0xb8;
	[tilespmem:$0x12200] =	vst v63  }
0x42: {  	s20 =	simm.s32 $0x6A00;
	v3 =	vadd.s32 v1, v3  }
0x43: {  	[tilespmem:s20], [sflag:$0x1] =	stream.indirect_vreg.gather [hbm4b:s6+s1], $0x80, v4, vm0, $0xb8;
	[tilespmem:$0x12200] =	vst v63  }
0x44: {  	s21 =	simm.s32 $0x7200  }
0x45: {  	[tilespmem:s21], [sflag:$0x1] =	stream.indirect_vreg.gather [hbm4b:s7+s1], $0x80, v4, vm0, $0xb8;
	[tilespmem:$0x12200] =	vst v63  }
0x46: {  	s22 =	simm.s32 $0x7A00  }
0x47: {  	[tilespmem:s22], [sflag:$0x1] =	stream.indirect_vreg.gather [hbm4b:s3+s1], $0x80, v3, vm0, $0xb8;
	[tilespmem:$0x12200] =	vst v63  }
0x48: {  	s8 =	simm.s32 $0x8200  }
0x49: {  	[tilespmem:s8], [sflag:$0x1] =	stream.indirect_vreg.gather [hbm4b:s6+s1], $0x80, v3, vm0, $0xb8;
	[tilespmem:$0x12200] =	vst v63  }
0x4a: {  	s9 =	simm.s32 $0x8A00  }
0x4b: {  	[tilespmem:s9], [sflag:$0x1] =	stream.indirect_vreg.gather [hbm4b:s7+s1], $0x80, v3, vm0, $0xb8;
	[tilespmem:$0x12200] =	vst v63  }
0x4c: {  	s11 =	rddreg [dreg:$0x5]  }
0x4d: {  	[tilespmem:s10], [sflag:$0x1] =	stream.linear.gather [hbm4b:s11+s1], $0x3000, $0x38;
	[tilespmem:$0x12200] =	vst v63  }
0x4e: {  	s19 =	rddreg [dreg:$0x6];
	s20 =	simm.s32 $0x80  }
0x4f: {  	[tilespmem:s20], [sflag:$0x3] =	stream.linear.gather [hbm4b:s19+s1], $0x10, $0x38;
	[tilespmem:$0x12200] =	vst v63  }
0x50: {  	_ =	swait.ge [sflag:s23], $0x10  }
0x51: {  	[sflag:s23] =	ssyncset.done $0x0  }
0x52: {  	s21 =	rddreg [dreg:$0x7];
	[sflag:s23] =	ssyncadd.s32 $0xFFFFFFF0  }
0x53: {  	[tilespmem:s24], [sflag:$0x3] =	stream.linear.gather [hbm4b:s21+s1], $0x10, $0x38;
	[tilespmem:$0x12200] =	vst v63  }
0x54: {  	_ =	swait.ge [sflag:s23], $0x10  }
0x55: {  	[sflag:s23] =	ssyncset.done $0x0  }
0x56: {  	[sflag:s23] =	ssyncadd.s32 $0xFFFFFFF0  }
0x57: {  	v3 =	vld [tilespmem:$0x80];
	_ =	sdelay $0x4  }
0x58: {  	v62 =	vshrl.u32 v3, $0x3  }
0x59: {  	v4 =	vmul.u32 $0x30, v62  }
0x5a: {  	v3 =	vand.u32 $0x7, v3  }
0x5b: {  	v3 =	vor.u32 v3, v4  }
0x5c: {  	v4 =	vperm.xlane v3, v0;
	_ =	sdelay $0x1  }
0x5d: {  	v4 =	vadd.s32 v1, v4;
	_ =	sdelay $0x3  }
0x5e: {  	v3 =	vperm.xlane v3, v2  }
0x5f: {  	[tilespmem:s25], [sflag:$0x2] =	stream.indirect_vreg.gather [hbm4b:s3+s1], $0x80, v4, vm0, $0xb8;
	[tilespmem:$0x12200] =	vst v63  }
0x60: {  	v3 =	vadd.s32 v1, v3  }
0x61: {  	[tilespmem:s26], [sflag:$0x2] =	stream.indirect_vreg.gather [hbm4b:s6+s1], $0x80, v4, vm0, $0xb8;
	[tilespmem:$0x12200] =	vst v63  }
0x62: {  	_ = 	snop  }
0x63: {  	[tilespmem:s12], [sflag:$0x2] =	stream.indirect_vreg.gather [hbm4b:s7+s1], $0x80, v4, vm0, $0xb8;
	[tilespmem:$0x12200] =	vst v63  }
0x64: {  	_ = 	snop  }
0x65: {  	[tilespmem:s28], [sflag:$0x2] =	stream.indirect_vreg.gather [hbm4b:s3+s1], $0x80, v3, vm0, $0xb8;
	[tilespmem:$0x12200] =	vst v63  }
0x66: {  	_ = 	snop  }
0x67: {  	[tilespmem:s13], [sflag:$0x2] =	stream.indirect_vreg.gather [hbm4b:s6+s1], $0x80, v3, vm0, $0xb8;
	[tilespmem:$0x12200] =	vst v63  }
0x68: {  	_ = 	snop  }
0x69: {  	[tilespmem:s29], [sflag:$0x2] =	stream.indirect_vreg.gather [hbm4b:s7+s1], $0x80, v3, vm0, $0xb8;
	[tilespmem:$0x12200] =	vst v63  }
0x6a: {  	v3 =	vld [tilespmem:$0x180];
	_ =	sdelay $0x4  }
0x6b: {  	v63 =	vshrl.u32 v3, $0x3  }
0x6c: {  	v4 =	vmul.u32 $0x30, v63  }
0x6d: {  	v3 =	vand.u32 $0x7, v3  }
0x6e: {  	v3 =	vor.u32 v3, v4  }
0x6f: {  	v4 =	vperm.xlane v3, v0;
	_ =	sdelay $0x1  }
0x70: {  	v4 =	vadd.s32 v1, v4;
	_ =	sdelay $0x3  }
0x71: {  	v3 =	vperm.xlane v3, v2  }
0x72: {  	[tilespmem:s14], [sflag:$0x2] =	stream.indirect_vreg.gather [hbm4b:s3+s1], $0x80, v4, vm0, $0xb8;
	[tilespmem:$0x12200] =	vst v63  }
0x73: {  	v3 =	vadd.s32 v1, v3  }
0x74: {  	[tilespmem:s30], [sflag:$0x2] =	stream.indirect_vreg.gather [hbm4b:s6+s1], $0x80, v4, vm0, $0xb8;
	[tilespmem:$0x12200] =	vst v63  }
0x75: {  	_ = 	snop  }
0x76: {  	[tilespmem:s15], [sflag:$0x2] =	stream.indirect_vreg.gather [hbm4b:s7+s1], $0x80, v4, vm0, $0xb8;
	[tilespmem:$0x12200] =	vst v63  }
0x77: {  	_ = 	snop  }
0x78: {  	[tilespmem:s31], [sflag:$0x2] =	stream.indirect_vreg.gather [hbm4b:s3+s1], $0x80, v3, vm0, $0xb8;
	[tilespmem:$0x12200] =	vst v63  }
0x79: {  	_ = 	snop  }
0x7a: {  	[tilespmem:s16], [sflag:$0x2] =	stream.indirect_vreg.gather [hbm4b:s6+s1], $0x80, v3, vm0, $0xb8;
	[tilespmem:$0x12200] =	vst v63  }
0x7b: {  	_ = 	snop  }
0x7c: {  	[tilespmem:s0], [sflag:$0x2] =	stream.indirect_vreg.gather [hbm4b:s7+s1], $0x80, v3, vm0, $0xb8;
	[tilespmem:$0x12200] =	vst v63  }
0x7d: {  	s22 =	rddreg [dreg:$0x8]  }
0x7e: {  	[tilespmem:s17], [sflag:$0x2] =	stream.linear.gather [hbm4b:s22+s1], $0x3000, $0x38;
	[tilespmem:$0x12200] =	vst v63  }
0x7f: {  	_ =	swait.ge [sflag:s2], $0x3000  }
0x80: {  	[sflag:s2] =	ssyncset.done $0x0  }
0x81: {  	[sflag:s2] =	ssyncadd.s32 $0xFFFFD000  }
0x82: {  	_ =	swait.ge [sflag:s2], $0x3000  }
0x83: {  	[sflag:s2] =	ssyncset.done $0x0  }
0x84: {  	[sflag:s2] =	ssyncadd.s32 $0xFFFFD000  }
0x85: {  	_ =	swait.ge [sflag:s2], $0x3000  }
0x86: {  	[sflag:s2] =	ssyncset.done $0x0  }
0x87: {  	s5 =	simm.s32 $0x0;
	s19 =	simm.s32 $0x0;
	[sflag:s2] =	ssyncadd.s32 $0xFFFFD000  }
.LBB2_2:
0x88: {  	s8 =	sand.u32 $0x7, s19  }
0x89: {  	s8 =	sshll.u32 s8, $0x9  }
0x8a: {  	s20 =	sshrl.u32 s8, $0x2  }
0x8b: {  	s22 =	sshrl.u32 s5, $0x3;
	v3 =	vmov s20  }
0x8c: {  	s8 =	smul.u32 $0x6000, s22;
	_ =	sdelay $0x1  }
0x8d: {  	s9 =	sshra.s32 s8, $0x2  }
0x8e: {  	s11 =	sor.u32 $0x240, s9  }
0x8f: {  	s8 =	sadd.s32 $0x6240, s9;
	v4 =	vld.idx.msk [tilespmem:v3+s11+$0xFFFFFFC0 ss:$0x1], $0xffff  }
0x90: {  	v5 =	vld.idx.msk [tilespmem:v3+s8+$0xFFFFFFC0 ss:$0x1], $0xffff;
	_ =	sdelay $0x4  }
0x91: {  	s21 =	sadd.s32 $0xC200, s9;
	v4 =	vadd.f32 v5, v4  }
0x92: {  	s9 =	sadd.s32 s20, s21  }
0x93: {  	[tilespmem:s9+$0x0] =	vst.add.f32.msk $0xffff, v4  }
0x94: {  	v4 =	vld.idx.msk [tilespmem:v3+s11+$0xFFFFFFD0 ss:$0x1], $0xffff  }
0x95: {  	v5 =	vld.idx.msk [tilespmem:v3+s8+$0xFFFFFFD0 ss:$0x1], $0xffff;
	_ =	sdelay $0x4  }
0x96: {  	v4 =	vadd.f32 v5, v4;
	_ =	sdelay $0x1  }
0x97: {  	[tilespmem:s9+$0x10] =	vst.add.f32.msk $0xffff, v4  }
0x98: {  	v4 =	vld.idx.msk [tilespmem:v3+s11+$0xFFFFFFE0 ss:$0x1], $0xffff  }
0x99: {  	v5 =	vld.idx.msk [tilespmem:v3+s8+$0xFFFFFFE0 ss:$0x1], $0xffff;
	_ =	sdelay $0x4  }
0x9a: {  	v4 =	vadd.f32 v5, v4;
	_ =	sdelay $0x1  }
0x9b: {  	[tilespmem:s9+$0x20] =	vst.add.f32.msk $0xffff, v4  }
0x9c: {  	v4 =	vld.idx.msk [tilespmem:v3+s11+$0xFFFFFFF0 ss:$0x1], $0xffff  }
0x9d: {  	v5 =	vld.idx.msk [tilespmem:v3+s8+$0xFFFFFFF0 ss:$0x1], $0xffff;
	_ =	sdelay $0x4  }
0x9e: {  	v4 =	vadd.f32 v5, v4;
	_ =	sdelay $0x1  }
0x9f: {  	[tilespmem:s9+$0x30] =	vst.add.f32.msk $0xffff, v4  }
0xa0: {  	v4 =	vld.idx.msk [tilespmem:v3+s11+$0x0 ss:$0x1], $0xffff  }
0xa1: {  	v5 =	vld.idx.msk [tilespmem:v3+s8+$0x0 ss:$0x1], $0xffff;
	_ =	sdelay $0x4  }
0xa2: {  	v4 =	vadd.f32 v5, v4;
	_ =	sdelay $0x1  }
0xa3: {  	[tilespmem:s9+$0x40] =	vst.add.f32.msk $0xffff, v4  }
0xa4: {  	v4 =	vld.idx.msk [tilespmem:v3+s11+$0x10 ss:$0x1], $0xffff  }
0xa5: {  	v5 =	vld.idx.msk [tilespmem:v3+s8+$0x10 ss:$0x1], $0xffff;
	_ =	sdelay $0x4  }
0xa6: {  	v4 =	vadd.f32 v5, v4;
	_ =	sdelay $0x1  }
0xa7: {  	[tilespmem:s9+$0x50] =	vst.add.f32.msk $0xffff, v4  }
0xa8: {  	v4 =	vld.idx.msk [tilespmem:v3+s11+$0x20 ss:$0x1], $0xffff  }
0xa9: {  	v5 =	vld.idx.msk [tilespmem:v3+s8+$0x20 ss:$0x1], $0xffff;
	_ =	sdelay $0x4  }
0xaa: {  	v4 =	vadd.f32 v5, v4;
	_ =	sdelay $0x1  }
0xab: {  	[tilespmem:s9+$0x60] =	vst.add.f32.msk $0xffff, v4  }
0xac: {  	v4 =	vld.idx.msk [tilespmem:v3+s11+$0x30 ss:$0x1], $0xffff  }
0xad: {  	s22 =	simm.s32 $0x0;
	v5 =	vld.idx.msk [tilespmem:v3+s8+$0x30 ss:$0x1], $0xffff;
	s11 =	sadd.s32 $0x400, s11  }
.LBB2_3:
0xae: {  	s22 =	sadd.s32 $0x8, s22;
	s21 =	sadd.s32 $0x400, s21;
	s8 =	sadd.s32 $0x400, s8  }
0xaf: {  	p0 =	slt.u32 s22, $0x28;
	_ =	sdelay $0x3  }
0xb0: {  	v4 =	vadd.f32 v5, v4;
	_ =	sdelay $0x1  }
0xb1: {  	[tilespmem:s9+$0x70] =	vst.add.f32.msk $0xffff, v4  }
0xb2: {  	v4 =	vld.idx.msk [tilespmem:v3+s11+$0xFFFFFFC0 ss:$0x1], $0xffff  }
0xb3: {  	v5 =	vld.idx.msk [tilespmem:v3+s8+$0xFFFFFFC0 ss:$0x1], $0xffff;
	_ =	sdelay $0x5  }
0xb4: {  	v4 =	vadd.f32 v5, v4  }
0xb5: {  	s9 =	sadd.s32 s20, s21  }
0xb6: {  	[tilespmem:s9+$0x0] =	vst.add.f32.msk $0xffff, v4  }
0xb7: {  	v4 =	vld.idx.msk [tilespmem:v3+s11+$0xFFFFFFD0 ss:$0x1], $0xffff  }
0xb8: {  	v5 =	vld.idx.msk [tilespmem:v3+s8+$0xFFFFFFD0 ss:$0x1], $0xffff;
	_ =	sdelay $0x5  }
0xb9: {  	v4 =	vadd.f32 v5, v4;
	_ =	sdelay $0x1  }
0xba: {  	[tilespmem:s9+$0x10] =	vst.add.f32.msk $0xffff, v4  }
0xbb: {  	v4 =	vld.idx.msk [tilespmem:v3+s11+$0xFFFFFFE0 ss:$0x1], $0xffff  }
0xbc: {  	v5 =	vld.idx.msk [tilespmem:v3+s8+$0xFFFFFFE0 ss:$0x1], $0xffff;
	_ =	sdelay $0x5  }
0xbd: {  	v4 =	vadd.f32 v5, v4;
	_ =	sdelay $0x1  }
0xbe: {  	[tilespmem:s9+$0x20] =	vst.add.f32.msk $0xffff, v4  }
0xbf: {  	v4 =	vld.idx.msk [tilespmem:v3+s11+$0xFFFFFFF0 ss:$0x1], $0xffff  }
0xc0: {  	v5 =	vld.idx.msk [tilespmem:v3+s8+$0xFFFFFFF0 ss:$0x1], $0xffff;
	_ =	sdelay $0x5  }
0xc1: {  	v4 =	vadd.f32 v5, v4;
	_ =	sdelay $0x1  }
0xc2: {  	[tilespmem:s9+$0x30] =	vst.add.f32.msk $0xffff, v4  }
0xc3: {  	v4 =	vld.idx.msk [tilespmem:v3+s11+$0x0 ss:$0x1], $0xffff  }
0xc4: {  	v5 =	vld.idx.msk [tilespmem:v3+s8+$0x0 ss:$0x1], $0xffff;
	_ =	sdelay $0x5  }
0xc5: {  	v4 =	vadd.f32 v5, v4;
	_ =	sdelay $0x1  }
0xc6: {  	[tilespmem:s9+$0x40] =	vst.add.f32.msk $0xffff, v4  }
0xc7: {  	v4 =	vld.idx.msk [tilespmem:v3+s11+$0x10 ss:$0x1], $0xffff  }
0xc8: {  	v5 =	vld.idx.msk [tilespmem:v3+s8+$0x10 ss:$0x1], $0xffff;
	_ =	sdelay $0x5  }
0xc9: {  	v4 =	vadd.f32 v5, v4;
	_ =	sdelay $0x1  }
0xca: {  	[tilespmem:s9+$0x50] =	vst.add.f32.msk $0xffff, v4  }
0xcb: {  	v4 =	vld.idx.msk [tilespmem:v3+s11+$0x20 ss:$0x1], $0xffff  }
0xcc: {  	v5 =	vld.idx.msk [tilespmem:v3+s8+$0x20 ss:$0x1], $0xffff;
	_ =	sdelay $0x5  }
.Ltmp0:
0xcd: {  	v4 =	vadd.f32 v5, v4;
	(pc) =	sbr.rel @p0 .LBB2_3-.Ltmp0, $4  }
0xce: {  	_ = 	snop  }
0xcf: {  	[tilespmem:s9+$0x60] =	vst.add.f32.msk $0xffff, v4  }
0xd0: {  	v4 =	vld.idx.msk [tilespmem:v3+s11+$0x30 ss:$0x1], $0xffff  }
0xd1: {  	s11 =	sadd.s32 $0x400, s11;
	v5 =	vld.idx.msk [tilespmem:v3+s8+$0x30 ss:$0x1], $0xffff  }
0xd2: {  	s5 =	sadd.s32 $0x1, s5  }
0xd3: {  	p0 =	sne.s32 s5, $0x10  }
.Ltmp1:
0xd4: {  	_ = 	snop;
	(pc) =	sbr.rel @p0 .LBB2_2-.Ltmp1, $3  }
0xd5: {  	_ = 	snop  }
0xd6: {  	v3 =	vadd.f32 v5, v4;
	_ =	sdelay $0x1  }
0xd7: {  	s19 =	sadd.s32 $0x1, s19;
	[tilespmem:s9+$0x70] =	vst.add.f32.msk $0xffff, v3  }
0xd8: {  	s19 =	simm.s32 $0x0;
	s5 =	rddreg [dreg:$0x9]  }
0xd9: {  	[hbm4b:s5+s19] =	stream.linear.scatter [tilespmem:s10], [sflag:$0x3], $0x3000, $0x38;
	[tilespmem:$0x12200] =	vst v63  }
0xda: {  	_ =	swait.ge [sflag:s23], $0x3000  }
0xdb: {  	[sflag:s23] =	ssyncset.done $0x0  }
0xdc: {  	s20 =	rddreg [dreg:$0xa];
	[sflag:s23] =	ssyncadd.s32 $0xFFFFD000  }
0xdd: {  	[tilespmem:s19], [sflag:$0x3] =	stream.linear.gather [hbm4b:s20+s19], $0x10, $0x38;
	[tilespmem:$0x12200] =	vst v63  }
0xde: {  	_ =	swait.ge [sflag:s23], $0x10  }
0xdf: {  	[sflag:s23] =	ssyncset.done $0x0  }
0xe0: {  	s8 =	simm.s32 $0x100;
	s21 =	rddreg [dreg:$0xb];
	[sflag:s23] =	ssyncadd.s32 $0xFFFFFFF0  }
0xe1: {  	[tilespmem:s8], [sflag:$0x3] =	stream.linear.gather [hbm4b:s21+s19], $0x10, $0x38;
	[tilespmem:$0x12200] =	vst v63  }
0xe2: {  	_ =	swait.ge [sflag:s23], $0x10  }
0xe3: {  	[sflag:s23] =	ssyncset.done $0x0  }
0xe4: {  	[sflag:s23] =	ssyncadd.s32 $0xFFFFFFF0  }
0xe5: {  	v3 =	vld [tilespmem:$0x0];
	_ =	sdelay $0x4  }
0xe6: {  	v4 =	vshrl.u32 v3, $0x3  }
0xe7: {  	v4 =	vmul.u32 $0x30, v4  }
0xe8: {  	v3 =	vand.u32 $0x7, v3  }
0xe9: {  	v3 =	vor.u32 v3, v4  }
0xea: {  	v4 =	vperm.xlane v3, v0;
	_ =	sdelay $0x1  }
0xeb: {  	v4 =	vadd.s32 v1, v4;
	_ =	sdelay $0x3  }
0xec: {  	s22 =	simm.s32 $0x200;
	v3 =	vperm.xlane v3, v2  }
0xed: {  	[tilespmem:s22], [sflag:$0x1] =	stream.indirect_vreg.gather [hbm4b:s3+s19], $0x80, v4, vm0, $0xb8;
	[tilespmem:$0x12200] =	vst v63  }
0xee: {  	s8 =	simm.s32 $0xA00;
	v3 =	vadd.s32 v1, v3  }
0xef: {  	[tilespmem:s8], [sflag:$0x1] =	stream.indirect_vreg.gather [hbm4b:s6+s19], $0x80, v4, vm0, $0xb8;
	[tilespmem:$0x12200] =	vst v63  }
0xf0: {  	s9 =	simm.s32 $0x1200  }
0xf1: {  	[tilespmem:s9], [sflag:$0x1] =	stream.indirect_vreg.gather [hbm4b:s7+s19], $0x80, v4, vm0, $0xb8;
	[tilespmem:$0x12200] =	vst v63  }
0xf2: {  	s11 =	simm.s32 $0x1A00  }
0xf3: {  	[tilespmem:s11], [sflag:$0x1] =	stream.indirect_vreg.gather [hbm4b:s3+s19], $0x80, v3, vm0, $0xb8;
	[tilespmem:$0x12200] =	vst v63  }
0xf4: {  	s20 =	simm.s32 $0x2200  }
0xf5: {  	[tilespmem:s20], [sflag:$0x1] =	stream.indirect_vreg.gather [hbm4b:s6+s19], $0x80, v3, vm0, $0xb8;
	[tilespmem:$0x12200] =	vst v63  }
0xf6: {  	s21 =	simm.s32 $0x2A00  }
0xf7: {  	[tilespmem:s21], [sflag:$0x1] =	stream.indirect_vreg.gather [hbm4b:s7+s19], $0x80, v3, vm0, $0xb8;
	[tilespmem:$0x12200] =	vst v63  }
0xf8: {  	v3 =	vld [tilespmem:$0x100];
	_ =	sdelay $0x4  }
0xf9: {  	v63 =	vshrl.u32 v3, $0x3  }
0xfa: {  	v4 =	vmul.u32 $0x30, v63  }
0xfb: {  	v3 =	vand.u32 $0x7, v3  }
0xfc: {  	v3 =	vor.u32 v3, v4  }
0xfd: {  	v4 =	vperm.xlane v3, v0;
	_ =	sdelay $0x1  }
0xfe: {  	v4 =	vadd.s32 v1, v4;
	_ =	sdelay $0x3  }
0xff: {  	s22 =	simm.s32 $0x6200;
	v3 =	vperm.xlane v3, v2  }
0x100: {  	[tilespmem:s22], [sflag:$0x1] =	stream.indirect_vreg.gather [hbm4b:s3+s19], $0x80, v4, vm0, $0xb8;
	[tilespmem:$0x12200] =	vst v63  }
0x101: {  	s8 =	simm.s32 $0x6A00;
	v3 =	vadd.s32 v1, v3  }
0x102: {  	[tilespmem:s8], [sflag:$0x1] =	stream.indirect_vreg.gather [hbm4b:s6+s19], $0x80, v4, vm0, $0xb8;
	[tilespmem:$0x12200] =	vst v63  }
0x103: {  	s9 =	simm.s32 $0x7200  }
0x104: {  	[tilespmem:s9], [sflag:$0x1] =	stream.indirect_vreg.gather [hbm4b:s7+s19], $0x80, v4, vm0, $0xb8;
	[tilespmem:$0x12200] =	vst v63  }
0x105: {  	s11 =	simm.s32 $0x7A00  }
0x106: {  	[tilespmem:s11], [sflag:$0x1] =	stream.indirect_vreg.gather [hbm4b:s3+s19], $0x80, v3, vm0, $0xb8;
	[tilespmem:$0x12200] =	vst v63  }
0x107: {  	s20 =	simm.s32 $0x8200  }
0x108: {  	[tilespmem:s20], [sflag:$0x1] =	stream.indirect_vreg.gather [hbm4b:s6+s19], $0x80, v3, vm0, $0xb8;
	[tilespmem:$0x12200] =	vst v63  }
0x109: {  	s21 =	simm.s32 $0x8A00  }
0x10a: {  	[tilespmem:s21], [sflag:$0x1] =	stream.indirect_vreg.gather [hbm4b:s7+s19], $0x80, v3, vm0, $0xb8;
	[tilespmem:$0x12200] =	vst v63  }
0x10b: {  	s22 =	rddreg [dreg:$0xc]  }
0x10c: {  	[tilespmem:s10], [sflag:$0x1] =	stream.linear.gather [hbm4b:s22+s19], $0x3000, $0x38;
	[tilespmem:$0x12200] =	vst v63  }
0x10d: {  	_ =	swait.ge [sflag:s18], $0x3000  }
0x10e: {  	[sflag:s18] =	ssyncset.done $0x0  }
0x10f: {  	[sflag:s18] =	ssyncadd.s32 $0xFFFFD000  }
0x110: {  	_ =	swait.ge [sflag:s18], $0x3000  }
0x111: {  	[sflag:s18] =	ssyncset.done $0x0  }
0x112: {  	[sflag:s18] =	ssyncadd.s32 $0xFFFFD000  }
0x113: {  	_ =	swait.ge [sflag:s18], $0x3000  }
0x114: {  	[sflag:s18] =	ssyncset.done $0x0  }
0x115: {  	s5 =	simm.s32 $0x0;
	[sflag:s18] =	ssyncadd.s32 $0xFFFFD000  }
.LBB2_6:
0x116: {  	s8 =	sand.u32 $0x7, s19  }
0x117: {  	s8 =	sshll.u32 s8, $0x9  }
0x118: {  	s20 =	sshrl.u32 s8, $0x2  }
0x119: {  	s22 =	sshrl.u32 s5, $0x3;
	v3 =	vmov s20  }
0x11a: {  	s8 =	smul.u32 $0x6000, s22;
	_ =	sdelay $0x1  }
0x11b: {  	s9 =	sshra.s32 s8, $0x2  }
0x11c: {  	s11 =	sadd.s32 $0x3240, s9  }
0x11d: {  	s8 =	sadd.s32 $0x9240, s9;
	v4 =	vld.idx.msk [tilespmem:v3+s11+$0xFFFFFFC0 ss:$0x1], $0xffff  }
0x11e: {  	v5 =	vld.idx.msk [tilespmem:v3+s8+$0xFFFFFFC0 ss:$0x1], $0xffff;
	_ =	sdelay $0x4  }
0x11f: {  	s21 =	sadd.s32 $0xF200, s9;
	v4 =	vadd.f32 v5, v4  }
0x120: {  	s9 =	sadd.s32 s20, s21  }
0x121: {  	[tilespmem:s9+$0x0] =	vst.add.f32.msk $0xffff, v4  }
0x122: {  	v4 =	vld.idx.msk [tilespmem:v3+s11+$0xFFFFFFD0 ss:$0x1], $0xffff  }
0x123: {  	v5 =	vld.idx.msk [tilespmem:v3+s8+$0xFFFFFFD0 ss:$0x1], $0xffff;
	_ =	sdelay $0x4  }
0x124: {  	v4 =	vadd.f32 v5, v4;
	_ =	sdelay $0x1  }
0x125: {  	[tilespmem:s9+$0x10] =	vst.add.f32.msk $0xffff, v4  }
0x126: {  	v4 =	vld.idx.msk [tilespmem:v3+s11+$0xFFFFFFE0 ss:$0x1], $0xffff  }
0x127: {  	v5 =	vld.idx.msk [tilespmem:v3+s8+$0xFFFFFFE0 ss:$0x1], $0xffff;
	_ =	sdelay $0x4  }
0x128: {  	v4 =	vadd.f32 v5, v4;
	_ =	sdelay $0x1  }
0x129: {  	[tilespmem:s9+$0x20] =	vst.add.f32.msk $0xffff, v4  }
0x12a: {  	v4 =	vld.idx.msk [tilespmem:v3+s11+$0xFFFFFFF0 ss:$0x1], $0xffff  }
0x12b: {  	v5 =	vld.idx.msk [tilespmem:v3+s8+$0xFFFFFFF0 ss:$0x1], $0xffff;
	_ =	sdelay $0x4  }
0x12c: {  	v4 =	vadd.f32 v5, v4;
	_ =	sdelay $0x1  }
0x12d: {  	[tilespmem:s9+$0x30] =	vst.add.f32.msk $0xffff, v4  }
0x12e: {  	v4 =	vld.idx.msk [tilespmem:v3+s11+$0x0 ss:$0x1], $0xffff  }
0x12f: {  	v5 =	vld.idx.msk [tilespmem:v3+s8+$0x0 ss:$0x1], $0xffff;
	_ =	sdelay $0x4  }
0x130: {  	v4 =	vadd.f32 v5, v4;
	_ =	sdelay $0x1  }
0x131: {  	[tilespmem:s9+$0x40] =	vst.add.f32.msk $0xffff, v4  }
0x132: {  	v4 =	vld.idx.msk [tilespmem:v3+s11+$0x10 ss:$0x1], $0xffff  }
0x133: {  	v5 =	vld.idx.msk [tilespmem:v3+s8+$0x10 ss:$0x1], $0xffff;
	_ =	sdelay $0x4  }
0x134: {  	v4 =	vadd.f32 v5, v4;
	_ =	sdelay $0x1  }
0x135: {  	[tilespmem:s9+$0x50] =	vst.add.f32.msk $0xffff, v4  }
0x136: {  	v4 =	vld.idx.msk [tilespmem:v3+s11+$0x20 ss:$0x1], $0xffff  }
0x137: {  	v5 =	vld.idx.msk [tilespmem:v3+s8+$0x20 ss:$0x1], $0xffff;
	_ =	sdelay $0x4  }
0x138: {  	v4 =	vadd.f32 v5, v4;
	_ =	sdelay $0x1  }
0x139: {  	[tilespmem:s9+$0x60] =	vst.add.f32.msk $0xffff, v4  }
0x13a: {  	v4 =	vld.idx.msk [tilespmem:v3+s11+$0x30 ss:$0x1], $0xffff  }
0x13b: {  	s22 =	simm.s32 $0x0;
	v5 =	vld.idx.msk [tilespmem:v3+s8+$0x30 ss:$0x1], $0xffff;
	s11 =	sadd.s32 $0x400, s11  }
.LBB2_7:
0x13c: {  	s22 =	sadd.s32 $0x8, s22;
	s21 =	sadd.s32 $0x400, s21;
	s8 =	sadd.s32 $0x400, s8  }
0x13d: {  	p0 =	slt.u32 s22, $0x28;
	_ =	sdelay $0x3  }
0x13e: {  	v4 =	vadd.f32 v5, v4;
	_ =	sdelay $0x1  }
0x13f: {  	[tilespmem:s9+$0x70] =	vst.add.f32.msk $0xffff, v4  }
0x140: {  	v4 =	vld.idx.msk [tilespmem:v3+s11+$0xFFFFFFC0 ss:$0x1], $0xffff  }
0x141: {  	v5 =	vld.idx.msk [tilespmem:v3+s8+$0xFFFFFFC0 ss:$0x1], $0xffff;
	_ =	sdelay $0x5  }
0x142: {  	v4 =	vadd.f32 v5, v4  }
0x143: {  	s9 =	sadd.s32 s20, s21  }
0x144: {  	[tilespmem:s9+$0x0] =	vst.add.f32.msk $0xffff, v4  }
0x145: {  	v4 =	vld.idx.msk [tilespmem:v3+s11+$0xFFFFFFD0 ss:$0x1], $0xffff  }
0x146: {  	v5 =	vld.idx.msk [tilespmem:v3+s8+$0xFFFFFFD0 ss:$0x1], $0xffff;
	_ =	sdelay $0x5  }
0x147: {  	v4 =	vadd.f32 v5, v4;
	_ =	sdelay $0x1  }
0x148: {  	[tilespmem:s9+$0x10] =	vst.add.f32.msk $0xffff, v4  }
0x149: {  	v4 =	vld.idx.msk [tilespmem:v3+s11+$0xFFFFFFE0 ss:$0x1], $0xffff  }
0x14a: {  	v5 =	vld.idx.msk [tilespmem:v3+s8+$0xFFFFFFE0 ss:$0x1], $0xffff;
	_ =	sdelay $0x5  }
0x14b: {  	v4 =	vadd.f32 v5, v4;
	_ =	sdelay $0x1  }
0x14c: {  	[tilespmem:s9+$0x20] =	vst.add.f32.msk $0xffff, v4  }
0x14d: {  	v4 =	vld.idx.msk [tilespmem:v3+s11+$0xFFFFFFF0 ss:$0x1], $0xffff  }
0x14e: {  	v5 =	vld.idx.msk [tilespmem:v3+s8+$0xFFFFFFF0 ss:$0x1], $0xffff;
	_ =	sdelay $0x5  }
0x14f: {  	v4 =	vadd.f32 v5, v4;
	_ =	sdelay $0x1  }
0x150: {  	[tilespmem:s9+$0x30] =	vst.add.f32.msk $0xffff, v4  }
0x151: {  	v4 =	vld.idx.msk [tilespmem:v3+s11+$0x0 ss:$0x1], $0xffff  }
0x152: {  	v5 =	vld.idx.msk [tilespmem:v3+s8+$0x0 ss:$0x1], $0xffff;
	_ =	sdelay $0x5  }
0x153: {  	v4 =	vadd.f32 v5, v4;
	_ =	sdelay $0x1  }
0x154: {  	[tilespmem:s9+$0x40] =	vst.add.f32.msk $0xffff, v4  }
0x155: {  	v4 =	vld.idx.msk [tilespmem:v3+s11+$0x10 ss:$0x1], $0xffff  }
0x156: {  	v5 =	vld.idx.msk [tilespmem:v3+s8+$0x10 ss:$0x1], $0xffff;
	_ =	sdelay $0x5  }
0x157: {  	v4 =	vadd.f32 v5, v4;
	_ =	sdelay $0x1  }
0x158: {  	[tilespmem:s9+$0x50] =	vst.add.f32.msk $0xffff, v4  }
0x159: {  	v4 =	vld.idx.msk [tilespmem:v3+s11+$0x20 ss:$0x1], $0xffff  }
0x15a: {  	v5 =	vld.idx.msk [tilespmem:v3+s8+$0x20 ss:$0x1], $0xffff;
	_ =	sdelay $0x5  }
.Ltmp2:
0x15b: {  	v4 =	vadd.f32 v5, v4;
	(pc) =	sbr.rel @p0 .LBB2_7-.Ltmp2, $4  }
0x15c: {  	_ = 	snop  }
0x15d: {  	[tilespmem:s9+$0x60] =	vst.add.f32.msk $0xffff, v4  }
0x15e: {  	v4 =	vld.idx.msk [tilespmem:v3+s11+$0x30 ss:$0x1], $0xffff  }
0x15f: {  	s11 =	sadd.s32 $0x400, s11;
	v5 =	vld.idx.msk [tilespmem:v3+s8+$0x30 ss:$0x1], $0xffff  }
0x160: {  	s5 =	sadd.s32 $0x1, s5  }
0x161: {  	p0 =	sne.s32 s5, $0x10  }
.Ltmp3:
0x162: {  	_ = 	snop;
	(pc) =	sbr.rel @p0 .LBB2_6-.Ltmp3, $3  }
0x163: {  	_ = 	snop  }
0x164: {  	v3 =	vadd.f32 v5, v4;
	_ =	sdelay $0x1  }
0x165: {  	s19 =	sadd.s32 $0x1, s19;
	[tilespmem:s9+$0x70] =	vst.add.f32.msk $0xffff, v3  }
0x166: {  	s19 =	simm.s32 $0x0;
	s5 =	rddreg [dreg:$0xd]  }
0x167: {  	[hbm4b:s5+s19] =	stream.linear.scatter [tilespmem:s17], [sflag:$0x3], $0x3000, $0x38;
	[tilespmem:$0x12200] =	vst v63  }
0x168: {  	_ =	swait.ge [sflag:s23], $0x3000  }
0x169: {  	[sflag:s23] =	ssyncset.done $0x0  }
0x16a: {  	s8 =	simm.s32 $0x80;
	s20 =	rddreg [dreg:$0xe];
	[sflag:s23] =	ssyncadd.s32 $0xFFFFD000  }
0x16b: {  	[tilespmem:s8], [sflag:$0x3] =	stream.linear.gather [hbm4b:s20+s19], $0x10, $0x38;
	[tilespmem:$0x12200] =	vst v63  }
0x16c: {  	_ =	swait.ge [sflag:s23], $0x10  }
0x16d: {  	[sflag:s23] =	ssyncset.done $0x0  }
0x16e: {  	s21 =	rddreg [dreg:$0xf];
	[sflag:s23] =	ssyncadd.s32 $0xFFFFFFF0  }
0x16f: {  	[tilespmem:s24], [sflag:$0x3] =	stream.linear.gather [hbm4b:s21+s19], $0x10, $0x38;
	[tilespmem:$0x12200] =	vst v63  }
0x170: {  	_ =	swait.ge [sflag:s23], $0x10  }
0x171: {  	[sflag:s23] =	ssyncset.done $0x0  }
0x172: {  	[sflag:s23] =	ssyncadd.s32 $0xFFFFFFF0  }
0x173: {  	v3 =	vld [tilespmem:$0x80];
	_ =	sdelay $0x4  }
0x174: {  	v4 =	vshrl.u32 v3, $0x3  }
0x175: {  	v4 =	vmul.u32 $0x30, v4  }
0x176: {  	v3 =	vand.u32 $0x7, v3  }
0x177: {  	v3 =	vor.u32 v3, v4  }
0x178: {  	v4 =	vperm.xlane v3, v0;
	_ =	sdelay $0x1  }
0x179: {  	v4 =	vadd.s32 v1, v4;
	_ =	sdelay $0x3  }
0x17a: {  	v3 =	vperm.xlane v3, v2  }
0x17b: {  	[tilespmem:s25], [sflag:$0x2] =	stream.indirect_vreg.gather [hbm4b:s3+s19], $0x80, v4, vm0, $0xb8;
	[tilespmem:$0x12200] =	vst v63  }
0x17c: {  	v3 =	vadd.s32 v1, v3  }
0x17d: {  	[tilespmem:s26], [sflag:$0x2] =	stream.indirect_vreg.gather [hbm4b:s6+s19], $0x80, v4, vm0, $0xb8;
	[tilespmem:$0x12200] =	vst v63  }
0x17e: {  	_ = 	snop  }
0x17f: {  	[tilespmem:s12], [sflag:$0x2] =	stream.indirect_vreg.gather [hbm4b:s7+s19], $0x80, v4, vm0, $0xb8;
	[tilespmem:$0x12200] =	vst v63  }
0x180: {  	_ = 	snop  }
0x181: {  	[tilespmem:s28], [sflag:$0x2] =	stream.indirect_vreg.gather [hbm4b:s3+s19], $0x80, v3, vm0, $0xb8;
	[tilespmem:$0x12200] =	vst v63  }
0x182: {  	_ = 	snop  }
0x183: {  	[tilespmem:s13], [sflag:$0x2] =	stream.indirect_vreg.gather [hbm4b:s6+s19], $0x80, v3, vm0, $0xb8;
	[tilespmem:$0x12200] =	vst v63  }
0x184: {  	_ = 	snop  }
0x185: {  	[tilespmem:s29], [sflag:$0x2] =	stream.indirect_vreg.gather [hbm4b:s7+s19], $0x80, v3, vm0, $0xb8;
	[tilespmem:$0x12200] =	vst v63  }
0x186: {  	v3 =	vld [tilespmem:$0x180];
	_ =	sdelay $0x4  }
0x187: {  	v63 =	vshrl.u32 v3, $0x3  }
0x188: {  	v4 =	vmul.u32 $0x30, v63  }
0x189: {  	v3 =	vand.u32 $0x7, v3  }
0x18a: {  	v3 =	vor.u32 v3, v4  }
0x18b: {  	v4 =	vperm.xlane v3, v0;
	_ =	sdelay $0x1  }
0x18c: {  	v4 =	vadd.s32 v1, v4;
	_ =	sdelay $0x3  }
0x18d: {  	v3 =	vperm.xlane v3, v2  }
0x18e: {  	[tilespmem:s14], [sflag:$0x2] =	stream.indirect_vreg.gather [hbm4b:s3+s19], $0x80, v4, vm0, $0xb8;
	[tilespmem:$0x12200] =	vst v63  }
0x18f: {  	v3 =	vadd.s32 v1, v3  }
0x190: {  	[tilespmem:s30], [sflag:$0x2] =	stream.indirect_vreg.gather [hbm4b:s6+s19], $0x80, v4, vm0, $0xb8;
	[tilespmem:$0x12200] =	vst v63  }
0x191: {  	_ = 	snop  }
0x192: {  	[tilespmem:s15], [sflag:$0x2] =	stream.indirect_vreg.gather [hbm4b:s7+s19], $0x80, v4, vm0, $0xb8;
	[tilespmem:$0x12200] =	vst v63  }
0x193: {  	_ = 	snop  }
0x194: {  	[tilespmem:s31], [sflag:$0x2] =	stream.indirect_vreg.gather [hbm4b:s3+s19], $0x80, v3, vm0, $0xb8;
	[tilespmem:$0x12200] =	vst v63  }
0x195: {  	_ = 	snop  }
0x196: {  	[tilespmem:s16], [sflag:$0x2] =	stream.indirect_vreg.gather [hbm4b:s6+s19], $0x80, v3, vm0, $0xb8;
	[tilespmem:$0x12200] =	vst v63  }
0x197: {  	_ = 	snop  }
0x198: {  	[tilespmem:s0], [sflag:$0x2] =	stream.indirect_vreg.gather [hbm4b:s7+s19], $0x80, v3, vm0, $0xb8;
	[tilespmem:$0x12200] =	vst v63  }
0x199: {  	s22 =	rddreg [dreg:$0x10]  }
0x19a: {  	[tilespmem:s17], [sflag:$0x2] =	stream.linear.gather [hbm4b:s22+s19], $0x3000, $0x38;
	[tilespmem:$0x12200] =	vst v63  }
0x19b: {  	_ =	swait.ge [sflag:s2], $0x3000  }
0x19c: {  	[sflag:s2] =	ssyncset.done $0x0  }
0x19d: {  	[sflag:s2] =	ssyncadd.s32 $0xFFFFD000  }
0x19e: {  	_ =	swait.ge [sflag:s2], $0x3000  }
0x19f: {  	[sflag:s2] =	ssyncset.done $0x0  }
0x1a0: {  	[sflag:s2] =	ssyncadd.s32 $0xFFFFD000  }
0x1a1: {  	_ =	swait.ge [sflag:s2], $0x3000  }
0x1a2: {  	[sflag:s2] =	ssyncset.done $0x0  }
0x1a3: {  	s5 =	simm.s32 $0x0;
	[sflag:s2] =	ssyncadd.s32 $0xFFFFD000  }
.LBB2_10:
0x1a4: {  	s8 =	sand.u32 $0x7, s19  }
0x1a5: {  	s8 =	sshll.u32 s8, $0x9  }
0x1a6: {  	s20 =	sshrl.u32 s8, $0x2  }
0x1a7: {  	s22 =	sshrl.u32 s5, $0x3;
	v3 =	vmov s20  }
0x1a8: {  	s8 =	smul.u32 $0x6000, s22;
	_ =	sdelay $0x1  }
0x1a9: {  	s9 =	sshra.s32 s8, $0x2  }
0x1aa: {  	s11 =	sor.u32 $0x240, s9  }
0x1ab: {  	s8 =	sadd.s32 $0x6240, s9;
	v4 =	vld.idx.msk [tilespmem:v3+s11+$0xFFFFFFC0 ss:$0x1], $0xffff  }
0x1ac: {  	v5 =	vld.idx.msk [tilespmem:v3+s8+$0xFFFFFFC0 ss:$0x1], $0xffff;
	_ =	sdelay $0x4  }
0x1ad: {  	s21 =	sadd.s32 $0xC200, s9;
	v4 =	vadd.f32 v5, v4  }
0x1ae: {  	s9 =	sadd.s32 s20, s21  }
0x1af: {  	[tilespmem:s9+$0x0] =	vst.add.f32.msk $0xffff, v4  }
0x1b0: {  	v4 =	vld.idx.msk [tilespmem:v3+s11+$0xFFFFFFD0 ss:$0x1], $0xffff  }
0x1b1: {  	v5 =	vld.idx.msk [tilespmem:v3+s8+$0xFFFFFFD0 ss:$0x1], $0xffff;
	_ =	sdelay $0x4  }
0x1b2: {  	v4 =	vadd.f32 v5, v4;
	_ =	sdelay $0x1  }
0x1b3: {  	[tilespmem:s9+$0x10] =	vst.add.f32.msk $0xffff, v4  }
0x1b4: {  	v4 =	vld.idx.msk [tilespmem:v3+s11+$0xFFFFFFE0 ss:$0x1], $0xffff  }
0x1b5: {  	v5 =	vld.idx.msk [tilespmem:v3+s8+$0xFFFFFFE0 ss:$0x1], $0xffff;
	_ =	sdelay $0x4  }
0x1b6: {  	v4 =	vadd.f32 v5, v4;
	_ =	sdelay $0x1  }
0x1b7: {  	[tilespmem:s9+$0x20] =	vst.add.f32.msk $0xffff, v4  }
0x1b8: {  	v4 =	vld.idx.msk [tilespmem:v3+s11+$0xFFFFFFF0 ss:$0x1], $0xffff  }
0x1b9: {  	v5 =	vld.idx.msk [tilespmem:v3+s8+$0xFFFFFFF0 ss:$0x1], $0xffff;
	_ =	sdelay $0x4  }
0x1ba: {  	v4 =	vadd.f32 v5, v4;
	_ =	sdelay $0x1  }
0x1bb: {  	[tilespmem:s9+$0x30] =	vst.add.f32.msk $0xffff, v4  }
0x1bc: {  	v4 =	vld.idx.msk [tilespmem:v3+s11+$0x0 ss:$0x1], $0xffff  }
0x1bd: {  	v5 =	vld.idx.msk [tilespmem:v3+s8+$0x0 ss:$0x1], $0xffff;
	_ =	sdelay $0x4  }
0x1be: {  	v4 =	vadd.f32 v5, v4;
	_ =	sdelay $0x1  }
0x1bf: {  	[tilespmem:s9+$0x40] =	vst.add.f32.msk $0xffff, v4  }
0x1c0: {  	v4 =	vld.idx.msk [tilespmem:v3+s11+$0x10 ss:$0x1], $0xffff  }
0x1c1: {  	v5 =	vld.idx.msk [tilespmem:v3+s8+$0x10 ss:$0x1], $0xffff;
	_ =	sdelay $0x4  }
0x1c2: {  	v4 =	vadd.f32 v5, v4;
	_ =	sdelay $0x1  }
0x1c3: {  	[tilespmem:s9+$0x50] =	vst.add.f32.msk $0xffff, v4  }
0x1c4: {  	v4 =	vld.idx.msk [tilespmem:v3+s11+$0x20 ss:$0x1], $0xffff  }
0x1c5: {  	v5 =	vld.idx.msk [tilespmem:v3+s8+$0x20 ss:$0x1], $0xffff;
	_ =	sdelay $0x4  }
0x1c6: {  	v4 =	vadd.f32 v5, v4;
	_ =	sdelay $0x1  }
0x1c7: {  	[tilespmem:s9+$0x60] =	vst.add.f32.msk $0xffff, v4  }
0x1c8: {  	v4 =	vld.idx.msk [tilespmem:v3+s11+$0x30 ss:$0x1], $0xffff  }
0x1c9: {  	s22 =	simm.s32 $0x0;
	v5 =	vld.idx.msk [tilespmem:v3+s8+$0x30 ss:$0x1], $0xffff;
	s11 =	sadd.s32 $0x400, s11  }
.LBB2_11:
0x1ca: {  	s22 =	sadd.s32 $0x8, s22;
	s21 =	sadd.s32 $0x400, s21;
	s8 =	sadd.s32 $0x400, s8  }
0x1cb: {  	p0 =	slt.u32 s22, $0x28;
	_ =	sdelay $0x3  }
0x1cc: {  	v4 =	vadd.f32 v5, v4;
	_ =	sdelay $0x1  }
0x1cd: {  	[tilespmem:s9+$0x70] =	vst.add.f32.msk $0xffff, v4  }
0x1ce: {  	v4 =	vld.idx.msk [tilespmem:v3+s11+$0xFFFFFFC0 ss:$0x1], $0xffff  }
0x1cf: {  	v5 =	vld.idx.msk [tilespmem:v3+s8+$0xFFFFFFC0 ss:$0x1], $0xffff;
	_ =	sdelay $0x5  }
0x1d0: {  	v4 =	vadd.f32 v5, v4  }
0x1d1: {  	s9 =	sadd.s32 s20, s21  }
0x1d2: {  	[tilespmem:s9+$0x0] =	vst.add.f32.msk $0xffff, v4  }
0x1d3: {  	v4 =	vld.idx.msk [tilespmem:v3+s11+$0xFFFFFFD0 ss:$0x1], $0xffff  }
0x1d4: {  	v5 =	vld.idx.msk [tilespmem:v3+s8+$0xFFFFFFD0 ss:$0x1], $0xffff;
	_ =	sdelay $0x5  }
0x1d5: {  	v4 =	vadd.f32 v5, v4;
	_ =	sdelay $0x1  }
0x1d6: {  	[tilespmem:s9+$0x10] =	vst.add.f32.msk $0xffff, v4  }
0x1d7: {  	v4 =	vld.idx.msk [tilespmem:v3+s11+$0xFFFFFFE0 ss:$0x1], $0xffff  }
0x1d8: {  	v5 =	vld.idx.msk [tilespmem:v3+s8+$0xFFFFFFE0 ss:$0x1], $0xffff;
	_ =	sdelay $0x5  }
0x1d9: {  	v4 =	vadd.f32 v5, v4;
	_ =	sdelay $0x1  }
0x1da: {  	[tilespmem:s9+$0x20] =	vst.add.f32.msk $0xffff, v4  }
0x1db: {  	v4 =	vld.idx.msk [tilespmem:v3+s11+$0xFFFFFFF0 ss:$0x1], $0xffff  }
0x1dc: {  	v5 =	vld.idx.msk [tilespmem:v3+s8+$0xFFFFFFF0 ss:$0x1], $0xffff;
	_ =	sdelay $0x5  }
0x1dd: {  	v4 =	vadd.f32 v5, v4;
	_ =	sdelay $0x1  }
0x1de: {  	[tilespmem:s9+$0x30] =	vst.add.f32.msk $0xffff, v4  }
0x1df: {  	v4 =	vld.idx.msk [tilespmem:v3+s11+$0x0 ss:$0x1], $0xffff  }
0x1e0: {  	v5 =	vld.idx.msk [tilespmem:v3+s8+$0x0 ss:$0x1], $0xffff;
	_ =	sdelay $0x5  }
0x1e1: {  	v4 =	vadd.f32 v5, v4;
	_ =	sdelay $0x1  }
0x1e2: {  	[tilespmem:s9+$0x40] =	vst.add.f32.msk $0xffff, v4  }
0x1e3: {  	v4 =	vld.idx.msk [tilespmem:v3+s11+$0x10 ss:$0x1], $0xffff  }
0x1e4: {  	v5 =	vld.idx.msk [tilespmem:v3+s8+$0x10 ss:$0x1], $0xffff;
	_ =	sdelay $0x5  }
0x1e5: {  	v4 =	vadd.f32 v5, v4;
	_ =	sdelay $0x1  }
0x1e6: {  	[tilespmem:s9+$0x50] =	vst.add.f32.msk $0xffff, v4  }
0x1e7: {  	v4 =	vld.idx.msk [tilespmem:v3+s11+$0x20 ss:$0x1], $0xffff  }
0x1e8: {  	v5 =	vld.idx.msk [tilespmem:v3+s8+$0x20 ss:$0x1], $0xffff;
	_ =	sdelay $0x5  }
.Ltmp4:
0x1e9: {  	v4 =	vadd.f32 v5, v4;
	(pc) =	sbr.rel @p0 .LBB2_11-.Ltmp4, $4  }
0x1ea: {  	_ = 	snop  }
0x1eb: {  	[tilespmem:s9+$0x60] =	vst.add.f32.msk $0xffff, v4  }
0x1ec: {  	v4 =	vld.idx.msk [tilespmem:v3+s11+$0x30 ss:$0x1], $0xffff  }
0x1ed: {  	s11 =	sadd.s32 $0x400, s11;
	v5 =	vld.idx.msk [tilespmem:v3+s8+$0x30 ss:$0x1], $0xffff  }
0x1ee: {  	s5 =	sadd.s32 $0x1, s5  }
0x1ef: {  	p0 =	sne.s32 s5, $0x10  }
.Ltmp5:
0x1f0: {  	_ = 	snop;
	(pc) =	sbr.rel @p0 .LBB2_10-.Ltmp5, $3  }
0x1f1: {  	_ = 	snop  }
0x1f2: {  	v3 =	vadd.f32 v5, v4;
	_ =	sdelay $0x1  }
0x1f3: {  	s19 =	sadd.s32 $0x1, s19;
	[tilespmem:s9+$0x70] =	vst.add.f32.msk $0xffff, v3  }
0x1f4: {  	s19 =	simm.s32 $0x0;
	s5 =	rddreg [dreg:$0x11]  }
0x1f5: {  	[hbm4b:s5+s19] =	stream.linear.scatter [tilespmem:s10], [sflag:$0x3], $0x3000, $0x38;
	[tilespmem:$0x12200] =	vst v63  }
0x1f6: {  	_ =	swait.ge [sflag:s23], $0x3000  }
0x1f7: {  	[sflag:s23] =	ssyncset.done $0x0  }
0x1f8: {  	[sflag:s23] =	ssyncadd.s32 $0xFFFFD000  }
0x1f9: {  	_ =	swait.ge [sflag:s18], $0x3000  }
0x1fa: {  	[sflag:s18] =	ssyncset.done $0x0  }
0x1fb: {  	[sflag:s18] =	ssyncadd.s32 $0xFFFFD000  }
0x1fc: {  	_ =	swait.ge [sflag:s18], $0x3000  }
0x1fd: {  	[sflag:s18] =	ssyncset.done $0x0  }
0x1fe: {  	[sflag:s18] =	ssyncadd.s32 $0xFFFFD000  }
0x1ff: {  	_ =	swait.ge [sflag:s18], $0x3000  }
0x200: {  	[sflag:s18] =	ssyncset.done $0x0  }
0x201: {  	s5 =	simm.s32 $0x0;
	[sflag:s18] =	ssyncadd.s32 $0xFFFFD000  }
.LBB2_14:
0x202: {  	s8 =	sand.u32 $0x7, s19  }
0x203: {  	s8 =	sshll.u32 s8, $0x9  }
0x204: {  	s20 =	sshrl.u32 s8, $0x2  }
0x205: {  	s22 =	sshrl.u32 s5, $0x3;
	v3 =	vmov s20  }
0x206: {  	s8 =	smul.u32 $0x6000, s22;
	_ =	sdelay $0x1  }
0x207: {  	s9 =	sshra.s32 s8, $0x2  }
0x208: {  	s11 =	sadd.s32 $0x3240, s9  }
0x209: {  	s8 =	sadd.s32 $0x9240, s9;
	v4 =	vld.idx.msk [tilespmem:v3+s11+$0xFFFFFFC0 ss:$0x1], $0xffff  }
0x20a: {  	v5 =	vld.idx.msk [tilespmem:v3+s8+$0xFFFFFFC0 ss:$0x1], $0xffff;
	_ =	sdelay $0x4  }
0x20b: {  	s21 =	sadd.s32 $0xF200, s9;
	v4 =	vadd.f32 v5, v4  }
0x20c: {  	s9 =	sadd.s32 s20, s21  }
0x20d: {  	[tilespmem:s9+$0x0] =	vst.add.f32.msk $0xffff, v4  }
0x20e: {  	v4 =	vld.idx.msk [tilespmem:v3+s11+$0xFFFFFFD0 ss:$0x1], $0xffff  }
0x20f: {  	v5 =	vld.idx.msk [tilespmem:v3+s8+$0xFFFFFFD0 ss:$0x1], $0xffff;
	_ =	sdelay $0x4  }
0x210: {  	v4 =	vadd.f32 v5, v4;
	_ =	sdelay $0x1  }
0x211: {  	[tilespmem:s9+$0x10] =	vst.add.f32.msk $0xffff, v4  }
0x212: {  	v4 =	vld.idx.msk [tilespmem:v3+s11+$0xFFFFFFE0 ss:$0x1], $0xffff  }
0x213: {  	v5 =	vld.idx.msk [tilespmem:v3+s8+$0xFFFFFFE0 ss:$0x1], $0xffff;
	_ =	sdelay $0x4  }
0x214: {  	v4 =	vadd.f32 v5, v4;
	_ =	sdelay $0x1  }
0x215: {  	[tilespmem:s9+$0x20] =	vst.add.f32.msk $0xffff, v4  }
0x216: {  	v4 =	vld.idx.msk [tilespmem:v3+s11+$0xFFFFFFF0 ss:$0x1], $0xffff  }
0x217: {  	v5 =	vld.idx.msk [tilespmem:v3+s8+$0xFFFFFFF0 ss:$0x1], $0xffff;
	_ =	sdelay $0x4  }
0x218: {  	v4 =	vadd.f32 v5, v4;
	_ =	sdelay $0x1  }
0x219: {  	[tilespmem:s9+$0x30] =	vst.add.f32.msk $0xffff, v4  }
0x21a: {  	v4 =	vld.idx.msk [tilespmem:v3+s11+$0x0 ss:$0x1], $0xffff  }
0x21b: {  	v5 =	vld.idx.msk [tilespmem:v3+s8+$0x0 ss:$0x1], $0xffff;
	_ =	sdelay $0x4  }
0x21c: {  	v4 =	vadd.f32 v5, v4;
	_ =	sdelay $0x1  }
0x21d: {  	[tilespmem:s9+$0x40] =	vst.add.f32.msk $0xffff, v4  }
0x21e: {  	v4 =	vld.idx.msk [tilespmem:v3+s11+$0x10 ss:$0x1], $0xffff  }
0x21f: {  	v5 =	vld.idx.msk [tilespmem:v3+s8+$0x10 ss:$0x1], $0xffff;
	_ =	sdelay $0x4  }
0x220: {  	v4 =	vadd.f32 v5, v4;
	_ =	sdelay $0x1  }
0x221: {  	[tilespmem:s9+$0x50] =	vst.add.f32.msk $0xffff, v4  }
0x222: {  	v4 =	vld.idx.msk [tilespmem:v3+s11+$0x20 ss:$0x1], $0xffff  }
0x223: {  	v5 =	vld.idx.msk [tilespmem:v3+s8+$0x20 ss:$0x1], $0xffff;
	_ =	sdelay $0x4  }
0x224: {  	v4 =	vadd.f32 v5, v4;
	_ =	sdelay $0x1  }
0x225: {  	[tilespmem:s9+$0x60] =	vst.add.f32.msk $0xffff, v4  }
0x226: {  	v4 =	vld.idx.msk [tilespmem:v3+s11+$0x30 ss:$0x1], $0xffff  }
0x227: {  	s22 =	simm.s32 $0x0;
	v5 =	vld.idx.msk [tilespmem:v3+s8+$0x30 ss:$0x1], $0xffff;
	s11 =	sadd.s32 $0x400, s11  }
.LBB2_15:
0x228: {  	s22 =	sadd.s32 $0x8, s22;
	s21 =	sadd.s32 $0x400, s21;
	s8 =	sadd.s32 $0x400, s8  }
0x229: {  	p0 =	slt.u32 s22, $0x28;
	_ =	sdelay $0x3  }
0x22a: {  	v4 =	vadd.f32 v5, v4;
	_ =	sdelay $0x1  }
0x22b: {  	[tilespmem:s9+$0x70] =	vst.add.f32.msk $0xffff, v4  }
0x22c: {  	v4 =	vld.idx.msk [tilespmem:v3+s11+$0xFFFFFFC0 ss:$0x1], $0xffff  }
0x22d: {  	v5 =	vld.idx.msk [tilespmem:v3+s8+$0xFFFFFFC0 ss:$0x1], $0xffff;
	_ =	sdelay $0x5  }
0x22e: {  	v4 =	vadd.f32 v5, v4  }
0x22f: {  	s9 =	sadd.s32 s20, s21  }
0x230: {  	[tilespmem:s9+$0x0] =	vst.add.f32.msk $0xffff, v4  }
0x231: {  	v4 =	vld.idx.msk [tilespmem:v3+s11+$0xFFFFFFD0 ss:$0x1], $0xffff  }
0x232: {  	v5 =	vld.idx.msk [tilespmem:v3+s8+$0xFFFFFFD0 ss:$0x1], $0xffff;
	_ =	sdelay $0x5  }
0x233: {  	v4 =	vadd.f32 v5, v4;
	_ =	sdelay $0x1  }
0x234: {  	[tilespmem:s9+$0x10] =	vst.add.f32.msk $0xffff, v4  }
0x235: {  	v4 =	vld.idx.msk [tilespmem:v3+s11+$0xFFFFFFE0 ss:$0x1], $0xffff  }
0x236: {  	v5 =	vld.idx.msk [tilespmem:v3+s8+$0xFFFFFFE0 ss:$0x1], $0xffff;
	_ =	sdelay $0x5  }
0x237: {  	v4 =	vadd.f32 v5, v4;
	_ =	sdelay $0x1  }
0x238: {  	[tilespmem:s9+$0x20] =	vst.add.f32.msk $0xffff, v4  }
0x239: {  	v4 =	vld.idx.msk [tilespmem:v3+s11+$0xFFFFFFF0 ss:$0x1], $0xffff  }
0x23a: {  	v5 =	vld.idx.msk [tilespmem:v3+s8+$0xFFFFFFF0 ss:$0x1], $0xffff;
	_ =	sdelay $0x5  }
0x23b: {  	v4 =	vadd.f32 v5, v4;
	_ =	sdelay $0x1  }
0x23c: {  	[tilespmem:s9+$0x30] =	vst.add.f32.msk $0xffff, v4  }
0x23d: {  	v4 =	vld.idx.msk [tilespmem:v3+s11+$0x0 ss:$0x1], $0xffff  }
0x23e: {  	v5 =	vld.idx.msk [tilespmem:v3+s8+$0x0 ss:$0x1], $0xffff;
	_ =	sdelay $0x5  }
0x23f: {  	v4 =	vadd.f32 v5, v4;
	_ =	sdelay $0x1  }
0x240: {  	[tilespmem:s9+$0x40] =	vst.add.f32.msk $0xffff, v4  }
0x241: {  	v4 =	vld.idx.msk [tilespmem:v3+s11+$0x10 ss:$0x1], $0xffff  }
0x242: {  	v5 =	vld.idx.msk [tilespmem:v3+s8+$0x10 ss:$0x1], $0xffff;
	_ =	sdelay $0x5  }
0x243: {  	v4 =	vadd.f32 v5, v4;
	_ =	sdelay $0x1  }
0x244: {  	[tilespmem:s9+$0x50] =	vst.add.f32.msk $0xffff, v4  }
0x245: {  	v4 =	vld.idx.msk [tilespmem:v3+s11+$0x20 ss:$0x1], $0xffff  }
0x246: {  	v5 =	vld.idx.msk [tilespmem:v3+s8+$0x20 ss:$0x1], $0xffff;
	_ =	sdelay $0x5  }
.Ltmp6:
0x247: {  	v4 =	vadd.f32 v5, v4;
	(pc) =	sbr.rel @p0 .LBB2_15-.Ltmp6, $4  }
0x248: {  	_ = 	snop  }
0x249: {  	[tilespmem:s9+$0x60] =	vst.add.f32.msk $0xffff, v4  }
0x24a: {  	v4 =	vld.idx.msk [tilespmem:v3+s11+$0x30 ss:$0x1], $0xffff  }
0x24b: {  	s11 =	sadd.s32 $0x400, s11;
	v5 =	vld.idx.msk [tilespmem:v3+s8+$0x30 ss:$0x1], $0xffff  }
0x24c: {  	s5 =	sadd.s32 $0x1, s5  }
0x24d: {  	p0 =	sne.s32 s5, $0x10  }
.Ltmp7:
0x24e: {  	_ = 	snop;
	(pc) =	sbr.rel @p0 .LBB2_14-.Ltmp7, $3  }
0x24f: {  	_ = 	snop  }
0x250: {  	v3 =	vadd.f32 v5, v4;
	_ =	sdelay $0x1  }
0x251: {  	s19 =	sadd.s32 $0x1, s19;
	[tilespmem:s9+$0x70] =	vst.add.f32.msk $0xffff, v3  }
0x252: {  	s5 =	rddreg [dreg:$0x12]  }
0x253: {  	[hbm4b:s5+s1] =	stream.linear.scatter [tilespmem:s17], [sflag:$0x3], $0x3000, $0x38;
	[tilespmem:$0x12200] =	vst v63  }
0x254: {  	_ =	swait.ge [sflag:s23], $0x3000  }
0x255: {  	s4 =	sadd.s32 $0x1, s4;
	s22 =	rddreg [dreg:$0x13]  }
0x256: {  	p0 =	sne.s32 s4, s22  }
.Ltmp8:
0x257: {  	_ = 	snop;
	(pc) =	sbr.rel @p0 .LBB2_1-.Ltmp8, $3  }
0x258: {  	_ =	sdelay $0x1  }
0x259: {  	[sflag:s23] =	ssyncset.done $0x0  }
0x25a: {  	[sflag:s23] =	ssyncadd.s32 $0xFFFFD000  }
0x25b: {  	_ =	sfence.sel $0x180000  }
0x25c: {  	[bflag:$0x0] =	sbarrier.arrive $0xFFFF  }
0x25d: {  	_ =	strace $0x9000004A  }
0x25e: {  	s0 =	stileid.u32;
	[bflag:$0x2] =	sbarrier.arrive $0xFFFF  }
0x25f: {  	p0 =	sne.s32 s0, $0x0;
	s0 =	rddreg [dreg:$0x2]  }
0x260: {  	s0 =	sadd.s32 @!p0 $0x100000, s0  }
0x261: {  	[sflag:s0] =	ssyncadd.tile.s32 @!p0 $0x1;
	_ =	shalt  }
.Lfunc_end2:
_tile_overlayer_lowered:
.L_overlay_start_2:
0x262: {  	(tag) =	ssettag $0x2  }
0x263: {  	s0 =	rddreg [dreg:$0x0];
	s2 =	stileid.u32  }
0x264: {  	s1 =	rddreg [dreg:$0x1];
	p0 =	sne.s32 s2, $0x0  }
0x265: {  	s3 =	rddreg [dreg:$0x2];
	[bflag:$0x3] =	sbarrier.arrive $0xFFFF;
	s2 =	simm.s32 @!p0 $0x1C03  }
0x266: {  	[timem:s3], [sflag:s2] =	dma.local @!p0 [hbm:s0], s1  }
0x267: {  	s0 =	simm.s32 @!p0 $0x3  }
0x268: {  	_ =	swait.ge @!p0 [sflag:s0], s1  }
0x269: {  	s1 =	ssub.s32 @!p0 $0x0, s1;
	[sflag:s0] =	ssyncset.done @!p0 $0x0  }
0x26a: {  	[sflag:s0] =	ssyncadd.s32 @!p0 s1  }
0x26b: {  	[bflag:$0x3] =	sbarrier.arrive $0xFFFF  }
0x26c: {  	_ =	shalt  }

// kernel: kernel.7.cloned.1.call-start
scs
__scs_entry_jumppad:
0x0: {  	(pc) =	sbr.rel $0x88, $3  }
0x1: {  	(tag) =	ssettag $0x0;
	lr =	simm.s32 $0x1  }
0x2: {  	[smem:$0x3F9B] =	sst lr;
	_ =	strace $0xD0000000  }
0x3: {  	_ = 	snop  }
0x4: {  	_ = 	snop  }
0x5: {  	_ = 	snop  }
0x6: {  	_ = 	snop  }
0x7: {  	_ = 	snop  }
__scs_overlays_trampoline_lowered:
0x8: {  	[smem:$0x3FAA] =	sst s0  }
0x9: {  	[smem:$0x3FAB] =	sst s1  }
0xa: {  	[smem:$0x3FAC] =	sst s2  }
0xb: {  	[smem:$0x3FAD] =	sst s3  }
0xc: {  	[smem:$0x3FAE] =	sst s4  }
0xd: {  	[smem:$0x3FAF] =	sst s5  }
0xe: {  	[smem:$0x3FB0] =	sst s6  }
0xf: {  	[smem:$0x3FB1] =	sst s7  }
0x10: {  	[smem:$0x3FB2] =	sst s8  }
0x11: {  	[smem:$0x3FB3] =	sst s9;
	s0 =	simm.s32 @!p0 $0x0  }
0x12: {  	s1 =	sld [smem:$0x3F99];
	s0 =	simm.s32 @p0 $0x1  }
0x13: {  	[smem:$0x3FB4] =	sst s0;
	s0 =	simm.s32 @!p1 $0x0  }
0x14: {  	s2 =	sld [smem:$0x3F98];
	s0 =	simm.s32 @p1 $0x1  }
0x15: {  	[smem:$0x3FB5] =	sst s0;
	s0 =	simm.s32 @!p2 $0x0  }
0x16: {  	s3 =	sld [smem:$0x3FDB];
	s0 =	simm.s32 @p2 $0x1  }
0x17: {  	s4 =	simm.s32 $0x1BF5;
	[smem:$0x3FB7] =	sst s0  }
0x18: {  	s0 =	sld [smem:$0x3F9A];
	_ =	swait.ge [sflag:s4], $0x0  }
0x19: {  	s7 =	sld [smem:$0x3F9B]  }
0x1a: {  	s8 =	sadd.s32 $0xFFFFE003, lr  }
0x1b: {  	s9 =	sadd.s32 $0xFFFFFEF7, lr;
	s5 =	simm.s32 $0xFFFFFFFF;
	p2 =	slt.u32 s8, $0xFFFFF086  }
0x1c: {  	p1 =	slt.u32 s9, $0xF7A;
	s5 =	simm.s32 @!p2 $0x0  }
0x1d: {  	s5 =	simm.s32 @p1 $0x1;
	p0 =	seq.s32 s7, s2  }
0x1e: {  	s7 =	smul.u32 @!p0 $0xF7A, s2;
	p2 =	seq.s32 @!p0 s5, $0x0  }
0x1f: {  	s9 =	smul.u32 $0xF7A, s1;
	s8 =	simm.s32 @!p0 $0x1BF5;
	p2 =	por !p2, p0  }
0x20: {  	[sflag:s8] =	ssyncset.s32 @!p0 $0xFFFFF086;
	s6 =	sadd.s32 @!p0 s3, s7;
	s7 =	simm.s32 @!p0 $0x108  }
0x21: {  	s3 =	sadd.s32 s3, s9;
	s6 =	sadd.s32 @!p0 $0x88, s6;
	s7 =	simm.s32 @p2 $0x1082  }
0x22: {  	[simem:s7], [sflag:s8] =	dma.local @!p0 [hbm:s6], $0xF7A  }
0x23: {  	s9 =	sor.u32 $0xD0000000, s2;
	s6 =	simm.s32 $0x108;
	_ =	swait.ge @!p0 [sflag:s8], $0x0  }
0x24: {  	s3 =	sadd.s32 $0x88, s3;
	s6 =	simm.s32 @!p1 $0x1082;
	[sflag:s4] =	ssyncset.s32 $0xFFFFF086  }
0x25: {  	[simem:s6], [sflag:s4] =	dma.local [hbm:s3], $0xF7A  }
0x26: {  	[smem:$0x3F9B] =	sst s1;
	(tag) =	ssettag s2;
	_ =	strace s9  }
0x27: {  	s1 =	sld [smem:$0x3FAB]  }
0x28: {  	s2 =	sld [smem:$0x3FAC]  }
0x29: {  	s4 =	sld [smem:$0x3FAE]  }
0x2a: {  	p0 =	seq.s32 s5, $0x0;
	s5 =	sld [smem:$0x3FAF]  }
0x2b: {  	s6 =	sld [smem:$0x3FB0]  }
0x2c: {  	s7 =	sld [smem:$0x3FB1]  }
0x2d: {  	s3 =	simm.s32 $0x108;
	s8 =	sld [smem:$0x3FB2]  }
0x2e: {  	s3 =	simm.s32 @!p0 $0x1082;
	s9 =	sld [smem:$0x3FB3]  }
0x2f: {  	lr =	sadd.s32 s0, s3;
	s0 =	sld [smem:$0x3FAA]  }
0x30: {  	s3 =	sld [smem:$0x3FAD]  }
0x31: {  	[smem:$0x3FB6] =	sst s10  }
0x32: {  	s10 =	sld [smem:$0x3FB4];
	_ =	sdelay $0x3  }
0x33: {  	p0 =	seq.s32 s10, $0x1;
	s10 =	sld [smem:$0x3FB6];
	_ =	sdelay $0x3  }
0x34: {  	[smem:$0x3FB6] =	sst s10  }
0x35: {  	s10 =	sld [smem:$0x3FB5];
	_ =	sdelay $0x3  }
0x36: {  	p1 =	seq.s32 s10, $0x1;
	s10 =	sld [smem:$0x3FB6];
	_ =	sdelay $0x3  }
0x37: {  	[smem:$0x3FB6] =	sst s10  }
0x38: {  	s10 =	sld [smem:$0x3FB7]  }
0x39: {  	_ = 	snop;
	(pc) =	sbr.ind lr, $3  }
0x3a: {  	_ = 	snop  }
0x3b: {  	_ = 	snop  }
0x3c: {  	p2 =	seq.s32 s10, $0x1;
	s10 =	sld [smem:$0x3FB6]  }
0x3d: {  	_ =	shalt  }
0x3e: {  	_ =	shalt  }
0x3f: {  	_ =	shalt  }
0x40: {  	_ =	shalt  }
0x41: {  	_ =	shalt  }
0x42: {  	_ =	shalt  }
0x43: {  	_ =	shalt  }
0x44: {  	_ =	shalt  }
0x45: {  	_ =	shalt  }
0x46: {  	_ =	shalt  }
0x47: {  	_ =	shalt  }
0x48: {  	_ =	shalt  }
0x49: {  	_ =	shalt  }
0x4a: {  	_ =	shalt  }
0x4b: {  	_ =	shalt  }
0x4c: {  	_ =	shalt  }
0x4d: {  	_ =	shalt  }
0x4e: {  	_ =	shalt  }
0x4f: {  	_ =	shalt  }
0x50: {  	_ =	shalt  }
0x51: {  	_ =	shalt  }
0x52: {  	_ =	shalt  }
0x53: {  	_ =	shalt  }
0x54: {  	_ =	shalt  }
0x55: {  	_ =	shalt  }
0x56: {  	_ =	shalt  }
0x57: {  	_ =	shalt  }
0x58: {  	_ =	shalt  }
0x59: {  	_ =	shalt  }
0x5a: {  	_ =	shalt  }
0x5b: {  	_ =	shalt  }
0x5c: {  	_ =	shalt  }
0x5d: {  	_ =	shalt  }
0x5e: {  	_ =	shalt  }
0x5f: {  	_ =	shalt  }
0x60: {  	_ =	shalt  }
0x61: {  	_ =	shalt  }
0x62: {  	_ =	shalt  }
0x63: {  	_ =	shalt  }
0x64: {  	_ =	shalt  }
0x65: {  	_ =	shalt  }
0x66: {  	_ =	shalt  }
0x67: {  	_ =	shalt  }
0x68: {  	_ =	shalt  }
0x69: {  	_ =	shalt  }
0x6a: {  	_ =	shalt  }
0x6b: {  	_ =	shalt  }
0x6c: {  	_ =	shalt  }
0x6d: {  	_ =	shalt  }
0x6e: {  	_ =	shalt  }
0x6f: {  	_ =	shalt  }
0x70: {  	_ =	shalt  }
0x71: {  	_ =	shalt  }
0x72: {  	_ =	shalt  }
0x73: {  	_ =	shalt  }
0x74: {  	_ =	shalt  }
0x75: {  	_ =	shalt  }
0x76: {  	_ =	shalt  }
0x77: {  	_ =	shalt  }
0x78: {  	_ =	shalt  }
0x79: {  	_ =	shalt  }
0x7a: {  	_ =	shalt  }
0x7b: {  	_ =	shalt  }
0x7c: {  	_ =	shalt  }
0x7d: {  	_ =	shalt  }
0x7e: {  	_ =	shalt  }
0x7f: {  	_ =	shalt  }
0x80: {  	_ =	shalt  }
0x81: {  	_ =	shalt  }
0x82: {  	_ =	shalt  }
0x83: {  	_ =	shalt  }
0x84: {  	_ =	shalt  }
0x85: {  	_ =	shalt  }
0x86: {  	_ =	shalt  }
0x87: {  	_ =	shalt  }
.Lfunc_end0:
.L_simem_size_0:
called_computation_lowered:
.L_overlay_start_0:
0x88: {  	s2 =	sld [smem:$0x3FD9]  }
0x89: {  	s3 =	sld [smem:$0x3FFE];
	_ =	sdelay $0x1  }
0x8a: {  	s1 =	srdreg.scid  }
0x8b: {  	s0 =	sand.u32 $0x1, s1  }
0x8c: {  	s17 =	sshll.u32 s0, $0xA;
	s2 =	sadd.s32 s3, s2  }
0x8d: {  	s2 =	sadd.s32 s2, s17  }
0x8e: {  	[smem:$0x3FC2] =	sst s2  }
0x8f: {  	_ = 	snop  }
0x90: {  	s2 =	sld [smem:$0x3FC9]  }
0x91: {  	s18 =	sld [smem:$0x3FD0];
	(tm) =	ssettm $0x1  }
0x92: {  	s4 =	sld [smem:$0x3FFB];
	_ =	sdelay $0x3  }
0x93: {  	_ =	strace s4  }
0x94: {  	s4 =	sld [smem:$0x3FFC];
	_ =	sdelay $0x3  }
0x95: {  	_ =	strace s4  }
0x96: {  	s4 =	sld [smem:$0x3FFD];
	_ =	sdelay $0x3  }
0x97: {  	_ =	strace s4  }
0x98: {  	_ =	strace $0x8FFFFFFF  }
0x99: {  	s19 =	sld [smem:$0x3FDB];
	_ =	sdelay $0x1  }
0x9a: {  	s5 =	simm.s32 $_scs_section_size  }
0x9b: {  	s6 =	simm.s32 $_size__tile_overlayer_lowered;
	s7 =	simm.s32 $_tile_overlayer_lowered  }
0x9c: {  	s22 =	simm.s32 $0x1BFF;
	s21 =	sshll.u32 s7, $0x1;
	s4 =	sadd.s32 s5, s19  }
0x9d: {  	s8 =	simm.s32 $0x0;
	s20 =	sshll.u32 s6, $0x1;
	s6 =	sadd.s32 s21, s4  }
0x9e: {  	[timem:s8], [sflag:s22] =	dma.local [hbm:s6], s20  }
0x9f: {  	_ =	swait.ge [sflag:s22], s20  }
0xa0: {  	s5 =	ssub.s32 $0x0, s20;
	[sflag:s22] =	ssyncset.done $0x0  }
0xa1: {  	[sflag:s22] =	ssyncadd.s32 s5;
	_ =	sdelay $0x1  }
0xa2: {  	s23 =	simm.s32 $0x1B8B  }
0xa3: {  	_ =	swait.ge [sflag:s23], $0x1  }
0xa4: {  	[sflag:s23] =	ssyncset.done $0x0  }
0xa5: {  	s25 =	simm.s32 $0x1B8E;
	s24 =	sld [smem:$0x3FFE];
	[sflag:s23] =	ssyncadd.s32 $0xFFFFFFFF  }
0xa6: {  	s26 =	simm.s32 $execute0_lowered;
	[smem:$0x3FD2] =	sst s25  }
0xa7: {  	s6 =	sshll.u32 s26, $0x1;
	_ =	strace $0x80000046;
	[dreg:$0x1] =	wrdreg $0xFFFFFFFF  }
0xa8: {  	s28 =	simm.s32 $_size_execute0_lowered;
	s4 =	sadd.s32 s4, s6;
	[dreg:$0x0] =	wrdreg $0x0  }
0xa9: {  	s6 =	sshll.u32 s28, $0x1;
	[dreg:$0x2] =	wrdreg s4  }
0xaa: {  	[dreg:$0x3] =	wrdreg s6  }
0xab: {  	[dreg:$0x4] =	wrdreg $0xC0  }
0xac: {  	_ =	task [dreg:s8], $0x5FFFF  }
0xad: {  	[dreg:$0x1] =	wrdreg $0xFFFFFFFF  }
0xae: {  	[dreg:$0x0] =	wrdreg $0x60  }
0xaf: {  	[dreg:$0x2] =	wrdreg s2  }
0xb0: {  	[dreg:$0x3] =	wrdreg s24  }
0xb1: {  	[dreg:$0x4] =	wrdreg s18  }
0xb2: {  	[dreg:$0x5] =	wrdreg $0x9  }
0xb3: {  	_ =	task.clear_ibuf [dreg:s8], $0x6FFFF;
	_ =	strace $0x90000046  }
0xb4: {  	s29 =	simm.s32 $0x9;
	_ =	strace $0x80000048  }
0xb5: {  	_ =	swait.ge [sflag:s29], $0x1  }
0xb6: {  	[sflag:s29] =	ssyncadd.s32 $0xFFFFFFFF  }
0xb7: {  	_ =	strace $0x90000048  }
0xb8: {  	_ =	sfence  }
0xb9: {  	s30 =	sld [smem:$0x0];
	_ =	sdelay $0x2  }
0xba: {  	s31 =	sshll.u32 s1, $0xD;
	s1 =	sshrl.u32 s1, $0x2  }
0xbb: {  	s3 =	sand.u32 $0x4000, s31;
	s1 =	sadd.s32 s1, s30  }
0xbc: {  	s0 =	sor.u32 s3, s0;
	s1 =	sshll.u32 s1, $0x11  }
0xbd: {  	s0 =	sor.u32 s1, s0  }
0xbe: {  	s0 =	sadd.s32 $0x8F2B, s0  }
0xbf: {  	[sflag:s0] =	ssyncadd.remote.s32 $0x1  }
0xc0: {  	_ =	sfence.sel $0xFFFF  }
0xc1: {  	[dreg:$0x0] =	wrdreg $0xFFFFFFFF;
	(pc) =	sbr.abs _section_cstart, $3  }
0xc2: {  	[dreg:$0x1] =	wrdreg $0xFFFFFFFF  }
0xc3: {  	_ =	task.clear_ibuf [dreg:s8], $0x2FFFF;
	_ =	strace $0x9FFFFFFF  }
0xc4: {  	(tm) =	ssettm $0x7FFFFFFF  }
0xc5: {  	_ =	shalt  }
tec
execute0_lowered:
.L_overlay_start_1:
0x0: {  	(tag) =	ssettag $0x1  }
0x1: {  	s0 =	srdreg.scid;
	s1 =	rddreg [dreg:$0x0]  }
0x2: {  	s2 =	stileid.u32;
	s6 =	rddreg [dreg:$0x1]  }
0x3: {  	s9 =	simm.s32 $0x2;
	s13 =	simm.s32 $0x1;
	s17 =	simm.s32 $0x100  }
0x4: {  	s18 =	simm.s32 $0x1100;
	s19 =	simm.s32 $0x1900;
	s20 =	simm.s32 $0x2100  }
0x5: {  	s21 =	simm.s32 $0x2900;
	s28 =	simm.s32 $0x5900;
	s29 =	simm.s32 $0x6100  }
0x6: {  	s30 =	simm.s32 $0x6900;
	s31 =	simm.s32 $0x7100;
	s10 =	simm.s32 $0x9100  }
0x7: {  	s11 =	simm.s32 $0x9900;
	s12 =	simm.s32 $0xA100;
	s8 =	simm.s32 $0xA900  }
0x8: {  	s15 =	simm.s32 $0xB100;
	s16 =	simm.s32 $0xB900;
	s0 =	sand.u32 $0x1, s0  }
0x9: {  	s2 =	sshll.u32 s2, $0x7;
	s3 =	sshll.u32 s0, $0x6;
	s0 =	ssub.s32 $0x2, s0  }
0xa: {  	s2 =	sor.u32 s3, s2;
	s3 =	simm.s32 $0x0;
	s25 =	sshrl.u32 s0, $0x1  }
0xb: {  	s4 =	sshrl.u32 s2, $0x3;
	[smem:$0x7FF] =	sst s3;
	s2 =	sshll.u32 s2, $0x4  }
0xc: {  	s0 =	ssub.s32 s0, s25;
	s5 =	smul.u32 $0x300, s4;
	s4 =	sadd.s32 s4, s6  }
0xd: {  	s25 =	simm.s32 $0x4900;
	_ =	strace $0x80000047;
	s22 =	sadd.s32 $0x13200, s4  }
0xe: {  	s2 =	sadd.s32 s2, s6;
	s23 =	sadd.s32 $0x13000, s4;
	[dreg:$0x5] =	wrdreg s22  }
0xf: {  	s7 =	smax.u32 s0, $0x1;
	s24 =	sadd.s32 $0x3000, s2;
	[dreg:$0x6] =	wrdreg s23  }
0x10: {  	s26 =	sadd.s32 $0xB000, s2;
	s4 =	sadd.s32 $0x13400, s6;
	[dreg:$0x7] =	wrdreg s24  }
0x11: {  	v2 =	vlaneseq.u32;
	s1 =	sadd.s32 s1, s5;
	[dreg:$0x8] =	wrdreg s26;
	s5 =	sadd.s32 $0x13500, s6  }
0x12: {  	vm0 =	vmmov $0xffff;
	v1 =	vshrl.u32 v2, $0x3;
	s6 =	sadd.s32 $0x13600, s6;
	s22 =	simm.s32 $0x3100;
	s23 =	simm.s32 $0x3900  }
0x13: {  	v0 =	vand.u32 $0x7, v2;
	v2 =	vor.u32 $0x8, v2;
	v1 =	vmul.u32 $0x8, v1;
	s24 =	simm.s32 $0x4100;
	s26 =	simm.s32 $0x5100;
	[dreg:$0x4] =	wrdreg s1  }
.LBB2_1:
0x14: {  	s14 =	rddreg [dreg:$0x4]  }
0x15: {  	[tilespmem:s17], [sflag:$0x2] =	stream.linear.gather [hbm4b:s14+s3], $0xC000, $0x38;
	[tilespmem:$0x10100] =	vst v63  }
0x16: {  	_ =	swait.ge [sflag:s9], $0xC000  }
0x17: {  	[sflag:s9] =	ssyncset.done $0x0  }
0x18: {  	s1 =	rddreg [dreg:$0x5];
	[sflag:s9] =	ssyncadd.s32 $0xFFFF4000  }
0x19: {  	[tilespmem:s3], [sflag:$0x2] =	stream.linear.gather [hbm4b:s1+s3], $0x40, $0x38;
	[tilespmem:$0x10100] =	vst v63  }
0x1a: {  	_ =	swait.ge [sflag:s9], $0x40  }
0x1b: {  	[sflag:s9] =	ssyncset.done $0x0  }
0x1c: {  	s0 =	simm.s32 $0x80;
	s2 =	rddreg [dreg:$0x6];
	[sflag:s9] =	ssyncadd.s32 $0xFFFFFFC0  }
0x1d: {  	[tilespmem:s0], [sflag:$0x2] =	stream.linear.gather [hbm4b:s2+s3], $0x40, $0x38;
	[tilespmem:$0x10100] =	vst v63  }
0x1e: {  	_ =	swait.ge [sflag:s9], $0x40  }
0x1f: {  	[sflag:s9] =	ssyncset.done $0x0  }
0x20: {  	s2 =	simm.s32 $0xC100;
	s1 =	rddreg [dreg:$0x7];
	[sflag:s9] =	ssyncadd.s32 $0xFFFFFFC0  }
0x21: {  	[tilespmem:s2], [sflag:$0x2] =	stream.linear.gather [hbm4b:s1+s3], $0x2000, $0x38;
	[tilespmem:$0x10100] =	vst v63  }
0x22: {  	_ =	swait.ge [sflag:s9], $0x2000  }
0x23: {  	[sflag:s9] =	ssyncset.done $0x0  }
0x24: {  	s1 =	simm.s32 $0xE100;
	s0 =	rddreg [dreg:$0x8];
	[sflag:s9] =	ssyncadd.s32 $0xFFFFE000  }
0x25: {  	[tilespmem:s1], [sflag:$0x2] =	stream.linear.gather [hbm4b:s0+s3], $0x2000, $0x38;
	[tilespmem:$0x10100] =	vst v63  }
0x26: {  	_ =	swait.ge [sflag:s9], $0x2000  }
0x27: {  	[sflag:s9] =	ssyncset.done $0x0  }
0x28: {  	[sflag:s9] =	ssyncadd.s32 $0xFFFFE000  }
0x29: {  	v3 =	vld [tilespmem:$0x0];
	_ =	sdelay $0x4  }
0x2a: {  	v4 =	vshrl.u32 v3, $0x3  }
0x2b: {  	v4 =	vmul.u32 $0x30, v4  }
0x2c: {  	v3 =	vand.u32 $0x7, v3  }
0x2d: {  	v3 =	vor.u32 v3, v4  }
0x2e: {  	v4 =	vperm.xlane v3, v0;
	_ =	sdelay $0x1  }
0x2f: {  	v4 =	vadd.s32 v1, v4;
	_ =	sdelay $0x3  }
0x30: {  	v3 =	vperm.xlane v3, v2  }
0x31: {  	[hbm4b:s4+s3] =	stream.indirect_vreg.scatter [tilespmem:s17], [sflag:$0x1], $0x80, v4, vm0, $0xb8;
	[tilespmem:$0x10100] =	vst v63  }
0x32: {  	s14 =	simm.s32 $0x900;
	v3 =	vadd.s32 v1, v3  }
0x33: {  	[hbm4b:s5+s3] =	stream.indirect_vreg.scatter [tilespmem:s14], [sflag:$0x1], $0x80, v4, vm0, $0xb8;
	[tilespmem:$0x10100] =	vst v63  }
0x34: {  	_ = 	snop  }
0x35: {  	[hbm4b:s6+s3] =	stream.indirect_vreg.scatter [tilespmem:s18], [sflag:$0x1], $0x80, v4, vm0, $0xb8;
	[tilespmem:$0x10100] =	vst v63  }
0x36: {  	_ = 	snop  }
0x37: {  	[hbm4b:s4+s3] =	stream.indirect_vreg.scatter [tilespmem:s19], [sflag:$0x1], $0x80, v3, vm0, $0xb8;
	[tilespmem:$0x10100] =	vst v63  }
0x38: {  	_ = 	snop  }
0x39: {  	[hbm4b:s5+s3] =	stream.indirect_vreg.scatter [tilespmem:s20], [sflag:$0x1], $0x80, v3, vm0, $0xb8;
	[tilespmem:$0x10100] =	vst v63  }
0x3a: {  	_ = 	snop  }
0x3b: {  	[hbm4b:s6+s3] =	stream.indirect_vreg.scatter [tilespmem:s21], [sflag:$0x1], $0x80, v3, vm0, $0xb8;
	[tilespmem:$0x10100] =	vst v63  }
0x3c: {  	v3 =	vld [tilespmem:$0x10];
	_ =	sdelay $0x4  }
0x3d: {  	v57 =	vshrl.u32 v3, $0x3  }
0x3e: {  	v4 =	vmul.u32 $0x30, v57  }
0x3f: {  	v3 =	vand.u32 $0x7, v3  }
0x40: {  	v3 =	vor.u32 v3, v4  }
0x41: {  	v4 =	vperm.xlane v3, v0;
	_ =	sdelay $0x1  }
0x42: {  	v4 =	vadd.s32 v1, v4;
	_ =	sdelay $0x3  }
0x43: {  	v3 =	vperm.xlane v3, v2  }
0x44: {  	[hbm4b:s4+s3] =	stream.indirect_vreg.scatter [tilespmem:s22], [sflag:$0x1], $0x80, v4, vm0, $0xb8;
	[tilespmem:$0x10100] =	vst v63  }
0x45: {  	v3 =	vadd.s32 v1, v3  }
0x46: {  	[hbm4b:s5+s3] =	stream.indirect_vreg.scatter [tilespmem:s23], [sflag:$0x1], $0x80, v4, vm0, $0xb8;
	[tilespmem:$0x10100] =	vst v63  }
0x47: {  	_ = 	snop  }
0x48: {  	[hbm4b:s6+s3] =	stream.indirect_vreg.scatter [tilespmem:s24], [sflag:$0x1], $0x80, v4, vm0, $0xb8;
	[tilespmem:$0x10100] =	vst v63  }
0x49: {  	_ = 	snop  }
0x4a: {  	[hbm4b:s4+s3] =	stream.indirect_vreg.scatter [tilespmem:s25], [sflag:$0x1], $0x80, v3, vm0, $0xb8;
	[tilespmem:$0x10100] =	vst v63  }
0x4b: {  	_ = 	snop  }
0x4c: {  	[hbm4b:s5+s3] =	stream.indirect_vreg.scatter [tilespmem:s26], [sflag:$0x1], $0x80, v3, vm0, $0xb8;
	[tilespmem:$0x10100] =	vst v63  }
0x4d: {  	_ = 	snop  }
0x4e: {  	[hbm4b:s6+s3] =	stream.indirect_vreg.scatter [tilespmem:s28], [sflag:$0x1], $0x80, v3, vm0, $0xb8;
	[tilespmem:$0x10100] =	vst v63  }
0x4f: {  	v3 =	vld [tilespmem:$0x20];
	_ =	sdelay $0x4  }
0x50: {  	v58 =	vshrl.u32 v3, $0x3  }
0x51: {  	v4 =	vmul.u32 $0x30, v58  }
0x52: {  	v3 =	vand.u32 $0x7, v3  }
0x53: {  	v3 =	vor.u32 v3, v4  }
0x54: {  	v4 =	vperm.xlane v3, v0;
	_ =	sdelay $0x1  }
0x55: {  	v4 =	vadd.s32 v1, v4;
	_ =	sdelay $0x3  }
0x56: {  	v3 =	vperm.xlane v3, v2  }
0x57: {  	[hbm4b:s4+s3] =	stream.indirect_vreg.scatter [tilespmem:s29], [sflag:$0x1], $0x80, v4, vm0, $0xb8;
	[tilespmem:$0x10100] =	vst v63  }
0x58: {  	v3 =	vadd.s32 v1, v3  }
0x59: {  	[hbm4b:s5+s3] =	stream.indirect_vreg.scatter [tilespmem:s30], [sflag:$0x1], $0x80, v4, vm0, $0xb8;
	[tilespmem:$0x10100] =	vst v63  }
0x5a: {  	_ = 	snop  }
0x5b: {  	[hbm4b:s6+s3] =	stream.indirect_vreg.scatter [tilespmem:s31], [sflag:$0x1], $0x80, v4, vm0, $0xb8;
	[tilespmem:$0x10100] =	vst v63  }
0x5c: {  	s1 =	simm.s32 $0x7900  }
0x5d: {  	[hbm4b:s4+s3] =	stream.indirect_vreg.scatter [tilespmem:s1], [sflag:$0x1], $0x80, v3, vm0, $0xb8;
	[tilespmem:$0x10100] =	vst v63  }
0x5e: {  	s0 =	simm.s32 $0x8100  }
0x5f: {  	[hbm4b:s5+s3] =	stream.indirect_vreg.scatter [tilespmem:s0], [sflag:$0x1], $0x80, v3, vm0, $0xb8;
	[tilespmem:$0x10100] =	vst v63  }
0x60: {  	s2 =	simm.s32 $0x8900  }
0x61: {  	[hbm4b:s6+s3] =	stream.indirect_vreg.scatter [tilespmem:s2], [sflag:$0x1], $0x80, v3, vm0, $0xb8;
	[tilespmem:$0x10100] =	vst v63  }
0x62: {  	v3 =	vld [tilespmem:$0x30];
	_ =	sdelay $0x4  }
0x63: {  	v59 =	vshrl.u32 v3, $0x3  }
0x64: {  	v4 =	vmul.u32 $0x30, v59  }
0x65: {  	v3 =	vand.u32 $0x7, v3  }
0x66: {  	v3 =	vor.u32 v3, v4  }
0x67: {  	v4 =	vperm.xlane v3, v0;
	_ =	sdelay $0x1  }
0x68: {  	v4 =	vadd.s32 v1, v4;
	_ =	sdelay $0x3  }
0x69: {  	v3 =	vperm.xlane v3, v2  }
0x6a: {  	[hbm4b:s4+s3] =	stream.indirect_vreg.scatter [tilespmem:s10], [sflag:$0x1], $0x80, v4, vm0, $0xb8;
	[tilespmem:$0x10100] =	vst v63  }
0x6b: {  	v3 =	vadd.s32 v1, v3  }
0x6c: {  	[hbm4b:s5+s3] =	stream.indirect_vreg.scatter [tilespmem:s11], [sflag:$0x1], $0x80, v4, vm0, $0xb8;
	[tilespmem:$0x10100] =	vst v63  }
0x6d: {  	_ = 	snop  }
0x6e: {  	[hbm4b:s6+s3] =	stream.indirect_vreg.scatter [tilespmem:s12], [sflag:$0x1], $0x80, v4, vm0, $0xb8;
	[tilespmem:$0x10100] =	vst v63  }
0x6f: {  	_ = 	snop  }
0x70: {  	[hbm4b:s4+s3] =	stream.indirect_vreg.scatter [tilespmem:s8], [sflag:$0x1], $0x80, v3, vm0, $0xb8;
	[tilespmem:$0x10100] =	vst v63  }
0x71: {  	_ = 	snop  }
0x72: {  	[hbm4b:s5+s3] =	stream.indirect_vreg.scatter [tilespmem:s15], [sflag:$0x1], $0x80, v3, vm0, $0xb8;
	[tilespmem:$0x10100] =	vst v63  }
0x73: {  	_ = 	snop  }
0x74: {  	[hbm4b:s6+s3] =	stream.indirect_vreg.scatter [tilespmem:s16], [sflag:$0x1], $0x80, v3, vm0, $0xb8;
	[tilespmem:$0x10100] =	vst v63  }
0x75: {  	v3 =	vld [tilespmem:$0x80];
	_ =	sdelay $0x4  }
0x76: {  	v60 =	vshrl.u32 v3, $0x3  }
0x77: {  	v4 =	vmul.u32 $0x30, v60  }
0x78: {  	v3 =	vand.u32 $0x7, v3  }
0x79: {  	v3 =	vor.u32 v3, v4  }
0x7a: {  	v4 =	vperm.xlane v3, v0;
	_ =	sdelay $0x1  }
0x7b: {  	v4 =	vadd.s32 v1, v4;
	_ =	sdelay $0x3  }
0x7c: {  	v3 =	vperm.xlane v3, v2  }
0x7d: {  	[hbm4b:s4+s3] =	stream.indirect_vreg.scatter [tilespmem:s17], [sflag:$0x1], $0x80, v4, vm0, $0xb8;
	[tilespmem:$0x10100] =	vst v63  }
0x7e: {  	v3 =	vadd.s32 v1, v3  }
0x7f: {  	[hbm4b:s5+s3] =	stream.indirect_vreg.scatter [tilespmem:s14], [sflag:$0x1], $0x80, v4, vm0, $0xb8;
	[tilespmem:$0x10100] =	vst v63  }
0x80: {  	_ = 	snop  }
0x81: {  	[hbm4b:s6+s3] =	stream.indirect_vreg.scatter [tilespmem:s18], [sflag:$0x1], $0x80, v4, vm0, $0xb8;
	[tilespmem:$0x10100] =	vst v63  }
0x82: {  	_ = 	snop  }
0x83: {  	[hbm4b:s4+s3] =	stream.indirect_vreg.scatter [tilespmem:s19], [sflag:$0x1], $0x80, v3, vm0, $0xb8;
	[tilespmem:$0x10100] =	vst v63  }
0x84: {  	_ = 	snop  }
0x85: {  	[hbm4b:s5+s3] =	stream.indirect_vreg.scatter [tilespmem:s20], [sflag:$0x1], $0x80, v3, vm0, $0xb8;
	[tilespmem:$0x10100] =	vst v63  }
0x86: {  	_ = 	snop  }
0x87: {  	[hbm4b:s6+s3] =	stream.indirect_vreg.scatter [tilespmem:s21], [sflag:$0x1], $0x80, v3, vm0, $0xb8;
	[tilespmem:$0x10100] =	vst v63  }
0x88: {  	v3 =	vld [tilespmem:$0x90];
	_ =	sdelay $0x4  }
0x89: {  	v61 =	vshrl.u32 v3, $0x3  }
0x8a: {  	v4 =	vmul.u32 $0x30, v61  }
0x8b: {  	v3 =	vand.u32 $0x7, v3  }
0x8c: {  	v3 =	vor.u32 v3, v4  }
0x8d: {  	v4 =	vperm.xlane v3, v0;
	_ =	sdelay $0x1  }
0x8e: {  	v4 =	vadd.s32 v1, v4;
	_ =	sdelay $0x3  }
0x8f: {  	v3 =	vperm.xlane v3, v2  }
0x90: {  	[hbm4b:s4+s3] =	stream.indirect_vreg.scatter [tilespmem:s22], [sflag:$0x1], $0x80, v4, vm0, $0xb8;
	[tilespmem:$0x10100] =	vst v63  }
0x91: {  	v3 =	vadd.s32 v1, v3  }
0x92: {  	[hbm4b:s5+s3] =	stream.indirect_vreg.scatter [tilespmem:s23], [sflag:$0x1], $0x80, v4, vm0, $0xb8;
	[tilespmem:$0x10100] =	vst v63  }
0x93: {  	_ = 	snop  }
0x94: {  	[hbm4b:s6+s3] =	stream.indirect_vreg.scatter [tilespmem:s24], [sflag:$0x1], $0x80, v4, vm0, $0xb8;
	[tilespmem:$0x10100] =	vst v63  }
0x95: {  	_ = 	snop  }
0x96: {  	[hbm4b:s4+s3] =	stream.indirect_vreg.scatter [tilespmem:s25], [sflag:$0x1], $0x80, v3, vm0, $0xb8;
	[tilespmem:$0x10100] =	vst v63  }
0x97: {  	_ = 	snop  }
0x98: {  	[hbm4b:s5+s3] =	stream.indirect_vreg.scatter [tilespmem:s26], [sflag:$0x1], $0x80, v3, vm0, $0xb8;
	[tilespmem:$0x10100] =	vst v63  }
0x99: {  	_ = 	snop  }
0x9a: {  	[hbm4b:s6+s3] =	stream.indirect_vreg.scatter [tilespmem:s28], [sflag:$0x1], $0x80, v3, vm0, $0xb8;
	[tilespmem:$0x10100] =	vst v63  }
0x9b: {  	v3 =	vld [tilespmem:$0xA0];
	_ =	sdelay $0x4  }
0x9c: {  	v62 =	vshrl.u32 v3, $0x3  }
0x9d: {  	v4 =	vmul.u32 $0x30, v62  }
0x9e: {  	v3 =	vand.u32 $0x7, v3  }
0x9f: {  	v3 =	vor.u32 v3, v4  }
0xa0: {  	v4 =	vperm.xlane v3, v0;
	_ =	sdelay $0x1  }
0xa1: {  	v4 =	vadd.s32 v1, v4;
	_ =	sdelay $0x3  }
0xa2: {  	v3 =	vperm.xlane v3, v2  }
0xa3: {  	[hbm4b:s4+s3] =	stream.indirect_vreg.scatter [tilespmem:s29], [sflag:$0x1], $0x80, v4, vm0, $0xb8;
	[tilespmem:$0x10100] =	vst v63  }
0xa4: {  	v3 =	vadd.s32 v1, v3  }
0xa5: {  	[hbm4b:s5+s3] =	stream.indirect_vreg.scatter [tilespmem:s30], [sflag:$0x1], $0x80, v4, vm0, $0xb8;
	[tilespmem:$0x10100] =	vst v63  }
0xa6: {  	_ = 	snop  }
0xa7: {  	[hbm4b:s6+s3] =	stream.indirect_vreg.scatter [tilespmem:s31], [sflag:$0x1], $0x80, v4, vm0, $0xb8;
	[tilespmem:$0x10100] =	vst v63  }
0xa8: {  	_ = 	snop  }
0xa9: {  	[hbm4b:s4+s3] =	stream.indirect_vreg.scatter [tilespmem:s1], [sflag:$0x1], $0x80, v3, vm0, $0xb8;
	[tilespmem:$0x10100] =	vst v63  }
0xaa: {  	_ = 	snop  }
0xab: {  	[hbm4b:s5+s3] =	stream.indirect_vreg.scatter [tilespmem:s0], [sflag:$0x1], $0x80, v3, vm0, $0xb8;
	[tilespmem:$0x10100] =	vst v63  }
0xac: {  	_ = 	snop  }
0xad: {  	[hbm4b:s6+s3] =	stream.indirect_vreg.scatter [tilespmem:s2], [sflag:$0x1], $0x80, v3, vm0, $0xb8;
	[tilespmem:$0x10100] =	vst v63  }
0xae: {  	v3 =	vld [tilespmem:$0xB0];
	_ =	sdelay $0x4  }
0xaf: {  	v63 =	vshrl.u32 v3, $0x3  }
0xb0: {  	v4 =	vmul.u32 $0x30, v63  }
0xb1: {  	v3 =	vand.u32 $0x7, v3  }
0xb2: {  	v3 =	vor.u32 v3, v4  }
0xb3: {  	v4 =	vperm.xlane v3, v0;
	_ =	sdelay $0x1  }
0xb4: {  	v4 =	vadd.s32 v1, v4;
	_ =	sdelay $0x3  }
0xb5: {  	v3 =	vperm.xlane v3, v2  }
0xb6: {  	[hbm4b:s4+s3] =	stream.indirect_vreg.scatter [tilespmem:s10], [sflag:$0x1], $0x80, v4, vm0, $0xb8;
	[tilespmem:$0x10100] =	vst v63  }
0xb7: {  	v3 =	vadd.s32 v1, v3  }
0xb8: {  	[hbm4b:s5+s3] =	stream.indirect_vreg.scatter [tilespmem:s11], [sflag:$0x1], $0x80, v4, vm0, $0xb8;
	[tilespmem:$0x10100] =	vst v63  }
0xb9: {  	_ = 	snop  }
0xba: {  	[hbm4b:s6+s3] =	stream.indirect_vreg.scatter [tilespmem:s12], [sflag:$0x1], $0x80, v4, vm0, $0xb8;
	[tilespmem:$0x10100] =	vst v63  }
0xbb: {  	_ = 	snop  }
0xbc: {  	[hbm4b:s4+s3] =	stream.indirect_vreg.scatter [tilespmem:s8], [sflag:$0x1], $0x80, v3, vm0, $0xb8;
	[tilespmem:$0x10100] =	vst v63  }
0xbd: {  	_ = 	snop  }
0xbe: {  	[hbm4b:s5+s3] =	stream.indirect_vreg.scatter [tilespmem:s15], [sflag:$0x1], $0x80, v3, vm0, $0xb8;
	[tilespmem:$0x10100] =	vst v63  }
0xbf: {  	_ = 	snop  }
0xc0: {  	[hbm4b:s6+s3] =	stream.indirect_vreg.scatter [tilespmem:s16], [sflag:$0x1], $0x80, v3, vm0, $0xb8;
	[tilespmem:$0x10100] =	vst v63  }
0xc1: {  	s14 =	rddreg [dreg:$0x2];
	s0 =	simm.s32 $0x40;
	s2 =	simm.s32 $0xC100  }
0xc2: {  	[hbm4b:s14+s0] =	stream.indirect.scatter [tilespmem:s2], [sflag:$0x1], $0x80, s3, s0, $0xb8;
	[tilespmem:$0x10100] =	vst v63  }
0xc3: {  	s1 =	simm.s32 $0x80;
	s2 =	simm.s32 $0xE100  }
0xc4: {  	[hbm4b:s14+s0] =	stream.indirect.scatter [tilespmem:s2], [sflag:$0x1], $0x80, s1, s0, $0xb8;
	[tilespmem:$0x10100] =	vst v63  }
0xc5: {  	_ =	swait.ge [sflag:s13], $0xC000  }
0xc6: {  	[sflag:s13] =	ssyncset.done $0x0  }
0xc7: {  	[sflag:s13] =	ssyncadd.s32 $0xFFFF4000  }
0xc8: {  	_ =	swait.ge [sflag:s13], $0xC000  }
0xc9: {  	[sflag:s13] =	ssyncset.done $0x0  }
0xca: {  	[sflag:s13] =	ssyncadd.s32 $0xFFFF4000  }
0xcb: {  	p0 =	sne.s32 s7, $0x1;
	_ =	swait.ge [sflag:s13], $0x2000  }
.Ltmp0:
0xcc: {  	[sflag:s13] =	ssyncset.done $0x0;
	(pc) =	sbr.rel @p0 .LBB2_1-.Ltmp0, $4  }
0xcd: {  	[sflag:s13] =	ssyncadd.s32 $0xFFFFE000  }
0xce: {  	_ =	swait.ge [sflag:s13], $0x2000  }
0xcf: {  	[sflag:s13] =	ssyncset.done $0x0  }
0xd0: {  	s7 =	sadd.s32 $0xFFFFFFFF, s7;
	[sflag:s13] =	ssyncadd.s32 $0xFFFFE000  }
0xd1: {  	_ =	sfence.sel $0x180000  }
0xd2: {  	[bflag:$0x0] =	sbarrier.arrive $0xFFFF  }
0xd3: {  	_ =	strace $0x90000047  }
0xd4: {  	s0 =	stileid.u32;
	[bflag:$0x2] =	sbarrier.arrive $0xFFFF  }
0xd5: {  	p0 =	sne.s32 s0, $0x0;
	s0 =	rddreg [dreg:$0x3]  }
0xd6: {  	s0 =	sadd.s32 @!p0 $0x100000, s0  }
0xd7: {  	[sflag:s0] =	ssyncadd.tile.s32 @!p0 $0x1;
	_ =	shalt  }
.Lfunc_end2:
_tile_overlayer_lowered:
.L_overlay_start_2:
0xd8: {  	(tag) =	ssettag $0x2  }
0xd9: {  	s0 =	rddreg [dreg:$0x0];
	s2 =	stileid.u32  }
0xda: {  	s1 =	rddreg [dreg:$0x1];
	p0 =	sne.s32 s2, $0x0  }
0xdb: {  	s3 =	rddreg [dreg:$0x2];
	[bflag:$0x3] =	sbarrier.arrive $0xFFFF;
	s2 =	simm.s32 @!p0 $0x1C02  }
0xdc: {  	[timem:s3], [sflag:s2] =	dma.local @!p0 [hbm:s0], s1  }
0xdd: {  	s0 =	simm.s32 @!p0 $0x2  }
0xde: {  	_ =	swait.ge @!p0 [sflag:s0], s1  }
0xdf: {  	s1 =	ssub.s32 @!p0 $0x0, s1;
	[sflag:s0] =	ssyncset.done @!p0 $0x0  }
0xe0: {  	[sflag:s0] =	ssyncadd.s32 @!p0 s1  }
0xe1: {  	[bflag:$0x3] =	sbarrier.arrive $0xFFFF  }
0xe2: {  	_ =	shalt  }

</sc_bundles>
